<compile_context>
chip_gen: v7x
topology: tpu7x:2x2x1
jax: 0.10.2.dev20260603
libtpu: 0.0.44.dev20260713+nightly
codegen_flags: <defaults>
</compile_context>

<pallas_src>
import dataclasses

import jax
import jax.numpy as jnp
from jax import lax
from jax.experimental import pallas as pl
from jax.experimental.pallas import tpu as pltpu
from jax.experimental.pallas import tpu_sc as plsc

NC = 2
NS = 16
NW = NC * NS
LANES = 16
CHUNK = 128
PAD_ROWS = 16
MSG_DTYPE = jnp.bfloat16


def _make_sc_aggregate(n, e_pad, d, with_deg, dtype=jnp.float32):
  ew = e_pad // NW
  nch = ew // CHUNK
  assert ew % CHUNK == 0
  assert nch % 8 == 0
  nt = (n // NS) // 8 * 8
  rem = n - NS * nt
  mesh = plsc.VectorSubcoreMesh(core_axis_name="c", subcore_axis_name="s")

  out_type = [jax.ShapeDtypeStruct((NC, n, d), dtype)]
  if with_deg:
    out_type.append(jax.ShapeDtypeStruct((NW, 1, n), jnp.float32))

  R = 4
  M = 8
  scratch = (
      [pltpu.VMEM((CHUNK,), jnp.int32)] * M
      + [pltpu.VMEM((CHUNK,), jnp.int32)] * M
      + [pltpu.VMEM((CHUNK, d), dtype)] * R
      + [pltpu.VMEM_SHARED((n + PAD_ROWS, d), dtype)]
      + [pltpu.SemaphoreType.DMA] * R
      + [pltpu.SemaphoreType.DMA] * R
      + [pltpu.SemaphoreType.DMA] * M
  )
  if with_deg:
    scratch.append(
        pltpu.VMEM((n + PAD_ROWS,), jnp.float32))

  def body(feats_hbm, src_hbm, dst_hbm, *refs):
    refs = list(refs)
    out_hbm = refs.pop(0)
    deg_hbm = refs.pop(0) if with_deg else None
    degloc = refs.pop(-1) if with_deg else None
    srcv = [refs.pop(0) for _ in range(M)]
    dstv = [refs.pop(0) for _ in range(M)]
    rows = [refs.pop(0) for _ in range(R)]
    acc = refs.pop(0)
    gsem = [refs.pop(0) for _ in range(R)]
    ssem = [refs.pop(0) for _ in range(R)]
    isem = [refs.pop(0) for _ in range(M)]
    assert not refs
    rows0 = rows[0]

    cid = lax.axis_index("c")
    tid = lax.axis_index("s")
    wid = cid * NS + tid

    zero16 = jnp.zeros((LANES,), jnp.float32)
    vl = LANES * (4 // jnp.dtype(dtype).itemsize)
    zmsg = jnp.zeros((vl,), dtype)

    @pl.loop(0, CHUNK)
    def _(r):
      for k in range(d // vl):
        rows0[r, pl.ds(k * vl, vl)] = zmsg

    row0 = tid * nt
    for j in range(nt // CHUNK):
      pltpu.sync_copy(rows0, acc.at[pl.ds(row0 + j * CHUNK, CHUNK)])
    tail = nt % CHUNK
    if tail:
      pltpu.sync_copy(rows0.at[pl.ds(0, tail)],
                      acc.at[pl.ds(row0 + nt - tail, tail)])

    @pl.when(tid == NS - 1)
    def _():
      pltpu.sync_copy(rows0.at[pl.ds(0, rem)], acc.at[pl.ds(NS * nt, rem)])

    if with_deg:
      @pl.loop(0, n // LANES)
      def _(i):
        degloc[pl.ds(i * LANES, LANES)] = zero16

    plsc.subcore_barrier()

    ones16 = jnp.full((LANES,), 1.0, jnp.float32)
    base_w = wid * ew

    def idx_descs(c, m):
      base = base_w + c * CHUNK
      return (
          pltpu.make_async_copy(src_hbm.at[pl.ds(base, CHUNK)], srcv[m],
                                isem[m]),
          pltpu.make_async_copy(dst_hbm.at[pl.ds(base, CHUNK)], dstv[m],
                                isem[m]),
      )

    def idx_start(c, m):
      for d_ in idx_descs(c, m):
        d_.start()

    def idx_wait(c, m):
      for d_ in idx_descs(c, m):
        d_.wait()

    def gather_descr(m, b):
      return pltpu.make_async_copy(feats_hbm.at[srcv[m]], rows[b], gsem[b])

    def scatter_descr(m, b):
      return pltpu.make_async_copy(rows[b], acc.at[dstv[m]], ssem[b])

    def deg_update(m):
      if with_deg:
        for j in range(CHUNK // LANES):
          idx = dstv[m][pl.ds(j * LANES, LANES)]
          plsc.addupdate_scatter(degloc, [idx], ones16)

    for j in range(min(6, nch)):
      idx_start(j, j % M)
    idx_wait(0, 0)
    idx_wait(1, 1)
    gather_descr(0, 0).start()
    gather_descr(1, 1).start()

    def step(c, j):
      b = j % R
      m = j % M

      @pl.when(c + 2 < nch)
      def _():
        idx_wait(c + 2, (m + 2) % M)

      gather_descr(m, b).wait()
      scatter_descr(m, b).start(add=True)
      deg_update(m)

      @pl.when(c >= 2)
      def _():
        scatter_descr((m + 2) % M, (b + 2) % R).wait()

      @pl.when(c + 2 < nch)
      def _():
        gather_descr((m + 2) % M, (b + 2) % R).start()

      @pl.when(c + 6 < nch)
      def _():
        idx_start(c + 6, (m + 6) % M)

    assert nch % M == 0
    @pl.loop(0, nch // M)
    def _(i):
      for j in range(M):
        step(M * i + j, j)

    scatter_descr((nch - 2) % M, (nch - 2) % R).wait()
    scatter_descr((nch - 1) % M, (nch - 1) % R).wait()

    plsc.subcore_barrier()

    pltpu.sync_copy(acc.at[pl.ds(row0, nt)], out_hbm.at[cid, pl.ds(row0, nt)])

    @pl.when(tid == NS - 1)
    def _():
      pltpu.sync_copy(acc.at[pl.ds(NS * nt, rem)],
                      out_hbm.at[cid, pl.ds(NS * nt, rem)])

    if with_deg:
      pltpu.sync_copy(degloc.at[pl.ds(0, n)], deg_hbm.at[wid, 0])

  cp = pltpu.CompilerParams()
  if "needs_layout_passes" in pltpu.CompilerParams.__dataclass_fields__:
    cp = dataclasses.replace(cp, needs_layout_passes=False)
  if d % 128 != 0 or jnp.dtype(dtype) != jnp.dtype(jnp.float32):
    cp = dataclasses.replace(cp, use_tc_tiling_on_sc=False)
  return pl.kernel(body, out_type=out_type, mesh=mesh, scratch_types=scratch,
                   compiler_params=cp)


def _tc_layer1(agg_part, deg_part, w1, b1, w2):
  n = agg_part.shape[1]

  def body(aggp_ref, degp_ref, w1_ref, b1_ref, w2_ref, h2_ref, deg_ref):
    dp = degp_ref[...]
    deg = jnp.maximum(jnp.sum(dp, axis=(0, 1)), 1.0)
    deg_col = deg[:, None]
    deg_ref[...] = deg_col
    agg = (aggp_ref[0].astype(jnp.float32)
           + aggp_ref[1].astype(jnp.float32))
    h = agg / deg_col
    h = jnp.dot(h, w1_ref[...], preferred_element_type=jnp.float32)
    h = jnp.maximum(h + b1_ref[...], 0.0)
    h2 = jnp.dot(h, w2_ref[...], preferred_element_type=jnp.float32)
    h2_ref[...] = h2.astype(h2_ref.dtype)

  return pl.pallas_call(
      body,
      out_shape=[
          jax.ShapeDtypeStruct((n, w2.shape[1]), MSG_DTYPE),
          jax.ShapeDtypeStruct((n, 1), jnp.float32),
      ],
  )(agg_part, deg_part, w1, b1, w2)


def _tc_layer2(agg_part, deg_col, b2):
  n = agg_part.shape[1]

  def body(aggp_ref, deg_ref, b2_ref, out_ref):
    agg = aggp_ref[0].astype(jnp.float32) + aggp_ref[1].astype(jnp.float32)
    out_ref[...] = agg / deg_ref[...] + b2_ref[...]

  return pl.pallas_call(
      body,
      out_shape=jax.ShapeDtypeStruct((n, agg_part.shape[2]), jnp.float32),
  )(agg_part, deg_col, b2)


@jax.jit
def kernel(x, edge_index, W1, b1, W2, b2):
  n, d_in = x.shape
  e = edge_index.shape[1]
  ew = e // NW
  ew_pad = -(-ew // (8 * CHUNK)) * (8 * CHUNK)
  pad = ew_pad - ew

  def pad_edges(arr, fill_row):
    arr = arr.astype(jnp.int32).reshape(NW, ew)
    filler = jnp.broadcast_to(fill_row[None, :], (NW, pad))
    return jnp.concatenate([arr, filler], axis=1).reshape(-1)

  idx = jnp.arange(pad, dtype=jnp.int32)
  src = pad_edges(edge_index[0], idx % 64)
  dst = pad_edges(edge_index[1], n + idx % PAD_ROWS)
  e_pad = NW * ew_pad

  x_msg = x.astype(MSG_DTYPE)
  agg1_part, deg_part = _make_sc_aggregate(
      n, e_pad, d_in, True, MSG_DTYPE)(x_msg, src, dst)
  h2, deg_col = _tc_layer1(agg1_part, deg_part, W1, b1.reshape(1, -1), W2)
  (agg2_part,) = _make_sc_aggregate(
      n, e_pad, h2.shape[1], False, MSG_DTYPE)(h2, src, dst)
  return _tc_layer2(agg2_part, deg_col, b2.reshape(1, -1))

# --- scband reference (transcript-rebuilt; emitter-appended) ---
"""Pipeline reference for scband-gcn-35562329210944 (READ-ONLY COPY).

The authoritative reference and input builder live on the scoring server;
editing this copy changes nothing except your own understanding.
"""

import jax, jax.numpy as jnp
import numpy as np

N_NODES = 10000
N_EDGES = 320000
IN_FEATS = 128
N_HIDDEN = 128
N_CLASSES = 64


def setup_inputs(seed: int = 0) -> dict:
    key = jax.random.key(seed)
    k1, k2, k3, k4, k5, k6 = jax.random.split(key, 6)
    x = jax.random.normal(k1, (N_NODES, IN_FEATS), dtype=jnp.float32)
    edge_index = jax.random.randint(k2, (2, N_EDGES), 0, N_NODES, dtype=jnp.int64)
    # layer 0: in_feats -> n_hidden (with activation)
    W1 = jax.random.normal(k3, (IN_FEATS, N_HIDDEN), dtype=jnp.float32) * (1.0 / np.sqrt(IN_FEATS))
    b1 = jax.random.normal(k4, (N_HIDDEN,), dtype=jnp.float32) * 0.01
    # layer 1: n_hidden -> n_classes (no activation)
    W2 = jax.random.normal(k5, (N_HIDDEN, N_CLASSES), dtype=jnp.float32) * (1.0 / np.sqrt(N_HIDDEN))
    b2 = jax.random.normal(k6, (N_CLASSES,), dtype=jnp.float32) * 0.01
    return {"x": x, "edge_index": edge_index, "W1": W1, "b1": b1, "W2": W2, "b2": b2}


def reference(x, edge_index, W1, b1, W2, b2):
    # DGL NodeFlow GCN: per layer: dropout (identity at eval) -> copy_u/mean aggregation -> linear (+activation)
    src = edge_index[0]
    dst = edge_index[1]
    n = x.shape[0]
    e = src.shape[0]
    deg = jax.ops.segment_sum(jnp.ones((e,), dtype=jnp.float32), dst, num_segments=n)
    deg = jnp.maximum(deg, 1.0)[:, None]

    h = x
    # layer 0: mean aggregation -> linear -> relu
    msg = jnp.take(h, src, axis=0)
    agg = jax.ops.segment_sum(msg, dst, num_segments=n)
    h = agg / deg
    h = h @ W1 + b1
    h = jax.nn.relu(h)

    # layer 1: mean aggregation -> linear (no activation)
    msg = jnp.take(h, src, axis=0)
    agg = jax.ops.segment_sum(msg, dst, num_segments=n)
    h = agg / deg
    h = h @ W2 + b2
    return h

if __name__ == "__main__":
    import jax
    _d = setup_inputs()
    print(jax.jit(kernel)(*tuple(_d.values())))

</pallas_src>

<mosaic_0001>
#map = affine_map<(d0, d1) -> (0, 0)>
#map1 = affine_map<(d0, d1) -> (0)>
#map2 = affine_map<(d0, d1) -> (0, 0, 0)>
module attributes {stable_mosaic.version = 14 : i64} {
  func.func @body(%arg0: i32, %arg1: i32, %arg2: memref<10000x128xbf16, #tpu.memory_space<hbm>>, %arg3: memref<327680xi32, #tpu.memory_space<hbm>>, %arg4: memref<327680xi32, #tpu.memory_space<hbm>>, %arg5: memref<2x10000x128xbf16, #tpu.memory_space<hbm>>, %arg6: memref<32x1x10000xf32, #tpu.memory_space<hbm>>, %arg7: memref<128xi32, #tpu.memory_space<vmem>>, %arg8: memref<128xi32, #tpu.memory_space<vmem>>, %arg9: memref<128xi32, #tpu.memory_space<vmem>>, %arg10: memref<128xi32, #tpu.memory_space<vmem>>, %arg11: memref<128xi32, #tpu.memory_space<vmem>>, %arg12: memref<128xi32, #tpu.memory_space<vmem>>, %arg13: memref<128xi32, #tpu.memory_space<vmem>>, %arg14: memref<128xi32, #tpu.memory_space<vmem>>, %arg15: memref<128xi32, #tpu.memory_space<vmem>>, %arg16: memref<128xi32, #tpu.memory_space<vmem>>, %arg17: memref<128xi32, #tpu.memory_space<vmem>>, %arg18: memref<128xi32, #tpu.memory_space<vmem>>, %arg19: memref<128xi32, #tpu.memory_space<vmem>>, %arg20: memref<128xi32, #tpu.memory_space<vmem>>, %arg21: memref<128xi32, #tpu.memory_space<vmem>>, %arg22: memref<128xi32, #tpu.memory_space<vmem>>, %arg23: memref<128x128xbf16, #tpu.memory_space<vmem>>, %arg24: memref<128x128xbf16, #tpu.memory_space<vmem>>, %arg25: memref<128x128xbf16, #tpu.memory_space<vmem>>, %arg26: memref<128x128xbf16, #tpu.memory_space<vmem>>, %arg27: memref<10016x128xbf16, #tpu.memory_space<vmem_shared>>, %arg28: memref<!tpu.dma_semaphore, #tpu.memory_space<semaphore_mem>>, %arg29: memref<!tpu.dma_semaphore, #tpu.memory_space<semaphore_mem>>, %arg30: memref<!tpu.dma_semaphore, #tpu.memory_space<semaphore_mem>>, %arg31: memref<!tpu.dma_semaphore, #tpu.memory_space<semaphore_mem>>, %arg32: memref<!tpu.dma_semaphore, #tpu.memory_space<semaphore_mem>>, %arg33: memref<!tpu.dma_semaphore, #tpu.memory_space<semaphore_mem>>, %arg34: memref<!tpu.dma_semaphore, #tpu.memory_space<semaphore_mem>>, %arg35: memref<!tpu.dma_semaphore, #tpu.memory_space<semaphore_mem>>, %arg36: memref<!tpu.dma_semaphore, #tpu.memory_space<semaphore_mem>>, %arg37: memref<!tpu.dma_semaphore, #tpu.memory_space<semaphore_mem>>, %arg38: memref<!tpu.dma_semaphore, #tpu.memory_space<semaphore_mem>>, %arg39: memref<!tpu.dma_semaphore, #tpu.memory_space<semaphore_mem>>, %arg40: memref<!tpu.dma_semaphore, #tpu.memory_space<semaphore_mem>>, %arg41: memref<!tpu.dma_semaphore, #tpu.memory_space<semaphore_mem>>, %arg42: memref<!tpu.dma_semaphore, #tpu.memory_space<semaphore_mem>>, %arg43: memref<!tpu.dma_semaphore, #tpu.memory_space<semaphore_mem>>, %arg44: memref<10016xf32, #tpu.memory_space<vmem>>) attributes {dimension_semantics = [#tpu.dimension_semantics<core_parallel>, #tpu.dimension_semantics<subcore_parallel>], iteration_bounds = array<i64: 2, 16>, scalar_prefetch = 0 : i64, scratch_operands = 38 : i64, tpu.core_type = #tpu.core_type<sc_vector_subcore>, window_params = [{transform_indices = #map}, {transform_indices = #map1}, {transform_indices = #map1}, {transform_indices = #map2}, {transform_indices = #map2}]} {
    %mul3A = arith.constant 16 : i32
    %mul3A_0 = arith.muli %arg0, %mul3A : i32
    %add3A = arith.addi %mul3A_0, %arg1 : i32
    %broadcast_in_dim3A = arith.constant 0.000000e+00 : f32
    %broadcast_in_dim3A_1 = vector.broadcast %broadcast_in_dim3A : f32 to vector<16xf32>
    %broadcast_in_dim3A_2 = arith.constant 0.000000e+00 : bf16
    %broadcast_in_dim3A_3 = vector.broadcast %broadcast_in_dim3A_2 : bf16 to vector<32xbf16>
    %scan3A = arith.constant 0 : i32
    %scan3A_4 = arith.constant 128 : i32
    %scan3A_5 = arith.addi %scan3A, %scan3A_4 : i32
    %scan3A_6 = arith.constant 1 : i32
    scf.for %scan3A_101 = %scan3A to %scan3A_5 step %scan3A_6  : i32 {
      %mul3A_102 = arith.constant 1 : i32
      %mul3A_103 = arith.muli %scan3A_101, %mul3A_102 : i32
      %add3A_104 = arith.constant 0 : i32
      %add3A_105 = arith.addi %add3A_104, %mul3A_103 : i32
      %swap3A = arith.index_cast %add3A_105 : i32 to index
      %swap3A_106 = arith.constant 0 : index
      %swap3A_107 = tpu.vector_load %arg23[%swap3A, %swap3A_106] {strides = array<i32>} : memref<128x128xbf16, #tpu.memory_space<vmem>>, vector<32xbf16>,
      tpu.vector_store %arg23[%swap3A, %swap3A_106], %broadcast_in_dim3A_3 {strides = array<i32>} : memref<128x128xbf16, #tpu.memory_space<vmem>>, vector<32xbf16>,
      %swap3A_108 = arith.index_cast %add3A_105 : i32 to index
      %swap3A_109 = arith.constant 32 : index
      %swap3A_110 = tpu.vector_load %arg23[%swap3A_108, %swap3A_109] {strides = array<i32>} : memref<128x128xbf16, #tpu.memory_space<vmem>>, vector<32xbf16>,
      tpu.vector_store %arg23[%swap3A_108, %swap3A_109], %broadcast_in_dim3A_3 {strides = array<i32>} : memref<128x128xbf16, #tpu.memory_space<vmem>>, vector<32xbf16>,
      %swap3A_111 = arith.index_cast %add3A_105 : i32 to index
      %swap3A_112 = arith.constant 64 : index
      %swap3A_113 = tpu.vector_load %arg23[%swap3A_111, %swap3A_112] {strides = array<i32>} : memref<128x128xbf16, #tpu.memory_space<vmem>>, vector<32xbf16>,
      tpu.vector_store %arg23[%swap3A_111, %swap3A_112], %broadcast_in_dim3A_3 {strides = array<i32>} : memref<128x128xbf16, #tpu.memory_space<vmem>>, vector<32xbf16>,
      %swap3A_114 = arith.index_cast %add3A_105 : i32 to index
      %swap3A_115 = arith.constant 96 : index
      %swap3A_116 = tpu.vector_load %arg23[%swap3A_114, %swap3A_115] {strides = array<i32>} : memref<128x128xbf16, #tpu.memory_space<vmem>>, vector<32xbf16>,
      tpu.vector_store %arg23[%swap3A_114, %swap3A_115], %broadcast_in_dim3A_3 {strides = array<i32>} : memref<128x128xbf16, #tpu.memory_space<vmem>>, vector<32xbf16>,
    }
    %scan3A_7 = arith.constant 128 : i32
    %mul3A_8 = arith.constant 624 : i32
    %mul3A_9 = arith.muli %arg1, %mul3A_8 : i32
    %add3A_10 = arith.constant 0 : i32
    %add3A_11 = arith.addi %mul3A_9, %add3A_10 : i32
    "tpu.region"() ({
      %run_scoped3A_101 = tpu.sem_alloc : memref<!tpu.dma_semaphore, #tpu.memory_space<semaphore_mem>>
      %dma_start3A_102 = arith.constant 0 : i32
      %dma_start3A_103 = tpu.memref_slice %arg27[%add3A_11, %dma_start3A_102] : memref<10016x128xbf16, #tpu.memory_space<vmem_shared>> -> memref<128x128xbf16, #tpu.memory_space<vmem_shared>>
      %dma_start3A_104 = arith.constant 0 : i32
      %dma_start3A_105 = tpu.memref_slice %arg27[%add3A_11, %dma_start3A_104] : memref<10016x128xbf16, #tpu.memory_space<vmem_shared>> -> memref<128x128xbf16, #tpu.memory_space<vmem_shared>>
      tpu.enqueue_dma source(%arg23 : memref<128x128xbf16, #tpu.memory_space<vmem>>) target(%dma_start3A_105 : memref<128x128xbf16, #tpu.memory_space<vmem_shared>>) target_semaphore(%run_scoped3A_101 : memref<!tpu.dma_semaphore, #tpu.memory_space<semaphore_mem>>)
      %dma_wait3A_106 = arith.constant 0 : i32
      %dma_wait3A_107 = tpu.memref_slice %arg27[%add3A_11, %dma_wait3A_106] : memref<10016x128xbf16, #tpu.memory_space<vmem_shared>> -> memref<128x128xbf16, #tpu.memory_space<vmem_shared>>
      %dma_wait3A_108 = arith.constant 0 : i32
      %dma_wait3A_109 = tpu.memref_slice %arg27[%add3A_11, %dma_wait3A_108] : memref<10016x128xbf16, #tpu.memory_space<vmem_shared>> -> memref<128x128xbf16, #tpu.memory_space<vmem_shared>>
      tpu.wait_dma2 semaphore(%run_scoped3A_101 : memref<!tpu.dma_semaphore, #tpu.memory_space<semaphore_mem>>) src(%arg23 : memref<128x128xbf16, #tpu.memory_space<vmem>>) dst(%dma_wait3A_109 : memref<128x128xbf16, #tpu.memory_space<vmem_shared>>)
      tpu.yield
    }) : () -> ()
    %add3A_12 = arith.constant 128 : i32
    %add3A_13 = arith.addi %mul3A_9, %add3A_12 : i32
    "tpu.region"() ({
      %run_scoped3A_101 = tpu.sem_alloc : memref<!tpu.dma_semaphore, #tpu.memory_space<semaphore_mem>>
      %dma_start3A_102 = arith.constant 0 : i32
      %dma_start3A_103 = tpu.memref_slice %arg27[%add3A_13, %dma_start3A_102] : memref<10016x128xbf16, #tpu.memory_space<vmem_shared>> -> memref<128x128xbf16, #tpu.memory_space<vmem_shared>>
      %dma_start3A_104 = arith.constant 0 : i32
      %dma_start3A_105 = tpu.memref_slice %arg27[%add3A_13, %dma_start3A_104] : memref<10016x128xbf16, #tpu.memory_space<vmem_shared>> -> memref<128x128xbf16, #tpu.memory_space<vmem_shared>>
      tpu.enqueue_dma source(%arg23 : memref<128x128xbf16, #tpu.memory_space<vmem>>) target(%dma_start3A_105 : memref<128x128xbf16, #tpu.memory_space<vmem_shared>>) target_semaphore(%run_scoped3A_101 : memref<!tpu.dma_semaphore, #tpu.memory_space<semaphore_mem>>)
      %dma_wait3A_106 = arith.constant 0 : i32
      %dma_wait3A_107 = tpu.memref_slice %arg27[%add3A_13, %dma_wait3A_106] : memref<10016x128xbf16, #tpu.memory_space<vmem_shared>> -> memref<128x128xbf16, #tpu.memory_space<vmem_shared>>
      %dma_wait3A_108 = arith.constant 0 : i32
      %dma_wait3A_109 = tpu.memref_slice %arg27[%add3A_13, %dma_wait3A_108] : memref<10016x128xbf16, #tpu.memory_space<vmem_shared>> -> memref<128x128xbf16, #tpu.memory_space<vmem_shared>>
      tpu.wait_dma2 semaphore(%run_scoped3A_101 : memref<!tpu.dma_semaphore, #tpu.memory_space<semaphore_mem>>) src(%arg23 : memref<128x128xbf16, #tpu.memory_space<vmem>>) dst(%dma_wait3A_109 : memref<128x128xbf16, #tpu.memory_space<vmem_shared>>)
      tpu.yield
    }) : () -> ()
    %add3A_14 = arith.constant 256 : i32
    %add3A_15 = arith.addi %mul3A_9, %add3A_14 : i32
    "tpu.region"() ({
      %run_scoped3A_101 = tpu.sem_alloc : memref<!tpu.dma_semaphore, #tpu.memory_space<semaphore_mem>>
      %dma_start3A_102 = arith.constant 0 : i32
      %dma_start3A_103 = tpu.memref_slice %arg27[%add3A_15, %dma_start3A_102] : memref<10016x128xbf16, #tpu.memory_space<vmem_shared>> -> memref<128x128xbf16, #tpu.memory_space<vmem_shared>>
      %dma_start3A_104 = arith.constant 0 : i32
      %dma_start3A_105 = tpu.memref_slice %arg27[%add3A_15, %dma_start3A_104] : memref<10016x128xbf16, #tpu.memory_space<vmem_shared>> -> memref<128x128xbf16, #tpu.memory_space<vmem_shared>>
      tpu.enqueue_dma source(%arg23 : memref<128x128xbf16, #tpu.memory_space<vmem>>) target(%dma_start3A_105 : memref<128x128xbf16, #tpu.memory_space<vmem_shared>>) target_semaphore(%run_scoped3A_101 : memref<!tpu.dma_semaphore, #tpu.memory_space<semaphore_mem>>)
      %dma_wait3A_106 = arith.constant 0 : i32
      %dma_wait3A_107 = tpu.memref_slice %arg27[%add3A_15, %dma_wait3A_106] : memref<10016x128xbf16, #tpu.memory_space<vmem_shared>> -> memref<128x128xbf16, #tpu.memory_space<vmem_shared>>
      %dma_wait3A_108 = arith.constant 0 : i32
      %dma_wait3A_109 = tpu.memref_slice %arg27[%add3A_15, %dma_wait3A_108] : memref<10016x128xbf16, #tpu.memory_space<vmem_shared>> -> memref<128x128xbf16, #tpu.memory_space<vmem_shared>>
      tpu.wait_dma2 semaphore(%run_scoped3A_101 : memref<!tpu.dma_semaphore, #tpu.memory_space<semaphore_mem>>) src(%arg23 : memref<128x128xbf16, #tpu.memory_space<vmem>>) dst(%dma_wait3A_109 : memref<128x128xbf16, #tpu.memory_space<vmem_shared>>)
      tpu.yield
    }) : () -> ()
    %add3A_16 = arith.constant 384 : i32
    %add3A_17 = arith.addi %mul3A_9, %add3A_16 : i32
    "tpu.region"() ({
      %run_scoped3A_101 = tpu.sem_alloc : memref<!tpu.dma_semaphore, #tpu.memory_space<semaphore_mem>>
      %dma_start3A_102 = arith.constant 0 : i32
      %dma_start3A_103 = tpu.memref_slice %arg27[%add3A_17, %dma_start3A_102] : memref<10016x128xbf16, #tpu.memory_space<vmem_shared>> -> memref<128x128xbf16, #tpu.memory_space<vmem_shared>>
      %dma_start3A_104 = arith.constant 0 : i32
      %dma_start3A_105 = tpu.memref_slice %arg27[%add3A_17, %dma_start3A_104] : memref<10016x128xbf16, #tpu.memory_space<vmem_shared>> -> memref<128x128xbf16, #tpu.memory_space<vmem_shared>>
      tpu.enqueue_dma source(%arg23 : memref<128x128xbf16, #tpu.memory_space<vmem>>) target(%dma_start3A_105 : memref<128x128xbf16, #tpu.memory_space<vmem_shared>>) target_semaphore(%run_scoped3A_101 : memref<!tpu.dma_semaphore, #tpu.memory_space<semaphore_mem>>)
      %dma_wait3A_106 = arith.constant 0 : i32
      %dma_wait3A_107 = tpu.memref_slice %arg27[%add3A_17, %dma_wait3A_106] : memref<10016x128xbf16, #tpu.memory_space<vmem_shared>> -> memref<128x128xbf16, #tpu.memory_space<vmem_shared>>
      %dma_wait3A_108 = arith.constant 0 : i32
      %dma_wait3A_109 = tpu.memref_slice %arg27[%add3A_17, %dma_wait3A_108] : memref<10016x128xbf16, #tpu.memory_space<vmem_shared>> -> memref<128x128xbf16, #tpu.memory_space<vmem_shared>>
      tpu.wait_dma2 semaphore(%run_scoped3A_101 : memref<!tpu.dma_semaphore, #tpu.memory_space<semaphore_mem>>) src(%arg23 : memref<128x128xbf16, #tpu.memory_space<vmem>>) dst(%dma_wait3A_109 : memref<128x128xbf16, #tpu.memory_space<vmem_shared>>)
      tpu.yield
    }) : () -> ()
    %add3A_18 = arith.constant 624 : i32
    %add3A_19 = arith.addi %mul3A_9, %add3A_18 : i32
    %sub3A = arith.constant 112 : i32
    %sub3A_20 = arith.subi %add3A_19, %sub3A : i32
    "tpu.region"() ({
      %run_scoped3A_101 = tpu.sem_alloc : memref<!tpu.dma_semaphore, #tpu.memory_space<semaphore_mem>>
      %dma_start3A_102 = arith.constant 0 : i32
      %dma_start3A_103 = arith.constant 0 : i32
      %dma_start3A_104 = tpu.memref_slice %arg23[%dma_start3A_102, %dma_start3A_103] : memref<128x128xbf16, #tpu.memory_space<vmem>> -> memref<112x128xbf16, #tpu.memory_space<vmem>>
      %dma_start3A_105 = arith.constant 0 : i32
      %dma_start3A_106 = tpu.memref_slice %arg27[%sub3A_20, %dma_start3A_105] : memref<10016x128xbf16, #tpu.memory_space<vmem_shared>> -> memref<112x128xbf16, #tpu.memory_space<vmem_shared>>
      %dma_start3A_107 = arith.constant 0 : i32
      %dma_start3A_108 = tpu.memref_slice %arg27[%sub3A_20, %dma_start3A_107] : memref<10016x128xbf16, #tpu.memory_space<vmem_shared>> -> memref<112x128xbf16, #tpu.memory_space<vmem_shared>>
      %dma_start3A_109 = arith.constant 0 : i32
      %dma_start3A_110 = arith.constant 0 : i32
      %dma_start3A_111 = tpu.memref_slice %arg23[%dma_start3A_109, %dma_start3A_110] : memref<128x128xbf16, #tpu.memory_space<vmem>> -> memref<112x128xbf16, #tpu.memory_space<vmem>>
      tpu.enqueue_dma source(%dma_start3A_111 : memref<112x128xbf16, #tpu.memory_space<vmem>>) target(%dma_start3A_108 : memref<112x128xbf16, #tpu.memory_space<vmem_shared>>) target_semaphore(%run_scoped3A_101 : memref<!tpu.dma_semaphore, #tpu.memory_space<semaphore_mem>>)
      %dma_wait3A_112 = arith.constant 0 : i32
      %dma_wait3A_113 = arith.constant 0 : i32
      %dma_wait3A_114 = tpu.memref_slice %arg23[%dma_wait3A_112, %dma_wait3A_113] : memref<128x128xbf16, #tpu.memory_space<vmem>> -> memref<112x128xbf16, #tpu.memory_space<vmem>>
      %dma_wait3A_115 = arith.constant 0 : i32
      %dma_wait3A_116 = tpu.memref_slice %arg27[%sub3A_20, %dma_wait3A_115] : memref<10016x128xbf16, #tpu.memory_space<vmem_shared>> -> memref<112x128xbf16, #tpu.memory_space<vmem_shared>>
      %dma_wait3A_117 = arith.constant 0 : i32
      %dma_wait3A_118 = tpu.memref_slice %arg27[%sub3A_20, %dma_wait3A_117] : memref<10016x128xbf16, #tpu.memory_space<vmem_shared>> -> memref<112x128xbf16, #tpu.memory_space<vmem_shared>>
      %dma_wait3A_119 = arith.constant 0 : i32
      %dma_wait3A_120 = arith.constant 0 : i32
      %dma_wait3A_121 = tpu.memref_slice %arg23[%dma_wait3A_119, %dma_wait3A_120] : memref<128x128xbf16, #tpu.memory_space<vmem>> -> memref<112x128xbf16, #tpu.memory_space<vmem>>
      tpu.wait_dma2 semaphore(%run_scoped3A_101 : memref<!tpu.dma_semaphore, #tpu.memory_space<semaphore_mem>>) src(%dma_wait3A_121 : memref<112x128xbf16, #tpu.memory_space<vmem>>) dst(%dma_wait3A_118 : memref<112x128xbf16, #tpu.memory_space<vmem_shared>>)
      tpu.yield
    }) : () -> ()
    %eq3A = arith.constant 15 : i32
    %eq3A_21 = arith.cmpi eq, %arg1, %eq3A : i32
    %convert_element_type3A = arith.extui %eq3A_21 : i1 to i32
    %cond3A = arith.constant 0 : i32
    %cond3A_22 = arith.cmpi ne, %convert_element_type3A, %cond3A : i32
    scf.if %cond3A_22 {
      "tpu.region"() ({
        %run_scoped3A_101 = tpu.sem_alloc : memref<!tpu.dma_semaphore, #tpu.memory_space<semaphore_mem>>
        %dma_start3A_102 = arith.constant 0 : i32
        %dma_start3A_103 = arith.constant 0 : i32
        %dma_start3A_104 = tpu.memref_slice %arg23[%dma_start3A_102, %dma_start3A_103] : memref<128x128xbf16, #tpu.memory_space<vmem>> -> memref<16x128xbf16, #tpu.memory_space<vmem>>
        %dma_start3A_105 = arith.constant 9984 : i32
        %dma_start3A_106 = arith.constant 0 : i32
        %dma_start3A_107 = tpu.memref_slice %arg27[%dma_start3A_105, %dma_start3A_106] : memref<10016x128xbf16, #tpu.memory_space<vmem_shared>> -> memref<16x128xbf16, #tpu.memory_space<vmem_shared>>
        %dma_start3A_108 = arith.constant 9984 : i32
        %dma_start3A_109 = arith.constant 0 : i32
        %dma_start3A_110 = tpu.memref_slice %arg27[%dma_start3A_108, %dma_start3A_109] : memref<10016x128xbf16, #tpu.memory_space<vmem_shared>> -> memref<16x128xbf16, #tpu.memory_space<vmem_shared>>
        %dma_start3A_111 = arith.constant 0 : i32
        %dma_start3A_112 = arith.constant 0 : i32
        %dma_start3A_113 = tpu.memref_slice %arg23[%dma_start3A_111, %dma_start3A_112] : memref<128x128xbf16, #tpu.memory_space<vmem>> -> memref<16x128xbf16, #tpu.memory_space<vmem>>
        tpu.enqueue_dma source(%dma_start3A_113 : memref<16x128xbf16, #tpu.memory_space<vmem>>) target(%dma_start3A_110 : memref<16x128xbf16, #tpu.memory_space<vmem_shared>>) target_semaphore(%run_scoped3A_101 : memref<!tpu.dma_semaphore, #tpu.memory_space<semaphore_mem>>)
        %dma_wait3A_114 = arith.constant 0 : i32
        %dma_wait3A_115 = arith.constant 0 : i32
        %dma_wait3A_116 = tpu.memref_slice %arg23[%dma_wait3A_114, %dma_wait3A_115] : memref<128x128xbf16, #tpu.memory_space<vmem>> -> memref<16x128xbf16, #tpu.memory_space<vmem>>
        %dma_wait3A_117 = arith.constant 9984 : i32
        %dma_wait3A_118 = arith.constant 0 : i32
        %dma_wait3A_119 = tpu.memref_slice %arg27[%dma_wait3A_117, %dma_wait3A_118] : memref<10016x128xbf16, #tpu.memory_space<vmem_shared>> -> memref<16x128xbf16, #tpu.memory_space<vmem_shared>>
        %dma_wait3A_120 = arith.constant 9984 : i32
        %dma_wait3A_121 = arith.constant 0 : i32
        %dma_wait3A_122 = tpu.memref_slice %arg27[%dma_wait3A_120, %dma_wait3A_121] : memref<10016x128xbf16, #tpu.memory_space<vmem_shared>> -> memref<16x128xbf16, #tpu.memory_space<vmem_shared>>
        %dma_wait3A_123 = arith.constant 0 : i32
        %dma_wait3A_124 = arith.constant 0 : i32
        %dma_wait3A_125 = tpu.memref_slice %arg23[%dma_wait3A_123, %dma_wait3A_124] : memref<128x128xbf16, #tpu.memory_space<vmem>> -> memref<16x128xbf16, #tpu.memory_space<vmem>>
        tpu.wait_dma2 semaphore(%run_scoped3A_101 : memref<!tpu.dma_semaphore, #tpu.memory_space<semaphore_mem>>) src(%dma_wait3A_125 : memref<16x128xbf16, #tpu.memory_space<vmem>>) dst(%dma_wait3A_122 : memref<16x128xbf16, #tpu.memory_space<vmem_shared>>)
        tpu.yield
      }) : () -> ()
    } else {
    }
    %scan3A_23 = arith.constant 0 : i32
    %scan3A_24 = arith.constant 625 : i32
    %scan3A_25 = arith.addi %scan3A_23, %scan3A_24 : i32
    %scan3A_26 = arith.constant 1 : i32
    scf.for %scan3A_101 = %scan3A_23 to %scan3A_25 step %scan3A_26  : i32 {
      %mul3A_102 = arith.constant 1 : i32
      %mul3A_103 = arith.muli %scan3A_101, %mul3A_102 : i32
      %add3A_104 = arith.constant 0 : i32
      %add3A_105 = arith.addi %add3A_104, %mul3A_103 : i32
      %mul3A_106 = arith.constant 16 : i32
      %mul3A_107 = arith.muli %add3A_105, %mul3A_106 : i32
      %swap3A = arith.index_cast %mul3A_107 : i32 to index
      %swap3A_108 = tpu.vector_load %arg44[%swap3A] {strides = array<i32>} : memref<10016xf32, #tpu.memory_space<vmem>>, vector<16xf32>,
      tpu.vector_store %arg44[%swap3A], %broadcast_in_dim3A_1 {strides = array<i32>} : memref<10016xf32, #tpu.memory_space<vmem>>, vector<16xf32>,
    }
    %scan3A_27 = arith.constant 625 : i32
    %barrier3A = arith.constant 0 : index
    tpu.barrier barrier_id(%barrier3A)
    %broadcast_in_dim3A_28 = arith.constant 1.000000e+00 : f32
    %broadcast_in_dim3A_29 = vector.broadcast %broadcast_in_dim3A_28 : f32 to vector<16xf32>
    %mul3A_30 = arith.constant 10240 : i32
    %mul3A_31 = arith.muli %add3A, %mul3A_30 : i32
    %add3A_32 = arith.constant 0 : i32
    %add3A_33 = arith.addi %mul3A_31, %add3A_32 : i32
    %dma_start3A = tpu.memref_slice %arg3[%add3A_33] : memref<327680xi32, #tpu.memory_space<hbm>> -> memref<128xi32, #tpu.memory_space<hbm>>
    %dma_start3A_34 = tpu.memref_slice %arg3[%add3A_33] : memref<327680xi32, #tpu.memory_space<hbm>> -> memref<128xi32, #tpu.memory_space<hbm>>
    tpu.enqueue_dma source(%dma_start3A_34 : memref<128xi32, #tpu.memory_space<hbm>>) target(%arg7 : memref<128xi32, #tpu.memory_space<vmem>>) target_semaphore(%arg36 : memref<!tpu.dma_semaphore, #tpu.memory_space<semaphore_mem>>)
    %dma_start3A_35 = tpu.memref_slice %arg4[%add3A_33] : memref<327680xi32, #tpu.memory_space<hbm>> -> memref<128xi32, #tpu.memory_space<hbm>>
    %dma_start3A_36 = tpu.memref_slice %arg4[%add3A_33] : memref<327680xi32, #tpu.memory_space<hbm>> -> memref<128xi32, #tpu.memory_space<hbm>>
    tpu.enqueue_dma source(%dma_start3A_36 : memref<128xi32, #tpu.memory_space<hbm>>) target(%arg15 : memref<128xi32, #tpu.memory_space<vmem>>) target_semaphore(%arg36 : memref<!tpu.dma_semaphore, #tpu.memory_space<semaphore_mem>>)
    %add3A_37 = arith.constant 128 : i32
    %add3A_38 = arith.addi %mul3A_31, %add3A_37 : i32
    %dma_start3A_39 = tpu.memref_slice %arg3[%add3A_38] : memref<327680xi32, #tpu.memory_space<hbm>> -> memref<128xi32, #tpu.memory_space<hbm>>
    %dma_start3A_40 = tpu.memref_slice %arg3[%add3A_38] : memref<327680xi32, #tpu.memory_space<hbm>> -> memref<128xi32, #tpu.memory_space<hbm>>
    tpu.enqueue_dma source(%dma_start3A_40 : memref<128xi32, #tpu.memory_space<hbm>>) target(%arg8 : memref<128xi32, #tpu.memory_space<vmem>>) target_semaphore(%arg37 : memref<!tpu.dma_semaphore, #tpu.memory_space<semaphore_mem>>)
    %dma_start3A_41 = tpu.memref_slice %arg4[%add3A_38] : memref<327680xi32, #tpu.memory_space<hbm>> -> memref<128xi32, #tpu.memory_space<hbm>>
    %dma_start3A_42 = tpu.memref_slice %arg4[%add3A_38] : memref<327680xi32, #tpu.memory_space<hbm>> -> memref<128xi32, #tpu.memory_space<hbm>>
    tpu.enqueue_dma source(%dma_start3A_42 : memref<128xi32, #tpu.memory_space<hbm>>) target(%arg16 : memref<128xi32, #tpu.memory_space<vmem>>) target_semaphore(%arg37 : memref<!tpu.dma_semaphore, #tpu.memory_space<semaphore_mem>>)
    %add3A_43 = arith.constant 256 : i32
    %add3A_44 = arith.addi %mul3A_31, %add3A_43 : i32
    %dma_start3A_45 = tpu.memref_slice %arg3[%add3A_44] : memref<327680xi32, #tpu.memory_space<hbm>> -> memref<128xi32, #tpu.memory_space<hbm>>
    %dma_start3A_46 = tpu.memref_slice %arg3[%add3A_44] : memref<327680xi32, #tpu.memory_space<hbm>> -> memref<128xi32, #tpu.memory_space<hbm>>
    tpu.enqueue_dma source(%dma_start3A_46 : memref<128xi32, #tpu.memory_space<hbm>>) target(%arg9 : memref<128xi32, #tpu.memory_space<vmem>>) target_semaphore(%arg38 : memref<!tpu.dma_semaphore, #tpu.memory_space<semaphore_mem>>)
    %dma_start3A_47 = tpu.memref_slice %arg4[%add3A_44] : memref<327680xi32, #tpu.memory_space<hbm>> -> memref<128xi32, #tpu.memory_space<hbm>>
    %dma_start3A_48 = tpu.memref_slice %arg4[%add3A_44] : memref<327680xi32, #tpu.memory_space<hbm>> -> memref<128xi32, #tpu.memory_space<hbm>>
    tpu.enqueue_dma source(%dma_start3A_48 : memref<128xi32, #tpu.memory_space<hbm>>) target(%arg17 : memref<128xi32, #tpu.memory_space<vmem>>) target_semaphore(%arg38 : memref<!tpu.dma_semaphore, #tpu.memory_space<semaphore_mem>>)
    %add3A_49 = arith.constant 384 : i32
    %add3A_50 = arith.addi %mul3A_31, %add3A_49 : i32
    %dma_start3A_51 = tpu.memref_slice %arg3[%add3A_50] : memref<327680xi32, #tpu.memory_space<hbm>> -> memref<128xi32, #tpu.memory_space<hbm>>
    %dma_start3A_52 = tpu.memref_slice %arg3[%add3A_50] : memref<327680xi32, #tpu.memory_space<hbm>> -> memref<128xi32, #tpu.memory_space<hbm>>
    tpu.enqueue_dma source(%dma_start3A_52 : memref<128xi32, #tpu.memory_space<hbm>>) target(%arg10 : memref<128xi32, #tpu.memory_space<vmem>>) target_semaphore(%arg39 : memref<!tpu.dma_semaphore, #tpu.memory_space<semaphore_mem>>)
    %dma_start3A_53 = tpu.memref_slice %arg4[%add3A_50] : memref<327680xi32, #tpu.memory_space<hbm>> -> memref<128xi32, #tpu.memory_space<hbm>>
    %dma_start3A_54 = tpu.memref_slice %arg4[%add3A_50] : memref<327680xi32, #tpu.memory_space<hbm>> -> memref<128xi32, #tpu.memory_space<hbm>>
    tpu.enqueue_dma source(%dma_start3A_54 : memref<128xi32, #tpu.memory_space<hbm>>) target(%arg18 : memref<128xi32, #tpu.memory_space<vmem>>) target_semaphore(%arg39 : memref<!tpu.dma_semaphore, #tpu.memory_space<semaphore_mem>>)
    %add3A_55 = arith.constant 512 : i32
    %add3A_56 = arith.addi %mul3A_31, %add3A_55 : i32
    %dma_start3A_57 = tpu.memref_slice %arg3[%add3A_56] : memref<327680xi32, #tpu.memory_space<hbm>> -> memref<128xi32, #tpu.memory_space<hbm>>
    %dma_start3A_58 = tpu.memref_slice %arg3[%add3A_56] : memref<327680xi32, #tpu.memory_space<hbm>> -> memref<128xi32, #tpu.memory_space<hbm>>
    tpu.enqueue_dma source(%dma_start3A_58 : memref<128xi32, #tpu.memory_space<hbm>>) target(%arg11 : memref<128xi32, #tpu.memory_space<vmem>>) target_semaphore(%arg40 : memref<!tpu.dma_semaphore, #tpu.memory_space<semaphore_mem>>)
    %dma_start3A_59 = tpu.memref_slice %arg4[%add3A_56] : memref<327680xi32, #tpu.memory_space<hbm>> -> memref<128xi32, #tpu.memory_space<hbm>>
    %dma_start3A_60 = tpu.memref_slice %arg4[%add3A_56] : memref<327680xi32, #tpu.memory_space<hbm>> -> memref<128xi32, #tpu.memory_space<hbm>>
    tpu.enqueue_dma source(%dma_start3A_60 : memref<128xi32, #tpu.memory_space<hbm>>) target(%arg19 : memref<128xi32, #tpu.memory_space<vmem>>) target_semaphore(%arg40 : memref<!tpu.dma_semaphore, #tpu.memory_space<semaphore_mem>>)
    %add3A_61 = arith.constant 640 : i32
    %add3A_62 = arith.addi %mul3A_31, %add3A_61 : i32
    %dma_start3A_63 = tpu.memref_slice %arg3[%add3A_62] : memref<327680xi32, #tpu.memory_space<hbm>> -> memref<128xi32, #tpu.memory_space<hbm>>
    %dma_start3A_64 = tpu.memref_slice %arg3[%add3A_62] : memref<327680xi32, #tpu.memory_space<hbm>> -> memref<128xi32, #tpu.memory_space<hbm>>
    tpu.enqueue_dma source(%dma_start3A_64 : memref<128xi32, #tpu.memory_space<hbm>>) target(%arg12 : memref<128xi32, #tpu.memory_space<vmem>>) target_semaphore(%arg41 : memref<!tpu.dma_semaphore, #tpu.memory_space<semaphore_mem>>)
    %dma_start3A_65 = tpu.memref_slice %arg4[%add3A_62] : memref<327680xi32, #tpu.memory_space<hbm>> -> memref<128xi32, #tpu.memory_space<hbm>>
    %dma_start3A_66 = tpu.memref_slice %arg4[%add3A_62] : memref<327680xi32, #tpu.memory_space<hbm>> -> memref<128xi32, #tpu.memory_space<hbm>>
    tpu.enqueue_dma source(%dma_start3A_66 : memref<128xi32, #tpu.memory_space<hbm>>) target(%arg20 : memref<128xi32, #tpu.memory_space<vmem>>) target_semaphore(%arg41 : memref<!tpu.dma_semaphore, #tpu.memory_space<semaphore_mem>>)
    %add3A_67 = arith.constant 0 : i32
    %add3A_68 = arith.addi %mul3A_31, %add3A_67 : i32
    %dma_wait3A = tpu.memref_slice %arg3[%add3A_68] : memref<327680xi32, #tpu.memory_space<hbm>> -> memref<128xi32, #tpu.memory_space<hbm>>
    %dma_wait3A_69 = tpu.memref_slice %arg3[%add3A_68] : memref<327680xi32, #tpu.memory_space<hbm>> -> memref<128xi32, #tpu.memory_space<hbm>>
    tpu.wait_dma2 semaphore(%arg36 : memref<!tpu.dma_semaphore, #tpu.memory_space<semaphore_mem>>) src(%dma_wait3A_69 : memref<128xi32, #tpu.memory_space<hbm>>) dst(%arg7 : memref<128xi32, #tpu.memory_space<vmem>>)
    %dma_wait3A_70 = tpu.memref_slice %arg4[%add3A_68] : memref<327680xi32, #tpu.memory_space<hbm>> -> memref<128xi32, #tpu.memory_space<hbm>>
    %dma_wait3A_71 = tpu.memref_slice %arg4[%add3A_68] : memref<327680xi32, #tpu.memory_space<hbm>> -> memref<128xi32, #tpu.memory_space<hbm>>
    tpu.wait_dma2 semaphore(%arg36 : memref<!tpu.dma_semaphore, #tpu.memory_space<semaphore_mem>>) src(%dma_wait3A_71 : memref<128xi32, #tpu.memory_space<hbm>>) dst(%arg15 : memref<128xi32, #tpu.memory_space<vmem>>)
    %add3A_72 = arith.constant 128 : i32
    %add3A_73 = arith.addi %mul3A_31, %add3A_72 : i32
    %dma_wait3A_74 = tpu.memref_slice %arg3[%add3A_73] : memref<327680xi32, #tpu.memory_space<hbm>> -> memref<128xi32, #tpu.memory_space<hbm>>
    %dma_wait3A_75 = tpu.memref_slice %arg3[%add3A_73] : memref<327680xi32, #tpu.memory_space<hbm>> -> memref<128xi32, #tpu.memory_space<hbm>>
    tpu.wait_dma2 semaphore(%arg37 : memref<!tpu.dma_semaphore, #tpu.memory_space<semaphore_mem>>) src(%dma_wait3A_75 : memref<128xi32, #tpu.memory_space<hbm>>) dst(%arg8 : memref<128xi32, #tpu.memory_space<vmem>>)
    %dma_wait3A_76 = tpu.memref_slice %arg4[%add3A_73] : memref<327680xi32, #tpu.memory_space<hbm>> -> memref<128xi32, #tpu.memory_space<hbm>>
    %dma_wait3A_77 = tpu.memref_slice %arg4[%add3A_73] : memref<327680xi32, #tpu.memory_space<hbm>> -> memref<128xi32, #tpu.memory_space<hbm>>
    tpu.wait_dma2 semaphore(%arg37 : memref<!tpu.dma_semaphore, #tpu.memory_space<semaphore_mem>>) src(%dma_wait3A_77 : memref<128xi32, #tpu.memory_space<hbm>>) dst(%arg16 : memref<128xi32, #tpu.memory_space<vmem>>)
    %dma_start3A_78 = arith.constant 0 : i32
    %dma_start3A_79 = arith.constant 0 : i32
    %dma_start3A_80 = tpu.memref_slice %arg2[%dma_start3A_78, %dma_start3A_79] : memref<10000x128xbf16, #tpu.memory_space<hbm>> -> memref<10000x128xbf16, #tpu.memory_space<hbm>>
    tpu.enqueue_indirect_dma source(%dma_start3A_80 : memref<10000x128xbf16, #tpu.memory_space<hbm>>) target(%arg23 : memref<128x128xbf16, #tpu.memory_space<vmem>>) offsets(%arg7 : memref<128xi32, #tpu.memory_space<vmem>>) semaphore(%arg28 : memref<!tpu.dma_semaphore, #tpu.memory_space<semaphore_mem>>)
    %dma_start3A_81 = arith.constant 0 : i32
    %dma_start3A_82 = arith.constant 0 : i32
    %dma_start3A_83 = tpu.memref_slice %arg2[%dma_start3A_81, %dma_start3A_82] : memref<10000x128xbf16, #tpu.memory_space<hbm>> -> memref<10000x128xbf16, #tpu.memory_space<hbm>>
    tpu.enqueue_indirect_dma source(%dma_start3A_83 : memref<10000x128xbf16, #tpu.memory_space<hbm>>) target(%arg24 : memref<128x128xbf16, #tpu.memory_space<vmem>>) offsets(%arg8 : memref<128xi32, #tpu.memory_space<vmem>>) semaphore(%arg29 : memref<!tpu.dma_semaphore, #tpu.memory_space<semaphore_mem>>)
    %scan3A_84 = arith.constant 0 : i32
    %scan3A_85 = arith.constant 10 : i32
    %scan3A_86 = arith.addi %scan3A_84, %scan3A_85 : i32
    %scan3A_87 = arith.constant 1 : i32
    scf.for %scan3A_101 = %scan3A_84 to %scan3A_86 step %scan3A_87  : i32 {
      %mul3A_102 = arith.constant 1 : i32
      %mul3A_103 = arith.muli %scan3A_101, %mul3A_102 : i32
      %add3A_104 = arith.constant 0 : i32
      %add3A_105 = arith.addi %add3A_104, %mul3A_103 : i32
      %mul3A_106 = arith.constant 8 : i32
      %mul3A_107 = arith.muli %mul3A_106, %add3A_105 : i32
      %add3A_108 = arith.constant 0 : i32
      %add3A_109 = arith.addi %mul3A_107, %add3A_108 : i32
      %add3A_110 = arith.constant 2 : i32
      %add3A_111 = arith.addi %add3A_109, %add3A_110 : i32
      %lt3A = arith.constant 80 : i32
      %lt3A_112 = arith.cmpi slt, %add3A_111, %lt3A : i32
      %convert_element_type3A_113 = arith.extui %lt3A_112 : i1 to i32
      %cond3A_114 = arith.constant 0 : i32
      %cond3A_115 = arith.cmpi ne, %convert_element_type3A_113, %cond3A_114 : i32
      scf.if %cond3A_115 {
        %add3A_519 = arith.constant 2 : i32
        %add3A_520 = arith.addi %add3A_109, %add3A_519 : i32
        %mul3A_521 = arith.constant 128 : i32
        %mul3A_522 = arith.muli %add3A_520, %mul3A_521 : i32
        %add3A_523 = arith.addi %mul3A_31, %mul3A_522 : i32
        %dma_wait3A_524 = tpu.memref_slice %arg3[%add3A_523] : memref<327680xi32, #tpu.memory_space<hbm>> -> memref<128xi32, #tpu.memory_space<hbm>>
        %dma_wait3A_525 = tpu.memref_slice %arg3[%add3A_523] : memref<327680xi32, #tpu.memory_space<hbm>> -> memref<128xi32, #tpu.memory_space<hbm>>
        tpu.wait_dma2 semaphore(%arg38 : memref<!tpu.dma_semaphore, #tpu.memory_space<semaphore_mem>>) src(%dma_wait3A_525 : memref<128xi32, #tpu.memory_space<hbm>>) dst(%arg9 : memref<128xi32, #tpu.memory_space<vmem>>)
        %dma_wait3A_526 = tpu.memref_slice %arg4[%add3A_523] : memref<327680xi32, #tpu.memory_space<hbm>> -> memref<128xi32, #tpu.memory_space<hbm>>
        %dma_wait3A_527 = tpu.memref_slice %arg4[%add3A_523] : memref<327680xi32, #tpu.memory_space<hbm>> -> memref<128xi32, #tpu.memory_space<hbm>>
        tpu.wait_dma2 semaphore(%arg38 : memref<!tpu.dma_semaphore, #tpu.memory_space<semaphore_mem>>) src(%dma_wait3A_527 : memref<128xi32, #tpu.memory_space<hbm>>) dst(%arg17 : memref<128xi32, #tpu.memory_space<vmem>>)
      } else {
      }
      %dma_wait3A_116 = arith.constant 0 : i32
      %dma_wait3A_117 = arith.constant 0 : i32
      %dma_wait3A_118 = tpu.memref_slice %arg2[%dma_wait3A_116, %dma_wait3A_117] : memref<10000x128xbf16, #tpu.memory_space<hbm>> -> memref<10000x128xbf16, #tpu.memory_space<hbm>>
      tpu.wait_indirect_dma semaphore(%arg28 : memref<!tpu.dma_semaphore, #tpu.memory_space<semaphore_mem>>) src(%dma_wait3A_118 : memref<10000x128xbf16, #tpu.memory_space<hbm>>) dst(%arg23 : memref<128x128xbf16, #tpu.memory_space<vmem>>)
      %dma_start3A_119 = arith.constant 0 : i32
      %dma_start3A_120 = arith.constant 0 : i32
      %dma_start3A_121 = tpu.memref_slice %arg27[%dma_start3A_119, %dma_start3A_120] : memref<10016x128xbf16, #tpu.memory_space<vmem_shared>> -> memref<10016x128xbf16, #tpu.memory_space<vmem_shared>>
      tpu.enqueue_indirect_dma source(%arg23 : memref<128x128xbf16, #tpu.memory_space<vmem>>) target(%dma_start3A_121 : memref<10016x128xbf16, #tpu.memory_space<vmem_shared>>) offsets(%arg15 : memref<128xi32, #tpu.memory_space<vmem>>) semaphore(%arg32 : memref<!tpu.dma_semaphore, #tpu.memory_space<semaphore_mem>>) {add = true}
      %get3A = arith.constant 0 : index
      %get3A_122 = tpu.vector_load %arg15[%get3A] {strides = array<i32>} : memref<128xi32, #tpu.memory_space<vmem>>, vector<16xi32>,
      tpu.vector_store_idx %arg44[%get3A_122], %broadcast_in_dim3A_29 {add = true} : memref<10016xf32, #tpu.memory_space<vmem>>[vector<16xi32>], vector<16xf32>,
      %get3A_123 = arith.constant 16 : index
      %get3A_124 = tpu.vector_load %arg15[%get3A_123] {strides = array<i32>} : memref<128xi32, #tpu.memory_space<vmem>>, vector<16xi32>,
      tpu.vector_store_idx %arg44[%get3A_124], %broadcast_in_dim3A_29 {add = true} : memref<10016xf32, #tpu.memory_space<vmem>>[vector<16xi32>], vector<16xf32>,
      %get3A_125 = arith.constant 32 : index
      %get3A_126 = tpu.vector_load %arg15[%get3A_125] {strides = array<i32>} : memref<128xi32, #tpu.memory_space<vmem>>, vector<16xi32>,
      tpu.vector_store_idx %arg44[%get3A_126], %broadcast_in_dim3A_29 {add = true} : memref<10016xf32, #tpu.memory_space<vmem>>[vector<16xi32>], vector<16xf32>,
      %get3A_127 = arith.constant 48 : index
      %get3A_128 = tpu.vector_load %arg15[%get3A_127] {strides = array<i32>} : memref<128xi32, #tpu.memory_space<vmem>>, vector<16xi32>,
      tpu.vector_store_idx %arg44[%get3A_128], %broadcast_in_dim3A_29 {add = true} : memref<10016xf32, #tpu.memory_space<vmem>>[vector<16xi32>], vector<16xf32>,
      %get3A_129 = arith.constant 64 : index
      %get3A_130 = tpu.vector_load %arg15[%get3A_129] {strides = array<i32>} : memref<128xi32, #tpu.memory_space<vmem>>, vector<16xi32>,
      tpu.vector_store_idx %arg44[%get3A_130], %broadcast_in_dim3A_29 {add = true} : memref<10016xf32, #tpu.memory_space<vmem>>[vector<16xi32>], vector<16xf32>,
      %get3A_131 = arith.constant 80 : index
      %get3A_132 = tpu.vector_load %arg15[%get3A_131] {strides = array<i32>} : memref<128xi32, #tpu.memory_space<vmem>>, vector<16xi32>,
      tpu.vector_store_idx %arg44[%get3A_132], %broadcast_in_dim3A_29 {add = true} : memref<10016xf32, #tpu.memory_space<vmem>>[vector<16xi32>], vector<16xf32>,
      %get3A_133 = arith.constant 96 : index
      %get3A_134 = tpu.vector_load %arg15[%get3A_133] {strides = array<i32>} : memref<128xi32, #tpu.memory_space<vmem>>, vector<16xi32>,
      tpu.vector_store_idx %arg44[%get3A_134], %broadcast_in_dim3A_29 {add = true} : memref<10016xf32, #tpu.memory_space<vmem>>[vector<16xi32>], vector<16xf32>,
      %get3A_135 = arith.constant 112 : index
      %get3A_136 = tpu.vector_load %arg15[%get3A_135] {strides = array<i32>} : memref<128xi32, #tpu.memory_space<vmem>>, vector<16xi32>,
      tpu.vector_store_idx %arg44[%get3A_136], %broadcast_in_dim3A_29 {add = true} : memref<10016xf32, #tpu.memory_space<vmem>>[vector<16xi32>], vector<16xf32>,
      %ge3A = arith.constant 2 : i32
      %ge3A_137 = arith.cmpi sge, %add3A_109, %ge3A : i32
      %convert_element_type3A_138 = arith.extui %ge3A_137 : i1 to i32
      %cond3A_139 = arith.constant 0 : i32
      %cond3A_140 = arith.cmpi ne, %convert_element_type3A_138, %cond3A_139 : i32
      scf.if %cond3A_140 {
        %dma_wait3A_519 = arith.constant 0 : i32
        %dma_wait3A_520 = arith.constant 0 : i32
        %dma_wait3A_521 = tpu.memref_slice %arg27[%dma_wait3A_519, %dma_wait3A_520] : memref<10016x128xbf16, #tpu.memory_space<vmem_shared>> -> memref<10016x128xbf16, #tpu.memory_space<vmem_shared>>
        tpu.wait_indirect_dma semaphore(%arg34 : memref<!tpu.dma_semaphore, #tpu.memory_space<semaphore_mem>>) src(%arg25 : memref<128x128xbf16, #tpu.memory_space<vmem>>) dst(%dma_wait3A_521 : memref<10016x128xbf16, #tpu.memory_space<vmem_shared>>)
      } else {
      }
      %add3A_141 = arith.constant 2 : i32
      %add3A_142 = arith.addi %add3A_109, %add3A_141 : i32
      %lt3A_143 = arith.constant 80 : i32
      %lt3A_144 = arith.cmpi slt, %add3A_142, %lt3A_143 : i32
      %convert_element_type3A_145 = arith.extui %lt3A_144 : i1 to i32
      %cond3A_146 = arith.constant 0 : i32
      %cond3A_147 = arith.cmpi ne, %convert_element_type3A_145, %cond3A_146 : i32
      scf.if %cond3A_147 {
        %dma_start3A_519 = arith.constant 0 : i32
        %dma_start3A_520 = arith.constant 0 : i32
        %dma_start3A_521 = tpu.memref_slice %arg2[%dma_start3A_519, %dma_start3A_520] : memref<10000x128xbf16, #tpu.memory_space<hbm>> -> memref<10000x128xbf16, #tpu.memory_space<hbm>>
        tpu.enqueue_indirect_dma source(%dma_start3A_521 : memref<10000x128xbf16, #tpu.memory_space<hbm>>) target(%arg25 : memref<128x128xbf16, #tpu.memory_space<vmem>>) offsets(%arg9 : memref<128xi32, #tpu.memory_space<vmem>>) semaphore(%arg30 : memref<!tpu.dma_semaphore, #tpu.memory_space<semaphore_mem>>)
      } else {
      }
      %add3A_148 = arith.constant 6 : i32
      %add3A_149 = arith.addi %add3A_109, %add3A_148 : i32
      %lt3A_150 = arith.constant 80 : i32
      %lt3A_151 = arith.cmpi slt, %add3A_149, %lt3A_150 : i32
      %convert_element_type3A_152 = arith.extui %lt3A_151 : i1 to i32
      %cond3A_153 = arith.constant 0 : i32
      %cond3A_154 = arith.cmpi ne, %convert_element_type3A_152, %cond3A_153 : i32
      scf.if %cond3A_154 {
        %add3A_519 = arith.constant 6 : i32
        %add3A_520 = arith.addi %add3A_109, %add3A_519 : i32
        %mul3A_521 = arith.constant 128 : i32
        %mul3A_522 = arith.muli %add3A_520, %mul3A_521 : i32
        %add3A_523 = arith.addi %mul3A_31, %mul3A_522 : i32
        %dma_start3A_524 = tpu.memref_slice %arg3[%add3A_523] : memref<327680xi32, #tpu.memory_space<hbm>> -> memref<128xi32, #tpu.memory_space<hbm>>
        %dma_start3A_525 = tpu.memref_slice %arg3[%add3A_523] : memref<327680xi32, #tpu.memory_space<hbm>> -> memref<128xi32, #tpu.memory_space<hbm>>
        tpu.enqueue_dma source(%dma_start3A_525 : memref<128xi32, #tpu.memory_space<hbm>>) target(%arg13 : memref<128xi32, #tpu.memory_space<vmem>>) target_semaphore(%arg42 : memref<!tpu.dma_semaphore, #tpu.memory_space<semaphore_mem>>)
        %dma_start3A_526 = tpu.memref_slice %arg4[%add3A_523] : memref<327680xi32, #tpu.memory_space<hbm>> -> memref<128xi32, #tpu.memory_space<hbm>>
        %dma_start3A_527 = tpu.memref_slice %arg4[%add3A_523] : memref<327680xi32, #tpu.memory_space<hbm>> -> memref<128xi32, #tpu.memory_space<hbm>>
        tpu.enqueue_dma source(%dma_start3A_527 : memref<128xi32, #tpu.memory_space<hbm>>) target(%arg21 : memref<128xi32, #tpu.memory_space<vmem>>) target_semaphore(%arg42 : memref<!tpu.dma_semaphore, #tpu.memory_space<semaphore_mem>>)
      } else {
      }
      %mul3A_155 = arith.constant 8 : i32
      %mul3A_156 = arith.muli %mul3A_155, %add3A_105 : i32
      %add3A_157 = arith.constant 1 : i32
      %add3A_158 = arith.addi %mul3A_156, %add3A_157 : i32
      %add3A_159 = arith.constant 2 : i32
      %add3A_160 = arith.addi %add3A_158, %add3A_159 : i32
      %lt3A_161 = arith.constant 80 : i32
      %lt3A_162 = arith.cmpi slt, %add3A_160, %lt3A_161 : i32
      %convert_element_type3A_163 = arith.extui %lt3A_162 : i1 to i32
      %cond3A_164 = arith.constant 0 : i32
      %cond3A_165 = arith.cmpi ne, %convert_element_type3A_163, %cond3A_164 : i32
      scf.if %cond3A_165 {
        %add3A_519 = arith.constant 2 : i32
        %add3A_520 = arith.addi %add3A_158, %add3A_519 : i32
        %mul3A_521 = arith.constant 128 : i32
        %mul3A_522 = arith.muli %add3A_520, %mul3A_521 : i32
        %add3A_523 = arith.addi %mul3A_31, %mul3A_522 : i32
        %dma_wait3A_524 = tpu.memref_slice %arg3[%add3A_523] : memref<327680xi32, #tpu.memory_space<hbm>> -> memref<128xi32, #tpu.memory_space<hbm>>
        %dma_wait3A_525 = tpu.memref_slice %arg3[%add3A_523] : memref<327680xi32, #tpu.memory_space<hbm>> -> memref<128xi32, #tpu.memory_space<hbm>>
        tpu.wait_dma2 semaphore(%arg39 : memref<!tpu.dma_semaphore, #tpu.memory_space<semaphore_mem>>) src(%dma_wait3A_525 : memref<128xi32, #tpu.memory_space<hbm>>) dst(%arg10 : memref<128xi32, #tpu.memory_space<vmem>>)
        %dma_wait3A_526 = tpu.memref_slice %arg4[%add3A_523] : memref<327680xi32, #tpu.memory_space<hbm>> -> memref<128xi32, #tpu.memory_space<hbm>>
        %dma_wait3A_527 = tpu.memref_slice %arg4[%add3A_523] : memref<327680xi32, #tpu.memory_space<hbm>> -> memref<128xi32, #tpu.memory_space<hbm>>
        tpu.wait_dma2 semaphore(%arg39 : memref<!tpu.dma_semaphore, #tpu.memory_space<semaphore_mem>>) src(%dma_wait3A_527 : memref<128xi32, #tpu.memory_space<hbm>>) dst(%arg18 : memref<128xi32, #tpu.memory_space<vmem>>)
      } else {
      }
      %dma_wait3A_166 = arith.constant 0 : i32
      %dma_wait3A_167 = arith.constant 0 : i32
      %dma_wait3A_168 = tpu.memref_slice %arg2[%dma_wait3A_166, %dma_wait3A_167] : memref<10000x128xbf16, #tpu.memory_space<hbm>> -> memref<10000x128xbf16, #tpu.memory_space<hbm>>
      tpu.wait_indirect_dma semaphore(%arg29 : memref<!tpu.dma_semaphore, #tpu.memory_space<semaphore_mem>>) src(%dma_wait3A_168 : memref<10000x128xbf16, #tpu.memory_space<hbm>>) dst(%arg24 : memref<128x128xbf16, #tpu.memory_space<vmem>>)
      %dma_start3A_169 = arith.constant 0 : i32
      %dma_start3A_170 = arith.constant 0 : i32
      %dma_start3A_171 = tpu.memref_slice %arg27[%dma_start3A_169, %dma_start3A_170] : memref<10016x128xbf16, #tpu.memory_space<vmem_shared>> -> memref<10016x128xbf16, #tpu.memory_space<vmem_shared>>
      tpu.enqueue_indirect_dma source(%arg24 : memref<128x128xbf16, #tpu.memory_space<vmem>>) target(%dma_start3A_171 : memref<10016x128xbf16, #tpu.memory_space<vmem_shared>>) offsets(%arg16 : memref<128xi32, #tpu.memory_space<vmem>>) semaphore(%arg33 : memref<!tpu.dma_semaphore, #tpu.memory_space<semaphore_mem>>) {add = true}
      %get3A_172 = arith.constant 0 : index
      %get3A_173 = tpu.vector_load %arg16[%get3A_172] {strides = array<i32>} : memref<128xi32, #tpu.memory_space<vmem>>, vector<16xi32>,
      tpu.vector_store_idx %arg44[%get3A_173], %broadcast_in_dim3A_29 {add = true} : memref<10016xf32, #tpu.memory_space<vmem>>[vector<16xi32>], vector<16xf32>,
      %get3A_174 = arith.constant 16 : index
      %get3A_175 = tpu.vector_load %arg16[%get3A_174] {strides = array<i32>} : memref<128xi32, #tpu.memory_space<vmem>>, vector<16xi32>,
      tpu.vector_store_idx %arg44[%get3A_175], %broadcast_in_dim3A_29 {add = true} : memref<10016xf32, #tpu.memory_space<vmem>>[vector<16xi32>], vector<16xf32>,
      %get3A_176 = arith.constant 32 : index
      %get3A_177 = tpu.vector_load %arg16[%get3A_176] {strides = array<i32>} : memref<128xi32, #tpu.memory_space<vmem>>, vector<16xi32>,
      tpu.vector_store_idx %arg44[%get3A_177], %broadcast_in_dim3A_29 {add = true} : memref<10016xf32, #tpu.memory_space<vmem>>[vector<16xi32>], vector<16xf32>,
      %get3A_178 = arith.constant 48 : index
      %get3A_179 = tpu.vector_load %arg16[%get3A_178] {strides = array<i32>} : memref<128xi32, #tpu.memory_space<vmem>>, vector<16xi32>,
      tpu.vector_store_idx %arg44[%get3A_179], %broadcast_in_dim3A_29 {add = true} : memref<10016xf32, #tpu.memory_space<vmem>>[vector<16xi32>], vector<16xf32>,
      %get3A_180 = arith.constant 64 : index
      %get3A_181 = tpu.vector_load %arg16[%get3A_180] {strides = array<i32>} : memref<128xi32, #tpu.memory_space<vmem>>, vector<16xi32>,
      tpu.vector_store_idx %arg44[%get3A_181], %broadcast_in_dim3A_29 {add = true} : memref<10016xf32, #tpu.memory_space<vmem>>[vector<16xi32>], vector<16xf32>,
      %get3A_182 = arith.constant 80 : index
      %get3A_183 = tpu.vector_load %arg16[%get3A_182] {strides = array<i32>} : memref<128xi32, #tpu.memory_space<vmem>>, vector<16xi32>,
      tpu.vector_store_idx %arg44[%get3A_183], %broadcast_in_dim3A_29 {add = true} : memref<10016xf32, #tpu.memory_space<vmem>>[vector<16xi32>], vector<16xf32>,
      %get3A_184 = arith.constant 96 : index
      %get3A_185 = tpu.vector_load %arg16[%get3A_184] {strides = array<i32>} : memref<128xi32, #tpu.memory_space<vmem>>, vector<16xi32>,
      tpu.vector_store_idx %arg44[%get3A_185], %broadcast_in_dim3A_29 {add = true} : memref<10016xf32, #tpu.memory_space<vmem>>[vector<16xi32>], vector<16xf32>,
      %get3A_186 = arith.constant 112 : index
      %get3A_187 = tpu.vector_load %arg16[%get3A_186] {strides = array<i32>} : memref<128xi32, #tpu.memory_space<vmem>>, vector<16xi32>,
      tpu.vector_store_idx %arg44[%get3A_187], %broadcast_in_dim3A_29 {add = true} : memref<10016xf32, #tpu.memory_space<vmem>>[vector<16xi32>], vector<16xf32>,
      %ge3A_188 = arith.constant 2 : i32
      %ge3A_189 = arith.cmpi sge, %add3A_158, %ge3A_188 : i32
      %convert_element_type3A_190 = arith.extui %ge3A_189 : i1 to i32
      %cond3A_191 = arith.constant 0 : i32
      %cond3A_192 = arith.cmpi ne, %convert_element_type3A_190, %cond3A_191 : i32
      scf.if %cond3A_192 {
        %dma_wait3A_519 = arith.constant 0 : i32
        %dma_wait3A_520 = arith.constant 0 : i32
        %dma_wait3A_521 = tpu.memref_slice %arg27[%dma_wait3A_519, %dma_wait3A_520] : memref<10016x128xbf16, #tpu.memory_space<vmem_shared>> -> memref<10016x128xbf16, #tpu.memory_space<vmem_shared>>
        tpu.wait_indirect_dma semaphore(%arg35 : memref<!tpu.dma_semaphore, #tpu.memory_space<semaphore_mem>>) src(%arg26 : memref<128x128xbf16, #tpu.memory_space<vmem>>) dst(%dma_wait3A_521 : memref<10016x128xbf16, #tpu.memory_space<vmem_shared>>)
      } else {
      }
      %add3A_193 = arith.constant 2 : i32
      %add3A_194 = arith.addi %add3A_158, %add3A_193 : i32
      %lt3A_195 = arith.constant 80 : i32
      %lt3A_196 = arith.cmpi slt, %add3A_194, %lt3A_195 : i32
      %convert_element_type3A_197 = arith.extui %lt3A_196 : i1 to i32
      %cond3A_198 = arith.constant 0 : i32
      %cond3A_199 = arith.cmpi ne, %convert_element_type3A_197, %cond3A_198 : i32
      scf.if %cond3A_199 {
        %dma_start3A_519 = arith.constant 0 : i32
        %dma_start3A_520 = arith.constant 0 : i32
        %dma_start3A_521 = tpu.memref_slice %arg2[%dma_start3A_519, %dma_start3A_520] : memref<10000x128xbf16, #tpu.memory_space<hbm>> -> memref<10000x128xbf16, #tpu.memory_space<hbm>>
        tpu.enqueue_indirect_dma source(%dma_start3A_521 : memref<10000x128xbf16, #tpu.memory_space<hbm>>) target(%arg26 : memref<128x128xbf16, #tpu.memory_space<vmem>>) offsets(%arg10 : memref<128xi32, #tpu.memory_space<vmem>>) semaphore(%arg31 : memref<!tpu.dma_semaphore, #tpu.memory_space<semaphore_mem>>)
      } else {
      }
      %add3A_200 = arith.constant 6 : i32
      %add3A_201 = arith.addi %add3A_158, %add3A_200 : i32
      %lt3A_202 = arith.constant 80 : i32
      %lt3A_203 = arith.cmpi slt, %add3A_201, %lt3A_202 : i32
      %convert_element_type3A_204 = arith.extui %lt3A_203 : i1 to i32
      %cond3A_205 = arith.constant 0 : i32
      %cond3A_206 = arith.cmpi ne, %convert_element_type3A_204, %cond3A_205 : i32
      scf.if %cond3A_206 {
        %add3A_519 = arith.constant 6 : i32
        %add3A_520 = arith.addi %add3A_158, %add3A_519 : i32
        %mul3A_521 = arith.constant 128 : i32
        %mul3A_522 = arith.muli %add3A_520, %mul3A_521 : i32
        %add3A_523 = arith.addi %mul3A_31, %mul3A_522 : i32
        %dma_start3A_524 = tpu.memref_slice %arg3[%add3A_523] : memref<327680xi32, #tpu.memory_space<hbm>> -> memref<128xi32, #tpu.memory_space<hbm>>
        %dma_start3A_525 = tpu.memref_slice %arg3[%add3A_523] : memref<327680xi32, #tpu.memory_space<hbm>> -> memref<128xi32, #tpu.memory_space<hbm>>
        tpu.enqueue_dma source(%dma_start3A_525 : memref<128xi32, #tpu.memory_space<hbm>>) target(%arg14 : memref<128xi32, #tpu.memory_space<vmem>>) target_semaphore(%arg43 : memref<!tpu.dma_semaphore, #tpu.memory_space<semaphore_mem>>)
        %dma_start3A_526 = tpu.memref_slice %arg4[%add3A_523] : memref<327680xi32, #tpu.memory_space<hbm>> -> memref<128xi32, #tpu.memory_space<hbm>>
        %dma_start3A_527 = tpu.memref_slice %arg4[%add3A_523] : memref<327680xi32, #tpu.memory_space<hbm>> -> memref<128xi32, #tpu.memory_space<hbm>>
        tpu.enqueue_dma source(%dma_start3A_527 : memref<128xi32, #tpu.memory_space<hbm>>) target(%arg22 : memref<128xi32, #tpu.memory_space<vmem>>) target_semaphore(%arg43 : memref<!tpu.dma_semaphore, #tpu.memory_space<semaphore_mem>>)
      } else {
      }
      %mul3A_207 = arith.constant 8 : i32
      %mul3A_208 = arith.muli %mul3A_207, %add3A_105 : i32
      %add3A_209 = arith.constant 2 : i32
      %add3A_210 = arith.addi %mul3A_208, %add3A_209 : i32
      %add3A_211 = arith.constant 2 : i32
      %add3A_212 = arith.addi %add3A_210, %add3A_211 : i32
      %lt3A_213 = arith.constant 80 : i32
      %lt3A_214 = arith.cmpi slt, %add3A_212, %lt3A_213 : i32
      %convert_element_type3A_215 = arith.extui %lt3A_214 : i1 to i32
      %cond3A_216 = arith.constant 0 : i32
      %cond3A_217 = arith.cmpi ne, %convert_element_type3A_215, %cond3A_216 : i32
      scf.if %cond3A_217 {
        %add3A_519 = arith.constant 2 : i32
        %add3A_520 = arith.addi %add3A_210, %add3A_519 : i32
        %mul3A_521 = arith.constant 128 : i32
        %mul3A_522 = arith.muli %add3A_520, %mul3A_521 : i32
        %add3A_523 = arith.addi %mul3A_31, %mul3A_522 : i32
        %dma_wait3A_524 = tpu.memref_slice %arg3[%add3A_523] : memref<327680xi32, #tpu.memory_space<hbm>> -> memref<128xi32, #tpu.memory_space<hbm>>
        %dma_wait3A_525 = tpu.memref_slice %arg3[%add3A_523] : memref<327680xi32, #tpu.memory_space<hbm>> -> memref<128xi32, #tpu.memory_space<hbm>>
        tpu.wait_dma2 semaphore(%arg40 : memref<!tpu.dma_semaphore, #tpu.memory_space<semaphore_mem>>) src(%dma_wait3A_525 : memref<128xi32, #tpu.memory_space<hbm>>) dst(%arg11 : memref<128xi32, #tpu.memory_space<vmem>>)
        %dma_wait3A_526 = tpu.memref_slice %arg4[%add3A_523] : memref<327680xi32, #tpu.memory_space<hbm>> -> memref<128xi32, #tpu.memory_space<hbm>>
        %dma_wait3A_527 = tpu.memref_slice %arg4[%add3A_523] : memref<327680xi32, #tpu.memory_space<hbm>> -> memref<128xi32, #tpu.memory_space<hbm>>
        tpu.wait_dma2 semaphore(%arg40 : memref<!tpu.dma_semaphore, #tpu.memory_space<semaphore_mem>>) src(%dma_wait3A_527 : memref<128xi32, #tpu.memory_space<hbm>>) dst(%arg19 : memref<128xi32, #tpu.memory_space<vmem>>)
      } else {
      }
      %dma_wait3A_218 = arith.constant 0 : i32
      %dma_wait3A_219 = arith.constant 0 : i32
      %dma_wait3A_220 = tpu.memref_slice %arg2[%dma_wait3A_218, %dma_wait3A_219] : memref<10000x128xbf16, #tpu.memory_space<hbm>> -> memref<10000x128xbf16, #tpu.memory_space<hbm>>
      tpu.wait_indirect_dma semaphore(%arg30 : memref<!tpu.dma_semaphore, #tpu.memory_space<semaphore_mem>>) src(%dma_wait3A_220 : memref<10000x128xbf16, #tpu.memory_space<hbm>>) dst(%arg25 : memref<128x128xbf16, #tpu.memory_space<vmem>>)
      %dma_start3A_221 = arith.constant 0 : i32
      %dma_start3A_222 = arith.constant 0 : i32
      %dma_start3A_223 = tpu.memref_slice %arg27[%dma_start3A_221, %dma_start3A_222] : memref<10016x128xbf16, #tpu.memory_space<vmem_shared>> -> memref<10016x128xbf16, #tpu.memory_space<vmem_shared>>
      tpu.enqueue_indirect_dma source(%arg25 : memref<128x128xbf16, #tpu.memory_space<vmem>>) target(%dma_start3A_223 : memref<10016x128xbf16, #tpu.memory_space<vmem_shared>>) offsets(%arg17 : memref<128xi32, #tpu.memory_space<vmem>>) semaphore(%arg34 : memref<!tpu.dma_semaphore, #tpu.memory_space<semaphore_mem>>) {add = true}
      %get3A_224 = arith.constant 0 : index
      %get3A_225 = tpu.vector_load %arg17[%get3A_224] {strides = array<i32>} : memref<128xi32, #tpu.memory_space<vmem>>, vector<16xi32>,
      tpu.vector_store_idx %arg44[%get3A_225], %broadcast_in_dim3A_29 {add = true} : memref<10016xf32, #tpu.memory_space<vmem>>[vector<16xi32>], vector<16xf32>,
      %get3A_226 = arith.constant 16 : index
      %get3A_227 = tpu.vector_load %arg17[%get3A_226] {strides = array<i32>} : memref<128xi32, #tpu.memory_space<vmem>>, vector<16xi32>,
      tpu.vector_store_idx %arg44[%get3A_227], %broadcast_in_dim3A_29 {add = true} : memref<10016xf32, #tpu.memory_space<vmem>>[vector<16xi32>], vector<16xf32>,
      %get3A_228 = arith.constant 32 : index
      %get3A_229 = tpu.vector_load %arg17[%get3A_228] {strides = array<i32>} : memref<128xi32, #tpu.memory_space<vmem>>, vector<16xi32>,
      tpu.vector_store_idx %arg44[%get3A_229], %broadcast_in_dim3A_29 {add = true} : memref<10016xf32, #tpu.memory_space<vmem>>[vector<16xi32>], vector<16xf32>,
      %get3A_230 = arith.constant 48 : index
      %get3A_231 = tpu.vector_load %arg17[%get3A_230] {strides = array<i32>} : memref<128xi32, #tpu.memory_space<vmem>>, vector<16xi32>,
      tpu.vector_store_idx %arg44[%get3A_231], %broadcast_in_dim3A_29 {add = true} : memref<10016xf32, #tpu.memory_space<vmem>>[vector<16xi32>], vector<16xf32>,
      %get3A_232 = arith.constant 64 : index
      %get3A_233 = tpu.vector_load %arg17[%get3A_232] {strides = array<i32>} : memref<128xi32, #tpu.memory_space<vmem>>, vector<16xi32>,
      tpu.vector_store_idx %arg44[%get3A_233], %broadcast_in_dim3A_29 {add = true} : memref<10016xf32, #tpu.memory_space<vmem>>[vector<16xi32>], vector<16xf32>,
      %get3A_234 = arith.constant 80 : index
      %get3A_235 = tpu.vector_load %arg17[%get3A_234] {strides = array<i32>} : memref<128xi32, #tpu.memory_space<vmem>>, vector<16xi32>,
      tpu.vector_store_idx %arg44[%get3A_235], %broadcast_in_dim3A_29 {add = true} : memref<10016xf32, #tpu.memory_space<vmem>>[vector<16xi32>], vector<16xf32>,
      %get3A_236 = arith.constant 96 : index
      %get3A_237 = tpu.vector_load %arg17[%get3A_236] {strides = array<i32>} : memref<128xi32, #tpu.memory_space<vmem>>, vector<16xi32>,
      tpu.vector_store_idx %arg44[%get3A_237], %broadcast_in_dim3A_29 {add = true} : memref<10016xf32, #tpu.memory_space<vmem>>[vector<16xi32>], vector<16xf32>,
      %get3A_238 = arith.constant 112 : index
      %get3A_239 = tpu.vector_load %arg17[%get3A_238] {strides = array<i32>} : memref<128xi32, #tpu.memory_space<vmem>>, vector<16xi32>,
      tpu.vector_store_idx %arg44[%get3A_239], %broadcast_in_dim3A_29 {add = true} : memref<10016xf32, #tpu.memory_space<vmem>>[vector<16xi32>], vector<16xf32>,
      %ge3A_240 = arith.constant 2 : i32
      %ge3A_241 = arith.cmpi sge, %add3A_210, %ge3A_240 : i32
      %convert_element_type3A_242 = arith.extui %ge3A_241 : i1 to i32
      %cond3A_243 = arith.constant 0 : i32
      %cond3A_244 = arith.cmpi ne, %convert_element_type3A_242, %cond3A_243 : i32
      scf.if %cond3A_244 {
        %dma_wait3A_519 = arith.constant 0 : i32
        %dma_wait3A_520 = arith.constant 0 : i32
        %dma_wait3A_521 = tpu.memref_slice %arg27[%dma_wait3A_519, %dma_wait3A_520] : memref<10016x128xbf16, #tpu.memory_space<vmem_shared>> -> memref<10016x128xbf16, #tpu.memory_space<vmem_shared>>
        tpu.wait_indirect_dma semaphore(%arg32 : memref<!tpu.dma_semaphore, #tpu.memory_space<semaphore_mem>>) src(%arg23 : memref<128x128xbf16, #tpu.memory_space<vmem>>) dst(%dma_wait3A_521 : memref<10016x128xbf16, #tpu.memory_space<vmem_shared>>)
      } else {
      }
      %add3A_245 = arith.constant 2 : i32
      %add3A_246 = arith.addi %add3A_210, %add3A_245 : i32
      %lt3A_247 = arith.constant 80 : i32
      %lt3A_248 = arith.cmpi slt, %add3A_246, %lt3A_247 : i32
      %convert_element_type3A_249 = arith.extui %lt3A_248 : i1 to i32
      %cond3A_250 = arith.constant 0 : i32
      %cond3A_251 = arith.cmpi ne, %convert_element_type3A_249, %cond3A_250 : i32
      scf.if %cond3A_251 {
        %dma_start3A_519 = arith.constant 0 : i32
        %dma_start3A_520 = arith.constant 0 : i32
        %dma_start3A_521 = tpu.memref_slice %arg2[%dma_start3A_519, %dma_start3A_520] : memref<10000x128xbf16, #tpu.memory_space<hbm>> -> memref<10000x128xbf16, #tpu.memory_space<hbm>>
        tpu.enqueue_indirect_dma source(%dma_start3A_521 : memref<10000x128xbf16, #tpu.memory_space<hbm>>) target(%arg23 : memref<128x128xbf16, #tpu.memory_space<vmem>>) offsets(%arg11 : memref<128xi32, #tpu.memory_space<vmem>>) semaphore(%arg28 : memref<!tpu.dma_semaphore, #tpu.memory_space<semaphore_mem>>)
      } else {
      }
      %add3A_252 = arith.constant 6 : i32
      %add3A_253 = arith.addi %add3A_210, %add3A_252 : i32
      %lt3A_254 = arith.constant 80 : i32
      %lt3A_255 = arith.cmpi slt, %add3A_253, %lt3A_254 : i32
      %convert_element_type3A_256 = arith.extui %lt3A_255 : i1 to i32
      %cond3A_257 = arith.constant 0 : i32
      %cond3A_258 = arith.cmpi ne, %convert_element_type3A_256, %cond3A_257 : i32
      scf.if %cond3A_258 {
        %add3A_519 = arith.constant 6 : i32
        %add3A_520 = arith.addi %add3A_210, %add3A_519 : i32
        %mul3A_521 = arith.constant 128 : i32
        %mul3A_522 = arith.muli %add3A_520, %mul3A_521 : i32
        %add3A_523 = arith.addi %mul3A_31, %mul3A_522 : i32
        %dma_start3A_524 = tpu.memref_slice %arg3[%add3A_523] : memref<327680xi32, #tpu.memory_space<hbm>> -> memref<128xi32, #tpu.memory_space<hbm>>
        %dma_start3A_525 = tpu.memref_slice %arg3[%add3A_523] : memref<327680xi32, #tpu.memory_space<hbm>> -> memref<128xi32, #tpu.memory_space<hbm>>
        tpu.enqueue_dma source(%dma_start3A_525 : memref<128xi32, #tpu.memory_space<hbm>>) target(%arg7 : memref<128xi32, #tpu.memory_space<vmem>>) target_semaphore(%arg36 : memref<!tpu.dma_semaphore, #tpu.memory_space<semaphore_mem>>)
        %dma_start3A_526 = tpu.memref_slice %arg4[%add3A_523] : memref<327680xi32, #tpu.memory_space<hbm>> -> memref<128xi32, #tpu.memory_space<hbm>>
        %dma_start3A_527 = tpu.memref_slice %arg4[%add3A_523] : memref<327680xi32, #tpu.memory_space<hbm>> -> memref<128xi32, #tpu.memory_space<hbm>>
        tpu.enqueue_dma source(%dma_start3A_527 : memref<128xi32, #tpu.memory_space<hbm>>) target(%arg15 : memref<128xi32, #tpu.memory_space<vmem>>) target_semaphore(%arg36 : memref<!tpu.dma_semaphore, #tpu.memory_space<semaphore_mem>>)
      } else {
      }
      %mul3A_259 = arith.constant 8 : i32
      %mul3A_260 = arith.muli %mul3A_259, %add3A_105 : i32
      %add3A_261 = arith.constant 3 : i32
      %add3A_262 = arith.addi %mul3A_260, %add3A_261 : i32
      %add3A_263 = arith.constant 2 : i32
      %add3A_264 = arith.addi %add3A_262, %add3A_263 : i32
      %lt3A_265 = arith.constant 80 : i32
      %lt3A_266 = arith.cmpi slt, %add3A_264, %lt3A_265 : i32
      %convert_element_type3A_267 = arith.extui %lt3A_266 : i1 to i32
      %cond3A_268 = arith.constant 0 : i32
      %cond3A_269 = arith.cmpi ne, %convert_element_type3A_267, %cond3A_268 : i32
      scf.if %cond3A_269 {
        %add3A_519 = arith.constant 2 : i32
        %add3A_520 = arith.addi %add3A_262, %add3A_519 : i32
        %mul3A_521 = arith.constant 128 : i32
        %mul3A_522 = arith.muli %add3A_520, %mul3A_521 : i32
        %add3A_523 = arith.addi %mul3A_31, %mul3A_522 : i32
        %dma_wait3A_524 = tpu.memref_slice %arg3[%add3A_523] : memref<327680xi32, #tpu.memory_space<hbm>> -> memref<128xi32, #tpu.memory_space<hbm>>
        %dma_wait3A_525 = tpu.memref_slice %arg3[%add3A_523] : memref<327680xi32, #tpu.memory_space<hbm>> -> memref<128xi32, #tpu.memory_space<hbm>>
        tpu.wait_dma2 semaphore(%arg41 : memref<!tpu.dma_semaphore, #tpu.memory_space<semaphore_mem>>) src(%dma_wait3A_525 : memref<128xi32, #tpu.memory_space<hbm>>) dst(%arg12 : memref<128xi32, #tpu.memory_space<vmem>>)
        %dma_wait3A_526 = tpu.memref_slice %arg4[%add3A_523] : memref<327680xi32, #tpu.memory_space<hbm>> -> memref<128xi32, #tpu.memory_space<hbm>>
        %dma_wait3A_527 = tpu.memref_slice %arg4[%add3A_523] : memref<327680xi32, #tpu.memory_space<hbm>> -> memref<128xi32, #tpu.memory_space<hbm>>
        tpu.wait_dma2 semaphore(%arg41 : memref<!tpu.dma_semaphore, #tpu.memory_space<semaphore_mem>>) src(%dma_wait3A_527 : memref<128xi32, #tpu.memory_space<hbm>>) dst(%arg20 : memref<128xi32, #tpu.memory_space<vmem>>)
      } else {
      }
      %dma_wait3A_270 = arith.constant 0 : i32
      %dma_wait3A_271 = arith.constant 0 : i32
      %dma_wait3A_272 = tpu.memref_slice %arg2[%dma_wait3A_270, %dma_wait3A_271] : memref<10000x128xbf16, #tpu.memory_space<hbm>> -> memref<10000x128xbf16, #tpu.memory_space<hbm>>
      tpu.wait_indirect_dma semaphore(%arg31 : memref<!tpu.dma_semaphore, #tpu.memory_space<semaphore_mem>>) src(%dma_wait3A_272 : memref<10000x128xbf16, #tpu.memory_space<hbm>>) dst(%arg26 : memref<128x128xbf16, #tpu.memory_space<vmem>>)
      %dma_start3A_273 = arith.constant 0 : i32
      %dma_start3A_274 = arith.constant 0 : i32
      %dma_start3A_275 = tpu.memref_slice %arg27[%dma_start3A_273, %dma_start3A_274] : memref<10016x128xbf16, #tpu.memory_space<vmem_shared>> -> memref<10016x128xbf16, #tpu.memory_space<vmem_shared>>
      tpu.enqueue_indirect_dma source(%arg26 : memref<128x128xbf16, #tpu.memory_space<vmem>>) target(%dma_start3A_275 : memref<10016x128xbf16, #tpu.memory_space<vmem_shared>>) offsets(%arg18 : memref<128xi32, #tpu.memory_space<vmem>>) semaphore(%arg35 : memref<!tpu.dma_semaphore, #tpu.memory_space<semaphore_mem>>) {add = true}
      %get3A_276 = arith.constant 0 : index
      %get3A_277 = tpu.vector_load %arg18[%get3A_276] {strides = array<i32>} : memref<128xi32, #tpu.memory_space<vmem>>, vector<16xi32>,
      tpu.vector_store_idx %arg44[%get3A_277], %broadcast_in_dim3A_29 {add = true} : memref<10016xf32, #tpu.memory_space<vmem>>[vector<16xi32>], vector<16xf32>,
      %get3A_278 = arith.constant 16 : index
      %get3A_279 = tpu.vector_load %arg18[%get3A_278] {strides = array<i32>} : memref<128xi32, #tpu.memory_space<vmem>>, vector<16xi32>,
      tpu.vector_store_idx %arg44[%get3A_279], %broadcast_in_dim3A_29 {add = true} : memref<10016xf32, #tpu.memory_space<vmem>>[vector<16xi32>], vector<16xf32>,
      %get3A_280 = arith.constant 32 : index
      %get3A_281 = tpu.vector_load %arg18[%get3A_280] {strides = array<i32>} : memref<128xi32, #tpu.memory_space<vmem>>, vector<16xi32>,
      tpu.vector_store_idx %arg44[%get3A_281], %broadcast_in_dim3A_29 {add = true} : memref<10016xf32, #tpu.memory_space<vmem>>[vector<16xi32>], vector<16xf32>,
      %get3A_282 = arith.constant 48 : index
      %get3A_283 = tpu.vector_load %arg18[%get3A_282] {strides = array<i32>} : memref<128xi32, #tpu.memory_space<vmem>>, vector<16xi32>,
      tpu.vector_store_idx %arg44[%get3A_283], %broadcast_in_dim3A_29 {add = true} : memref<10016xf32, #tpu.memory_space<vmem>>[vector<16xi32>], vector<16xf32>,
      %get3A_284 = arith.constant 64 : index
      %get3A_285 = tpu.vector_load %arg18[%get3A_284] {strides = array<i32>} : memref<128xi32, #tpu.memory_space<vmem>>, vector<16xi32>,
      tpu.vector_store_idx %arg44[%get3A_285], %broadcast_in_dim3A_29 {add = true} : memref<10016xf32, #tpu.memory_space<vmem>>[vector<16xi32>], vector<16xf32>,
      %get3A_286 = arith.constant 80 : index
      %get3A_287 = tpu.vector_load %arg18[%get3A_286] {strides = array<i32>} : memref<128xi32, #tpu.memory_space<vmem>>, vector<16xi32>,
      tpu.vector_store_idx %arg44[%get3A_287], %broadcast_in_dim3A_29 {add = true} : memref<10016xf32, #tpu.memory_space<vmem>>[vector<16xi32>], vector<16xf32>,
      %get3A_288 = arith.constant 96 : index
      %get3A_289 = tpu.vector_load %arg18[%get3A_288] {strides = array<i32>} : memref<128xi32, #tpu.memory_space<vmem>>, vector<16xi32>,
      tpu.vector_store_idx %arg44[%get3A_289], %broadcast_in_dim3A_29 {add = true} : memref<10016xf32, #tpu.memory_space<vmem>>[vector<16xi32>], vector<16xf32>,
      %get3A_290 = arith.constant 112 : index
      %get3A_291 = tpu.vector_load %arg18[%get3A_290] {strides = array<i32>} : memref<128xi32, #tpu.memory_space<vmem>>, vector<16xi32>,
      tpu.vector_store_idx %arg44[%get3A_291], %broadcast_in_dim3A_29 {add = true} : memref<10016xf32, #tpu.memory_space<vmem>>[vector<16xi32>], vector<16xf32>,
      %ge3A_292 = arith.constant 2 : i32
      %ge3A_293 = arith.cmpi sge, %add3A_262, %ge3A_292 : i32
      %convert_element_type3A_294 = arith.extui %ge3A_293 : i1 to i32
      %cond3A_295 = arith.constant 0 : i32
      %cond3A_296 = arith.cmpi ne, %convert_element_type3A_294, %cond3A_295 : i32
      scf.if %cond3A_296 {
        %dma_wait3A_519 = arith.constant 0 : i32
        %dma_wait3A_520 = arith.constant 0 : i32
        %dma_wait3A_521 = tpu.memref_slice %arg27[%dma_wait3A_519, %dma_wait3A_520] : memref<10016x128xbf16, #tpu.memory_space<vmem_shared>> -> memref<10016x128xbf16, #tpu.memory_space<vmem_shared>>
        tpu.wait_indirect_dma semaphore(%arg33 : memref<!tpu.dma_semaphore, #tpu.memory_space<semaphore_mem>>) src(%arg24 : memref<128x128xbf16, #tpu.memory_space<vmem>>) dst(%dma_wait3A_521 : memref<10016x128xbf16, #tpu.memory_space<vmem_shared>>)
      } else {
      }
      %add3A_297 = arith.constant 2 : i32
      %add3A_298 = arith.addi %add3A_262, %add3A_297 : i32
      %lt3A_299 = arith.constant 80 : i32
      %lt3A_300 = arith.cmpi slt, %add3A_298, %lt3A_299 : i32
      %convert_element_type3A_301 = arith.extui %lt3A_300 : i1 to i32
      %cond3A_302 = arith.constant 0 : i32
      %cond3A_303 = arith.cmpi ne, %convert_element_type3A_301, %cond3A_302 : i32
      scf.if %cond3A_303 {
        %dma_start3A_519 = arith.constant 0 : i32
        %dma_start3A_520 = arith.constant 0 : i32
        %dma_start3A_521 = tpu.memref_slice %arg2[%dma_start3A_519, %dma_start3A_520] : memref<10000x128xbf16, #tpu.memory_space<hbm>> -> memref<10000x128xbf16, #tpu.memory_space<hbm>>
        tpu.enqueue_indirect_dma source(%dma_start3A_521 : memref<10000x128xbf16, #tpu.memory_space<hbm>>) target(%arg24 : memref<128x128xbf16, #tpu.memory_space<vmem>>) offsets(%arg12 : memref<128xi32, #tpu.memory_space<vmem>>) semaphore(%arg29 : memref<!tpu.dma_semaphore, #tpu.memory_space<semaphore_mem>>)
      } else {
      }
      %add3A_304 = arith.constant 6 : i32
      %add3A_305 = arith.addi %add3A_262, %add3A_304 : i32
      %lt3A_306 = arith.constant 80 : i32
      %lt3A_307 = arith.cmpi slt, %add3A_305, %lt3A_306 : i32
      %convert_element_type3A_308 = arith.extui %lt3A_307 : i1 to i32
      %cond3A_309 = arith.constant 0 : i32
      %cond3A_310 = arith.cmpi ne, %convert_element_type3A_308, %cond3A_309 : i32
      scf.if %cond3A_310 {
        %add3A_519 = arith.constant 6 : i32
        %add3A_520 = arith.addi %add3A_262, %add3A_519 : i32
        %mul3A_521 = arith.constant 128 : i32
        %mul3A_522 = arith.muli %add3A_520, %mul3A_521 : i32
        %add3A_523 = arith.addi %mul3A_31, %mul3A_522 : i32
        %dma_start3A_524 = tpu.memref_slice %arg3[%add3A_523] : memref<327680xi32, #tpu.memory_space<hbm>> -> memref<128xi32, #tpu.memory_space<hbm>>
        %dma_start3A_525 = tpu.memref_slice %arg3[%add3A_523] : memref<327680xi32, #tpu.memory_space<hbm>> -> memref<128xi32, #tpu.memory_space<hbm>>
        tpu.enqueue_dma source(%dma_start3A_525 : memref<128xi32, #tpu.memory_space<hbm>>) target(%arg8 : memref<128xi32, #tpu.memory_space<vmem>>) target_semaphore(%arg37 : memref<!tpu.dma_semaphore, #tpu.memory_space<semaphore_mem>>)
        %dma_start3A_526 = tpu.memref_slice %arg4[%add3A_523] : memref<327680xi32, #tpu.memory_space<hbm>> -> memref<128xi32, #tpu.memory_space<hbm>>
        %dma_start3A_527 = tpu.memref_slice %arg4[%add3A_523] : memref<327680xi32, #tpu.memory_space<hbm>> -> memref<128xi32, #tpu.memory_space<hbm>>
        tpu.enqueue_dma source(%dma_start3A_527 : memref<128xi32, #tpu.memory_space<hbm>>) target(%arg16 : memref<128xi32, #tpu.memory_space<vmem>>) target_semaphore(%arg37 : memref<!tpu.dma_semaphore, #tpu.memory_space<semaphore_mem>>)
      } else {
      }
      %mul3A_311 = arith.constant 8 : i32
      %mul3A_312 = arith.muli %mul3A_311, %add3A_105 : i32
      %add3A_313 = arith.constant 4 : i32
      %add3A_314 = arith.addi %mul3A_312, %add3A_313 : i32
      %add3A_315 = arith.constant 2 : i32
      %add3A_316 = arith.addi %add3A_314, %add3A_315 : i32
      %lt3A_317 = arith.constant 80 : i32
      %lt3A_318 = arith.cmpi slt, %add3A_316, %lt3A_317 : i32
      %convert_element_type3A_319 = arith.extui %lt3A_318 : i1 to i32
      %cond3A_320 = arith.constant 0 : i32
      %cond3A_321 = arith.cmpi ne, %convert_element_type3A_319, %cond3A_320 : i32
      scf.if %cond3A_321 {
        %add3A_519 = arith.constant 2 : i32
        %add3A_520 = arith.addi %add3A_314, %add3A_519 : i32
        %mul3A_521 = arith.constant 128 : i32
        %mul3A_522 = arith.muli %add3A_520, %mul3A_521 : i32
        %add3A_523 = arith.addi %mul3A_31, %mul3A_522 : i32
        %dma_wait3A_524 = tpu.memref_slice %arg3[%add3A_523] : memref<327680xi32, #tpu.memory_space<hbm>> -> memref<128xi32, #tpu.memory_space<hbm>>
        %dma_wait3A_525 = tpu.memref_slice %arg3[%add3A_523] : memref<327680xi32, #tpu.memory_space<hbm>> -> memref<128xi32, #tpu.memory_space<hbm>>
        tpu.wait_dma2 semaphore(%arg42 : memref<!tpu.dma_semaphore, #tpu.memory_space<semaphore_mem>>) src(%dma_wait3A_525 : memref<128xi32, #tpu.memory_space<hbm>>) dst(%arg13 : memref<128xi32, #tpu.memory_space<vmem>>)
        %dma_wait3A_526 = tpu.memref_slice %arg4[%add3A_523] : memref<327680xi32, #tpu.memory_space<hbm>> -> memref<128xi32, #tpu.memory_space<hbm>>
        %dma_wait3A_527 = tpu.memref_slice %arg4[%add3A_523] : memref<327680xi32, #tpu.memory_space<hbm>> -> memref<128xi32, #tpu.memory_space<hbm>>
        tpu.wait_dma2 semaphore(%arg42 : memref<!tpu.dma_semaphore, #tpu.memory_space<semaphore_mem>>) src(%dma_wait3A_527 : memref<128xi32, #tpu.memory_space<hbm>>) dst(%arg21 : memref<128xi32, #tpu.memory_space<vmem>>)
      } else {
      }
      %dma_wait3A_322 = arith.constant 0 : i32
      %dma_wait3A_323 = arith.constant 0 : i32
      %dma_wait3A_324 = tpu.memref_slice %arg2[%dma_wait3A_322, %dma_wait3A_323] : memref<10000x128xbf16, #tpu.memory_space<hbm>> -> memref<10000x128xbf16, #tpu.memory_space<hbm>>
      tpu.wait_indirect_dma semaphore(%arg28 : memref<!tpu.dma_semaphore, #tpu.memory_space<semaphore_mem>>) src(%dma_wait3A_324 : memref<10000x128xbf16, #tpu.memory_space<hbm>>) dst(%arg23 : memref<128x128xbf16, #tpu.memory_space<vmem>>)
      %dma_start3A_325 = arith.constant 0 : i32
      %dma_start3A_326 = arith.constant 0 : i32
      %dma_start3A_327 = tpu.memref_slice %arg27[%dma_start3A_325, %dma_start3A_326] : memref<10016x128xbf16, #tpu.memory_space<vmem_shared>> -> memref<10016x128xbf16, #tpu.memory_space<vmem_shared>>
      tpu.enqueue_indirect_dma source(%arg23 : memref<128x128xbf16, #tpu.memory_space<vmem>>) target(%dma_start3A_327 : memref<10016x128xbf16, #tpu.memory_space<vmem_shared>>) offsets(%arg19 : memref<128xi32, #tpu.memory_space<vmem>>) semaphore(%arg32 : memref<!tpu.dma_semaphore, #tpu.memory_space<semaphore_mem>>) {add = true}
      %get3A_328 = arith.constant 0 : index
      %get3A_329 = tpu.vector_load %arg19[%get3A_328] {strides = array<i32>} : memref<128xi32, #tpu.memory_space<vmem>>, vector<16xi32>,
      tpu.vector_store_idx %arg44[%get3A_329], %broadcast_in_dim3A_29 {add = true} : memref<10016xf32, #tpu.memory_space<vmem>>[vector<16xi32>], vector<16xf32>,
      %get3A_330 = arith.constant 16 : index
      %get3A_331 = tpu.vector_load %arg19[%get3A_330] {strides = array<i32>} : memref<128xi32, #tpu.memory_space<vmem>>, vector<16xi32>,
      tpu.vector_store_idx %arg44[%get3A_331], %broadcast_in_dim3A_29 {add = true} : memref<10016xf32, #tpu.memory_space<vmem>>[vector<16xi32>], vector<16xf32>,
      %get3A_332 = arith.constant 32 : index
      %get3A_333 = tpu.vector_load %arg19[%get3A_332] {strides = array<i32>} : memref<128xi32, #tpu.memory_space<vmem>>, vector<16xi32>,
      tpu.vector_store_idx %arg44[%get3A_333], %broadcast_in_dim3A_29 {add = true} : memref<10016xf32, #tpu.memory_space<vmem>>[vector<16xi32>], vector<16xf32>,
      %get3A_334 = arith.constant 48 : index
      %get3A_335 = tpu.vector_load %arg19[%get3A_334] {strides = array<i32>} : memref<128xi32, #tpu.memory_space<vmem>>, vector<16xi32>,
      tpu.vector_store_idx %arg44[%get3A_335], %broadcast_in_dim3A_29 {add = true} : memref<10016xf32, #tpu.memory_space<vmem>>[vector<16xi32>], vector<16xf32>,
      %get3A_336 = arith.constant 64 : index
      %get3A_337 = tpu.vector_load %arg19[%get3A_336] {strides = array<i32>} : memref<128xi32, #tpu.memory_space<vmem>>, vector<16xi32>,
      tpu.vector_store_idx %arg44[%get3A_337], %broadcast_in_dim3A_29 {add = true} : memref<10016xf32, #tpu.memory_space<vmem>>[vector<16xi32>], vector<16xf32>,
      %get3A_338 = arith.constant 80 : index
      %get3A_339 = tpu.vector_load %arg19[%get3A_338] {strides = array<i32>} : memref<128xi32, #tpu.memory_space<vmem>>, vector<16xi32>,
      tpu.vector_store_idx %arg44[%get3A_339], %broadcast_in_dim3A_29 {add = true} : memref<10016xf32, #tpu.memory_space<vmem>>[vector<16xi32>], vector<16xf32>,
      %get3A_340 = arith.constant 96 : index
      %get3A_341 = tpu.vector_load %arg19[%get3A_340] {strides = array<i32>} : memref<128xi32, #tpu.memory_space<vmem>>, vector<16xi32>,
      tpu.vector_store_idx %arg44[%get3A_341], %broadcast_in_dim3A_29 {add = true} : memref<10016xf32, #tpu.memory_space<vmem>>[vector<16xi32>], vector<16xf32>,
      %get3A_342 = arith.constant 112 : index
      %get3A_343 = tpu.vector_load %arg19[%get3A_342] {strides = array<i32>} : memref<128xi32, #tpu.memory_space<vmem>>, vector<16xi32>,
      tpu.vector_store_idx %arg44[%get3A_343], %broadcast_in_dim3A_29 {add = true} : memref<10016xf32, #tpu.memory_space<vmem>>[vector<16xi32>], vector<16xf32>,
      %ge3A_344 = arith.constant 2 : i32
      %ge3A_345 = arith.cmpi sge, %add3A_314, %ge3A_344 : i32
      %convert_element_type3A_346 = arith.extui %ge3A_345 : i1 to i32
      %cond3A_347 = arith.constant 0 : i32
      %cond3A_348 = arith.cmpi ne, %convert_element_type3A_346, %cond3A_347 : i32
      scf.if %cond3A_348 {
        %dma_wait3A_519 = arith.constant 0 : i32
        %dma_wait3A_520 = arith.constant 0 : i32
        %dma_wait3A_521 = tpu.memref_slice %arg27[%dma_wait3A_519, %dma_wait3A_520] : memref<10016x128xbf16, #tpu.memory_space<vmem_shared>> -> memref<10016x128xbf16, #tpu.memory_space<vmem_shared>>
        tpu.wait_indirect_dma semaphore(%arg34 : memref<!tpu.dma_semaphore, #tpu.memory_space<semaphore_mem>>) src(%arg25 : memref<128x128xbf16, #tpu.memory_space<vmem>>) dst(%dma_wait3A_521 : memref<10016x128xbf16, #tpu.memory_space<vmem_shared>>)
      } else {
      }
      %add3A_349 = arith.constant 2 : i32
      %add3A_350 = arith.addi %add3A_314, %add3A_349 : i32
      %lt3A_351 = arith.constant 80 : i32
      %lt3A_352 = arith.cmpi slt, %add3A_350, %lt3A_351 : i32
      %convert_element_type3A_353 = arith.extui %lt3A_352 : i1 to i32
      %cond3A_354 = arith.constant 0 : i32
      %cond3A_355 = arith.cmpi ne, %convert_element_type3A_353, %cond3A_354 : i32
      scf.if %cond3A_355 {
        %dma_start3A_519 = arith.constant 0 : i32
        %dma_start3A_520 = arith.constant 0 : i32
        %dma_start3A_521 = tpu.memref_slice %arg2[%dma_start3A_519, %dma_start3A_520] : memref<10000x128xbf16, #tpu.memory_space<hbm>> -> memref<10000x128xbf16, #tpu.memory_space<hbm>>
        tpu.enqueue_indirect_dma source(%dma_start3A_521 : memref<10000x128xbf16, #tpu.memory_space<hbm>>) target(%arg25 : memref<128x128xbf16, #tpu.memory_space<vmem>>) offsets(%arg13 : memref<128xi32, #tpu.memory_space<vmem>>) semaphore(%arg30 : memref<!tpu.dma_semaphore, #tpu.memory_space<semaphore_mem>>)
      } else {
      }
      %add3A_356 = arith.constant 6 : i32
      %add3A_357 = arith.addi %add3A_314, %add3A_356 : i32
      %lt3A_358 = arith.constant 80 : i32
      %lt3A_359 = arith.cmpi slt, %add3A_357, %lt3A_358 : i32
      %convert_element_type3A_360 = arith.extui %lt3A_359 : i1 to i32
      %cond3A_361 = arith.constant 0 : i32
      %cond3A_362 = arith.cmpi ne, %convert_element_type3A_360, %cond3A_361 : i32
      scf.if %cond3A_362 {
        %add3A_519 = arith.constant 6 : i32
        %add3A_520 = arith.addi %add3A_314, %add3A_519 : i32
        %mul3A_521 = arith.constant 128 : i32
        %mul3A_522 = arith.muli %add3A_520, %mul3A_521 : i32
        %add3A_523 = arith.addi %mul3A_31, %mul3A_522 : i32
        %dma_start3A_524 = tpu.memref_slice %arg3[%add3A_523] : memref<327680xi32, #tpu.memory_space<hbm>> -> memref<128xi32, #tpu.memory_space<hbm>>
        %dma_start3A_525 = tpu.memref_slice %arg3[%add3A_523] : memref<327680xi32, #tpu.memory_space<hbm>> -> memref<128xi32, #tpu.memory_space<hbm>>
        tpu.enqueue_dma source(%dma_start3A_525 : memref<128xi32, #tpu.memory_space<hbm>>) target(%arg9 : memref<128xi32, #tpu.memory_space<vmem>>) target_semaphore(%arg38 : memref<!tpu.dma_semaphore, #tpu.memory_space<semaphore_mem>>)
        %dma_start3A_526 = tpu.memref_slice %arg4[%add3A_523] : memref<327680xi32, #tpu.memory_space<hbm>> -> memref<128xi32, #tpu.memory_space<hbm>>
        %dma_start3A_527 = tpu.memref_slice %arg4[%add3A_523] : memref<327680xi32, #tpu.memory_space<hbm>> -> memref<128xi32, #tpu.memory_space<hbm>>
        tpu.enqueue_dma source(%dma_start3A_527 : memref<128xi32, #tpu.memory_space<hbm>>) target(%arg17 : memref<128xi32, #tpu.memory_space<vmem>>) target_semaphore(%arg38 : memref<!tpu.dma_semaphore, #tpu.memory_space<semaphore_mem>>)
      } else {
      }
      %mul3A_363 = arith.constant 8 : i32
      %mul3A_364 = arith.muli %mul3A_363, %add3A_105 : i32
      %add3A_365 = arith.constant 5 : i32
      %add3A_366 = arith.addi %mul3A_364, %add3A_365 : i32
      %add3A_367 = arith.constant 2 : i32
      %add3A_368 = arith.addi %add3A_366, %add3A_367 : i32
      %lt3A_369 = arith.constant 80 : i32
      %lt3A_370 = arith.cmpi slt, %add3A_368, %lt3A_369 : i32
      %convert_element_type3A_371 = arith.extui %lt3A_370 : i1 to i32
      %cond3A_372 = arith.constant 0 : i32
      %cond3A_373 = arith.cmpi ne, %convert_element_type3A_371, %cond3A_372 : i32
      scf.if %cond3A_373 {
        %add3A_519 = arith.constant 2 : i32
        %add3A_520 = arith.addi %add3A_366, %add3A_519 : i32
        %mul3A_521 = arith.constant 128 : i32
        %mul3A_522 = arith.muli %add3A_520, %mul3A_521 : i32
        %add3A_523 = arith.addi %mul3A_31, %mul3A_522 : i32
        %dma_wait3A_524 = tpu.memref_slice %arg3[%add3A_523] : memref<327680xi32, #tpu.memory_space<hbm>> -> memref<128xi32, #tpu.memory_space<hbm>>
        %dma_wait3A_525 = tpu.memref_slice %arg3[%add3A_523] : memref<327680xi32, #tpu.memory_space<hbm>> -> memref<128xi32, #tpu.memory_space<hbm>>
        tpu.wait_dma2 semaphore(%arg43 : memref<!tpu.dma_semaphore, #tpu.memory_space<semaphore_mem>>) src(%dma_wait3A_525 : memref<128xi32, #tpu.memory_space<hbm>>) dst(%arg14 : memref<128xi32, #tpu.memory_space<vmem>>)
        %dma_wait3A_526 = tpu.memref_slice %arg4[%add3A_523] : memref<327680xi32, #tpu.memory_space<hbm>> -> memref<128xi32, #tpu.memory_space<hbm>>
        %dma_wait3A_527 = tpu.memref_slice %arg4[%add3A_523] : memref<327680xi32, #tpu.memory_space<hbm>> -> memref<128xi32, #tpu.memory_space<hbm>>
        tpu.wait_dma2 semaphore(%arg43 : memref<!tpu.dma_semaphore, #tpu.memory_space<semaphore_mem>>) src(%dma_wait3A_527 : memref<128xi32, #tpu.memory_space<hbm>>) dst(%arg22 : memref<128xi32, #tpu.memory_space<vmem>>)
      } else {
      }
      %dma_wait3A_374 = arith.constant 0 : i32
      %dma_wait3A_375 = arith.constant 0 : i32
      %dma_wait3A_376 = tpu.memref_slice %arg2[%dma_wait3A_374, %dma_wait3A_375] : memref<10000x128xbf16, #tpu.memory_space<hbm>> -> memref<10000x128xbf16, #tpu.memory_space<hbm>>
      tpu.wait_indirect_dma semaphore(%arg29 : memref<!tpu.dma_semaphore, #tpu.memory_space<semaphore_mem>>) src(%dma_wait3A_376 : memref<10000x128xbf16, #tpu.memory_space<hbm>>) dst(%arg24 : memref<128x128xbf16, #tpu.memory_space<vmem>>)
      %dma_start3A_377 = arith.constant 0 : i32
      %dma_start3A_378 = arith.constant 0 : i32
      %dma_start3A_379 = tpu.memref_slice %arg27[%dma_start3A_377, %dma_start3A_378] : memref<10016x128xbf16, #tpu.memory_space<vmem_shared>> -> memref<10016x128xbf16, #tpu.memory_space<vmem_shared>>
      tpu.enqueue_indirect_dma source(%arg24 : memref<128x128xbf16, #tpu.memory_space<vmem>>) target(%dma_start3A_379 : memref<10016x128xbf16, #tpu.memory_space<vmem_shared>>) offsets(%arg20 : memref<128xi32, #tpu.memory_space<vmem>>) semaphore(%arg33 : memref<!tpu.dma_semaphore, #tpu.memory_space<semaphore_mem>>) {add = true}
      %get3A_380 = arith.constant 0 : index
      %get3A_381 = tpu.vector_load %arg20[%get3A_380] {strides = array<i32>} : memref<128xi32, #tpu.memory_space<vmem>>, vector<16xi32>,
      tpu.vector_store_idx %arg44[%get3A_381], %broadcast_in_dim3A_29 {add = true} : memref<10016xf32, #tpu.memory_space<vmem>>[vector<16xi32>], vector<16xf32>,
      %get3A_382 = arith.constant 16 : index
      %get3A_383 = tpu.vector_load %arg20[%get3A_382] {strides = array<i32>} : memref<128xi32, #tpu.memory_space<vmem>>, vector<16xi32>,
      tpu.vector_store_idx %arg44[%get3A_383], %broadcast_in_dim3A_29 {add = true} : memref<10016xf32, #tpu.memory_space<vmem>>[vector<16xi32>], vector<16xf32>,
      %get3A_384 = arith.constant 32 : index
      %get3A_385 = tpu.vector_load %arg20[%get3A_384] {strides = array<i32>} : memref<128xi32, #tpu.memory_space<vmem>>, vector<16xi32>,
      tpu.vector_store_idx %arg44[%get3A_385], %broadcast_in_dim3A_29 {add = true} : memref<10016xf32, #tpu.memory_space<vmem>>[vector<16xi32>], vector<16xf32>,
      %get3A_386 = arith.constant 48 : index
      %get3A_387 = tpu.vector_load %arg20[%get3A_386] {strides = array<i32>} : memref<128xi32, #tpu.memory_space<vmem>>, vector<16xi32>,
      tpu.vector_store_idx %arg44[%get3A_387], %broadcast_in_dim3A_29 {add = true} : memref<10016xf32, #tpu.memory_space<vmem>>[vector<16xi32>], vector<16xf32>,
      %get3A_388 = arith.constant 64 : index
      %get3A_389 = tpu.vector_load %arg20[%get3A_388] {strides = array<i32>} : memref<128xi32, #tpu.memory_space<vmem>>, vector<16xi32>,
      tpu.vector_store_idx %arg44[%get3A_389], %broadcast_in_dim3A_29 {add = true} : memref<10016xf32, #tpu.memory_space<vmem>>[vector<16xi32>], vector<16xf32>,
      %get3A_390 = arith.constant 80 : index
      %get3A_391 = tpu.vector_load %arg20[%get3A_390] {strides = array<i32>} : memref<128xi32, #tpu.memory_space<vmem>>, vector<16xi32>,
      tpu.vector_store_idx %arg44[%get3A_391], %broadcast_in_dim3A_29 {add = true} : memref<10016xf32, #tpu.memory_space<vmem>>[vector<16xi32>], vector<16xf32>,
      %get3A_392 = arith.constant 96 : index
      %get3A_393 = tpu.vector_load %arg20[%get3A_392] {strides = array<i32>} : memref<128xi32, #tpu.memory_space<vmem>>, vector<16xi32>,
      tpu.vector_store_idx %arg44[%get3A_393], %broadcast_in_dim3A_29 {add = true} : memref<10016xf32, #tpu.memory_space<vmem>>[vector<16xi32>], vector<16xf32>,
      %get3A_394 = arith.constant 112 : index
      %get3A_395 = tpu.vector_load %arg20[%get3A_394] {strides = array<i32>} : memref<128xi32, #tpu.memory_space<vmem>>, vector<16xi32>,
      tpu.vector_store_idx %arg44[%get3A_395], %broadcast_in_dim3A_29 {add = true} : memref<10016xf32, #tpu.memory_space<vmem>>[vector<16xi32>], vector<16xf32>,
      %ge3A_396 = arith.constant 2 : i32
      %ge3A_397 = arith.cmpi sge, %add3A_366, %ge3A_396 : i32
      %convert_element_type3A_398 = arith.extui %ge3A_397 : i1 to i32
      %cond3A_399 = arith.constant 0 : i32
      %cond3A_400 = arith.cmpi ne, %convert_element_type3A_398, %cond3A_399 : i32
      scf.if %cond3A_400 {
        %dma_wait3A_519 = arith.constant 0 : i32
        %dma_wait3A_520 = arith.constant 0 : i32
        %dma_wait3A_521 = tpu.memref_slice %arg27[%dma_wait3A_519, %dma_wait3A_520] : memref<10016x128xbf16, #tpu.memory_space<vmem_shared>> -> memref<10016x128xbf16, #tpu.memory_space<vmem_shared>>
        tpu.wait_indirect_dma semaphore(%arg35 : memref<!tpu.dma_semaphore, #tpu.memory_space<semaphore_mem>>) src(%arg26 : memref<128x128xbf16, #tpu.memory_space<vmem>>) dst(%dma_wait3A_521 : memref<10016x128xbf16, #tpu.memory_space<vmem_shared>>)
      } else {
      }
      %add3A_401 = arith.constant 2 : i32
      %add3A_402 = arith.addi %add3A_366, %add3A_401 : i32
      %lt3A_403 = arith.constant 80 : i32
      %lt3A_404 = arith.cmpi slt, %add3A_402, %lt3A_403 : i32
      %convert_element_type3A_405 = arith.extui %lt3A_404 : i1 to i32
      %cond3A_406 = arith.constant 0 : i32
      %cond3A_407 = arith.cmpi ne, %convert_element_type3A_405, %cond3A_406 : i32
      scf.if %cond3A_407 {
        %dma_start3A_519 = arith.constant 0 : i32
        %dma_start3A_520 = arith.constant 0 : i32
        %dma_start3A_521 = tpu.memref_slice %arg2[%dma_start3A_519, %dma_start3A_520] : memref<10000x128xbf16, #tpu.memory_space<hbm>> -> memref<10000x128xbf16, #tpu.memory_space<hbm>>
        tpu.enqueue_indirect_dma source(%dma_start3A_521 : memref<10000x128xbf16, #tpu.memory_space<hbm>>) target(%arg26 : memref<128x128xbf16, #tpu.memory_space<vmem>>) offsets(%arg14 : memref<128xi32, #tpu.memory_space<vmem>>) semaphore(%arg31 : memref<!tpu.dma_semaphore, #tpu.memory_space<semaphore_mem>>)
      } else {
      }
      %add3A_408 = arith.constant 6 : i32
      %add3A_409 = arith.addi %add3A_366, %add3A_408 : i32
      %lt3A_410 = arith.constant 80 : i32
      %lt3A_411 = arith.cmpi slt, %add3A_409, %lt3A_410 : i32
      %convert_element_type3A_412 = arith.extui %lt3A_411 : i1 to i32
      %cond3A_413 = arith.constant 0 : i32
      %cond3A_414 = arith.cmpi ne, %convert_element_type3A_412, %cond3A_413 : i32
      scf.if %cond3A_414 {
        %add3A_519 = arith.constant 6 : i32
        %add3A_520 = arith.addi %add3A_366, %add3A_519 : i32
        %mul3A_521 = arith.constant 128 : i32
        %mul3A_522 = arith.muli %add3A_520, %mul3A_521 : i32
        %add3A_523 = arith.addi %mul3A_31, %mul3A_522 : i32
        %dma_start3A_524 = tpu.memref_slice %arg3[%add3A_523] : memref<327680xi32, #tpu.memory_space<hbm>> -> memref<128xi32, #tpu.memory_space<hbm>>
        %dma_start3A_525 = tpu.memref_slice %arg3[%add3A_523] : memref<327680xi32, #tpu.memory_space<hbm>> -> memref<128xi32, #tpu.memory_space<hbm>>
        tpu.enqueue_dma source(%dma_start3A_525 : memref<128xi32, #tpu.memory_space<hbm>>) target(%arg10 : memref<128xi32, #tpu.memory_space<vmem>>) target_semaphore(%arg39 : memref<!tpu.dma_semaphore, #tpu.memory_space<semaphore_mem>>)
        %dma_start3A_526 = tpu.memref_slice %arg4[%add3A_523] : memref<327680xi32, #tpu.memory_space<hbm>> -> memref<128xi32, #tpu.memory_space<hbm>>
        %dma_start3A_527 = tpu.memref_slice %arg4[%add3A_523] : memref<327680xi32, #tpu.memory_space<hbm>> -> memref<128xi32, #tpu.memory_space<hbm>>
        tpu.enqueue_dma source(%dma_start3A_527 : memref<128xi32, #tpu.memory_space<hbm>>) target(%arg18 : memref<128xi32, #tpu.memory_space<vmem>>) target_semaphore(%arg39 : memref<!tpu.dma_semaphore, #tpu.memory_space<semaphore_mem>>)
      } else {
      }
      %mul3A_415 = arith.constant 8 : i32
      %mul3A_416 = arith.muli %mul3A_415, %add3A_105 : i32
      %add3A_417 = arith.constant 6 : i32
      %add3A_418 = arith.addi %mul3A_416, %add3A_417 : i32
      %add3A_419 = arith.constant 2 : i32
      %add3A_420 = arith.addi %add3A_418, %add3A_419 : i32
      %lt3A_421 = arith.constant 80 : i32
      %lt3A_422 = arith.cmpi slt, %add3A_420, %lt3A_421 : i32
      %convert_element_type3A_423 = arith.extui %lt3A_422 : i1 to i32
      %cond3A_424 = arith.constant 0 : i32
      %cond3A_425 = arith.cmpi ne, %convert_element_type3A_423, %cond3A_424 : i32
      scf.if %cond3A_425 {
        %add3A_519 = arith.constant 2 : i32
        %add3A_520 = arith.addi %add3A_418, %add3A_519 : i32
        %mul3A_521 = arith.constant 128 : i32
        %mul3A_522 = arith.muli %add3A_520, %mul3A_521 : i32
        %add3A_523 = arith.addi %mul3A_31, %mul3A_522 : i32
        %dma_wait3A_524 = tpu.memref_slice %arg3[%add3A_523] : memref<327680xi32, #tpu.memory_space<hbm>> -> memref<128xi32, #tpu.memory_space<hbm>>
        %dma_wait3A_525 = tpu.memref_slice %arg3[%add3A_523] : memref<327680xi32, #tpu.memory_space<hbm>> -> memref<128xi32, #tpu.memory_space<hbm>>
        tpu.wait_dma2 semaphore(%arg36 : memref<!tpu.dma_semaphore, #tpu.memory_space<semaphore_mem>>) src(%dma_wait3A_525 : memref<128xi32, #tpu.memory_space<hbm>>) dst(%arg7 : memref<128xi32, #tpu.memory_space<vmem>>)
        %dma_wait3A_526 = tpu.memref_slice %arg4[%add3A_523] : memref<327680xi32, #tpu.memory_space<hbm>> -> memref<128xi32, #tpu.memory_space<hbm>>
        %dma_wait3A_527 = tpu.memref_slice %arg4[%add3A_523] : memref<327680xi32, #tpu.memory_space<hbm>> -> memref<128xi32, #tpu.memory_space<hbm>>
        tpu.wait_dma2 semaphore(%arg36 : memref<!tpu.dma_semaphore, #tpu.memory_space<semaphore_mem>>) src(%dma_wait3A_527 : memref<128xi32, #tpu.memory_space<hbm>>) dst(%arg15 : memref<128xi32, #tpu.memory_space<vmem>>)
      } else {
      }
      %dma_wait3A_426 = arith.constant 0 : i32
      %dma_wait3A_427 = arith.constant 0 : i32
      %dma_wait3A_428 = tpu.memref_slice %arg2[%dma_wait3A_426, %dma_wait3A_427] : memref<10000x128xbf16, #tpu.memory_space<hbm>> -> memref<10000x128xbf16, #tpu.memory_space<hbm>>
      tpu.wait_indirect_dma semaphore(%arg30 : memref<!tpu.dma_semaphore, #tpu.memory_space<semaphore_mem>>) src(%dma_wait3A_428 : memref<10000x128xbf16, #tpu.memory_space<hbm>>) dst(%arg25 : memref<128x128xbf16, #tpu.memory_space<vmem>>)
      %dma_start3A_429 = arith.constant 0 : i32
      %dma_start3A_430 = arith.constant 0 : i32
      %dma_start3A_431 = tpu.memref_slice %arg27[%dma_start3A_429, %dma_start3A_430] : memref<10016x128xbf16, #tpu.memory_space<vmem_shared>> -> memref<10016x128xbf16, #tpu.memory_space<vmem_shared>>
      tpu.enqueue_indirect_dma source(%arg25 : memref<128x128xbf16, #tpu.memory_space<vmem>>) target(%dma_start3A_431 : memref<10016x128xbf16, #tpu.memory_space<vmem_shared>>) offsets(%arg21 : memref<128xi32, #tpu.memory_space<vmem>>) semaphore(%arg34 : memref<!tpu.dma_semaphore, #tpu.memory_space<semaphore_mem>>) {add = true}
      %get3A_432 = arith.constant 0 : index
      %get3A_433 = tpu.vector_load %arg21[%get3A_432] {strides = array<i32>} : memref<128xi32, #tpu.memory_space<vmem>>, vector<16xi32>,
      tpu.vector_store_idx %arg44[%get3A_433], %broadcast_in_dim3A_29 {add = true} : memref<10016xf32, #tpu.memory_space<vmem>>[vector<16xi32>], vector<16xf32>,
      %get3A_434 = arith.constant 16 : index
      %get3A_435 = tpu.vector_load %arg21[%get3A_434] {strides = array<i32>} : memref<128xi32, #tpu.memory_space<vmem>>, vector<16xi32>,
      tpu.vector_store_idx %arg44[%get3A_435], %broadcast_in_dim3A_29 {add = true} : memref<10016xf32, #tpu.memory_space<vmem>>[vector<16xi32>], vector<16xf32>,
      %get3A_436 = arith.constant 32 : index
      %get3A_437 = tpu.vector_load %arg21[%get3A_436] {strides = array<i32>} : memref<128xi32, #tpu.memory_space<vmem>>, vector<16xi32>,
      tpu.vector_store_idx %arg44[%get3A_437], %broadcast_in_dim3A_29 {add = true} : memref<10016xf32, #tpu.memory_space<vmem>>[vector<16xi32>], vector<16xf32>,
      %get3A_438 = arith.constant 48 : index
      %get3A_439 = tpu.vector_load %arg21[%get3A_438] {strides = array<i32>} : memref<128xi32, #tpu.memory_space<vmem>>, vector<16xi32>,
      tpu.vector_store_idx %arg44[%get3A_439], %broadcast_in_dim3A_29 {add = true} : memref<10016xf32, #tpu.memory_space<vmem>>[vector<16xi32>], vector<16xf32>,
      %get3A_440 = arith.constant 64 : index
      %get3A_441 = tpu.vector_load %arg21[%get3A_440] {strides = array<i32>} : memref<128xi32, #tpu.memory_space<vmem>>, vector<16xi32>,
      tpu.vector_store_idx %arg44[%get3A_441], %broadcast_in_dim3A_29 {add = true} : memref<10016xf32, #tpu.memory_space<vmem>>[vector<16xi32>], vector<16xf32>,
      %get3A_442 = arith.constant 80 : index
      %get3A_443 = tpu.vector_load %arg21[%get3A_442] {strides = array<i32>} : memref<128xi32, #tpu.memory_space<vmem>>, vector<16xi32>,
      tpu.vector_store_idx %arg44[%get3A_443], %broadcast_in_dim3A_29 {add = true} : memref<10016xf32, #tpu.memory_space<vmem>>[vector<16xi32>], vector<16xf32>,
      %get3A_444 = arith.constant 96 : index
      %get3A_445 = tpu.vector_load %arg21[%get3A_444] {strides = array<i32>} : memref<128xi32, #tpu.memory_space<vmem>>, vector<16xi32>,
      tpu.vector_store_idx %arg44[%get3A_445], %broadcast_in_dim3A_29 {add = true} : memref<10016xf32, #tpu.memory_space<vmem>>[vector<16xi32>], vector<16xf32>,
      %get3A_446 = arith.constant 112 : index
      %get3A_447 = tpu.vector_load %arg21[%get3A_446] {strides = array<i32>} : memref<128xi32, #tpu.memory_space<vmem>>, vector<16xi32>,
      tpu.vector_store_idx %arg44[%get3A_447], %broadcast_in_dim3A_29 {add = true} : memref<10016xf32, #tpu.memory_space<vmem>>[vector<16xi32>], vector<16xf32>,
      %ge3A_448 = arith.constant 2 : i32
      %ge3A_449 = arith.cmpi sge, %add3A_418, %ge3A_448 : i32
      %convert_element_type3A_450 = arith.extui %ge3A_449 : i1 to i32
      %cond3A_451 = arith.constant 0 : i32
      %cond3A_452 = arith.cmpi ne, %convert_element_type3A_450, %cond3A_451 : i32
      scf.if %cond3A_452 {
        %dma_wait3A_519 = arith.constant 0 : i32
        %dma_wait3A_520 = arith.constant 0 : i32
        %dma_wait3A_521 = tpu.memref_slice %arg27[%dma_wait3A_519, %dma_wait3A_520] : memref<10016x128xbf16, #tpu.memory_space<vmem_shared>> -> memref<10016x128xbf16, #tpu.memory_space<vmem_shared>>
        tpu.wait_indirect_dma semaphore(%arg32 : memref<!tpu.dma_semaphore, #tpu.memory_space<semaphore_mem>>) src(%arg23 : memref<128x128xbf16, #tpu.memory_space<vmem>>) dst(%dma_wait3A_521 : memref<10016x128xbf16, #tpu.memory_space<vmem_shared>>)
      } else {
      }
      %add3A_453 = arith.constant 2 : i32
      %add3A_454 = arith.addi %add3A_418, %add3A_453 : i32
      %lt3A_455 = arith.constant 80 : i32
      %lt3A_456 = arith.cmpi slt, %add3A_454, %lt3A_455 : i32
      %convert_element_type3A_457 = arith.extui %lt3A_456 : i1 to i32
      %cond3A_458 = arith.constant 0 : i32
      %cond3A_459 = arith.cmpi ne, %convert_element_type3A_457, %cond3A_458 : i32
      scf.if %cond3A_459 {
        %dma_start3A_519 = arith.constant 0 : i32
        %dma_start3A_520 = arith.constant 0 : i32
        %dma_start3A_521 = tpu.memref_slice %arg2[%dma_start3A_519, %dma_start3A_520] : memref<10000x128xbf16, #tpu.memory_space<hbm>> -> memref<10000x128xbf16, #tpu.memory_space<hbm>>
        tpu.enqueue_indirect_dma source(%dma_start3A_521 : memref<10000x128xbf16, #tpu.memory_space<hbm>>) target(%arg23 : memref<128x128xbf16, #tpu.memory_space<vmem>>) offsets(%arg7 : memref<128xi32, #tpu.memory_space<vmem>>) semaphore(%arg28 : memref<!tpu.dma_semaphore, #tpu.memory_space<semaphore_mem>>)
      } else {
      }
      %add3A_460 = arith.constant 6 : i32
      %add3A_461 = arith.addi %add3A_418, %add3A_460 : i32
      %lt3A_462 = arith.constant 80 : i32
      %lt3A_463 = arith.cmpi slt, %add3A_461, %lt3A_462 : i32
      %convert_element_type3A_464 = arith.extui %lt3A_463 : i1 to i32
      %cond3A_465 = arith.constant 0 : i32
      %cond3A_466 = arith.cmpi ne, %convert_element_type3A_464, %cond3A_465 : i32
      scf.if %cond3A_466 {
        %add3A_519 = arith.constant 6 : i32
        %add3A_520 = arith.addi %add3A_418, %add3A_519 : i32
        %mul3A_521 = arith.constant 128 : i32
        %mul3A_522 = arith.muli %add3A_520, %mul3A_521 : i32
        %add3A_523 = arith.addi %mul3A_31, %mul3A_522 : i32
        %dma_start3A_524 = tpu.memref_slice %arg3[%add3A_523] : memref<327680xi32, #tpu.memory_space<hbm>> -> memref<128xi32, #tpu.memory_space<hbm>>
        %dma_start3A_525 = tpu.memref_slice %arg3[%add3A_523] : memref<327680xi32, #tpu.memory_space<hbm>> -> memref<128xi32, #tpu.memory_space<hbm>>
        tpu.enqueue_dma source(%dma_start3A_525 : memref<128xi32, #tpu.memory_space<hbm>>) target(%arg11 : memref<128xi32, #tpu.memory_space<vmem>>) target_semaphore(%arg40 : memref<!tpu.dma_semaphore, #tpu.memory_space<semaphore_mem>>)
        %dma_start3A_526 = tpu.memref_slice %arg4[%add3A_523] : memref<327680xi32, #tpu.memory_space<hbm>> -> memref<128xi32, #tpu.memory_space<hbm>>
        %dma_start3A_527 = tpu.memref_slice %arg4[%add3A_523] : memref<327680xi32, #tpu.memory_space<hbm>> -> memref<128xi32, #tpu.memory_space<hbm>>
        tpu.enqueue_dma source(%dma_start3A_527 : memref<128xi32, #tpu.memory_space<hbm>>) target(%arg19 : memref<128xi32, #tpu.memory_space<vmem>>) target_semaphore(%arg40 : memref<!tpu.dma_semaphore, #tpu.memory_space<semaphore_mem>>)
      } else {
      }
      %mul3A_467 = arith.constant 8 : i32
      %mul3A_468 = arith.muli %mul3A_467, %add3A_105 : i32
      %add3A_469 = arith.constant 7 : i32
      %add3A_470 = arith.addi %mul3A_468, %add3A_469 : i32
      %add3A_471 = arith.constant 2 : i32
      %add3A_472 = arith.addi %add3A_470, %add3A_471 : i32
      %lt3A_473 = arith.constant 80 : i32
      %lt3A_474 = arith.cmpi slt, %add3A_472, %lt3A_473 : i32
      %convert_element_type3A_475 = arith.extui %lt3A_474 : i1 to i32
      %cond3A_476 = arith.constant 0 : i32
      %cond3A_477 = arith.cmpi ne, %convert_element_type3A_475, %cond3A_476 : i32
      scf.if %cond3A_477 {
        %add3A_519 = arith.constant 2 : i32
        %add3A_520 = arith.addi %add3A_470, %add3A_519 : i32
        %mul3A_521 = arith.constant 128 : i32
        %mul3A_522 = arith.muli %add3A_520, %mul3A_521 : i32
        %add3A_523 = arith.addi %mul3A_31, %mul3A_522 : i32
        %dma_wait3A_524 = tpu.memref_slice %arg3[%add3A_523] : memref<327680xi32, #tpu.memory_space<hbm>> -> memref<128xi32, #tpu.memory_space<hbm>>
        %dma_wait3A_525 = tpu.memref_slice %arg3[%add3A_523] : memref<327680xi32, #tpu.memory_space<hbm>> -> memref<128xi32, #tpu.memory_space<hbm>>
        tpu.wait_dma2 semaphore(%arg37 : memref<!tpu.dma_semaphore, #tpu.memory_space<semaphore_mem>>) src(%dma_wait3A_525 : memref<128xi32, #tpu.memory_space<hbm>>) dst(%arg8 : memref<128xi32, #tpu.memory_space<vmem>>)
        %dma_wait3A_526 = tpu.memref_slice %arg4[%add3A_523] : memref<327680xi32, #tpu.memory_space<hbm>> -> memref<128xi32, #tpu.memory_space<hbm>>
        %dma_wait3A_527 = tpu.memref_slice %arg4[%add3A_523] : memref<327680xi32, #tpu.memory_space<hbm>> -> memref<128xi32, #tpu.memory_space<hbm>>
        tpu.wait_dma2 semaphore(%arg37 : memref<!tpu.dma_semaphore, #tpu.memory_space<semaphore_mem>>) src(%dma_wait3A_527 : memref<128xi32, #tpu.memory_space<hbm>>) dst(%arg16 : memref<128xi32, #tpu.memory_space<vmem>>)
      } else {
      }
      %dma_wait3A_478 = arith.constant 0 : i32
      %dma_wait3A_479 = arith.constant 0 : i32
      %dma_wait3A_480 = tpu.memref_slice %arg2[%dma_wait3A_478, %dma_wait3A_479] : memref<10000x128xbf16, #tpu.memory_space<hbm>> -> memref<10000x128xbf16, #tpu.memory_space<hbm>>
      tpu.wait_indirect_dma semaphore(%arg31 : memref<!tpu.dma_semaphore, #tpu.memory_space<semaphore_mem>>) src(%dma_wait3A_480 : memref<10000x128xbf16, #tpu.memory_space<hbm>>) dst(%arg26 : memref<128x128xbf16, #tpu.memory_space<vmem>>)
      %dma_start3A_481 = arith.constant 0 : i32
      %dma_start3A_482 = arith.constant 0 : i32
      %dma_start3A_483 = tpu.memref_slice %arg27[%dma_start3A_481, %dma_start3A_482] : memref<10016x128xbf16, #tpu.memory_space<vmem_shared>> -> memref<10016x128xbf16, #tpu.memory_space<vmem_shared>>
      tpu.enqueue_indirect_dma source(%arg26 : memref<128x128xbf16, #tpu.memory_space<vmem>>) target(%dma_start3A_483 : memref<10016x128xbf16, #tpu.memory_space<vmem_shared>>) offsets(%arg22 : memref<128xi32, #tpu.memory_space<vmem>>) semaphore(%arg35 : memref<!tpu.dma_semaphore, #tpu.memory_space<semaphore_mem>>) {add = true}
      %get3A_484 = arith.constant 0 : index
      %get3A_485 = tpu.vector_load %arg22[%get3A_484] {strides = array<i32>} : memref<128xi32, #tpu.memory_space<vmem>>, vector<16xi32>,
      tpu.vector_store_idx %arg44[%get3A_485], %broadcast_in_dim3A_29 {add = true} : memref<10016xf32, #tpu.memory_space<vmem>>[vector<16xi32>], vector<16xf32>,
      %get3A_486 = arith.constant 16 : index
      %get3A_487 = tpu.vector_load %arg22[%get3A_486] {strides = array<i32>} : memref<128xi32, #tpu.memory_space<vmem>>, vector<16xi32>,
      tpu.vector_store_idx %arg44[%get3A_487], %broadcast_in_dim3A_29 {add = true} : memref<10016xf32, #tpu.memory_space<vmem>>[vector<16xi32>], vector<16xf32>,
      %get3A_488 = arith.constant 32 : index
      %get3A_489 = tpu.vector_load %arg22[%get3A_488] {strides = array<i32>} : memref<128xi32, #tpu.memory_space<vmem>>, vector<16xi32>,
      tpu.vector_store_idx %arg44[%get3A_489], %broadcast_in_dim3A_29 {add = true} : memref<10016xf32, #tpu.memory_space<vmem>>[vector<16xi32>], vector<16xf32>,
      %get3A_490 = arith.constant 48 : index
      %get3A_491 = tpu.vector_load %arg22[%get3A_490] {strides = array<i32>} : memref<128xi32, #tpu.memory_space<vmem>>, vector<16xi32>,
      tpu.vector_store_idx %arg44[%get3A_491], %broadcast_in_dim3A_29 {add = true} : memref<10016xf32, #tpu.memory_space<vmem>>[vector<16xi32>], vector<16xf32>,
      %get3A_492 = arith.constant 64 : index
      %get3A_493 = tpu.vector_load %arg22[%get3A_492] {strides = array<i32>} : memref<128xi32, #tpu.memory_space<vmem>>, vector<16xi32>,
      tpu.vector_store_idx %arg44[%get3A_493], %broadcast_in_dim3A_29 {add = true} : memref<10016xf32, #tpu.memory_space<vmem>>[vector<16xi32>], vector<16xf32>,
      %get3A_494 = arith.constant 80 : index
      %get3A_495 = tpu.vector_load %arg22[%get3A_494] {strides = array<i32>} : memref<128xi32, #tpu.memory_space<vmem>>, vector<16xi32>,
      tpu.vector_store_idx %arg44[%get3A_495], %broadcast_in_dim3A_29 {add = true} : memref<10016xf32, #tpu.memory_space<vmem>>[vector<16xi32>], vector<16xf32>,
      %get3A_496 = arith.constant 96 : index
      %get3A_497 = tpu.vector_load %arg22[%get3A_496] {strides = array<i32>} : memref<128xi32, #tpu.memory_space<vmem>>, vector<16xi32>,
      tpu.vector_store_idx %arg44[%get3A_497], %broadcast_in_dim3A_29 {add = true} : memref<10016xf32, #tpu.memory_space<vmem>>[vector<16xi32>], vector<16xf32>,
      %get3A_498 = arith.constant 112 : index
      %get3A_499 = tpu.vector_load %arg22[%get3A_498] {strides = array<i32>} : memref<128xi32, #tpu.memory_space<vmem>>, vector<16xi32>,
      tpu.vector_store_idx %arg44[%get3A_499], %broadcast_in_dim3A_29 {add = true} : memref<10016xf32, #tpu.memory_space<vmem>>[vector<16xi32>], vector<16xf32>,
      %ge3A_500 = arith.constant 2 : i32
      %ge3A_501 = arith.cmpi sge, %add3A_470, %ge3A_500 : i32
      %convert_element_type3A_502 = arith.extui %ge3A_501 : i1 to i32
      %cond3A_503 = arith.constant 0 : i32
      %cond3A_504 = arith.cmpi ne, %convert_element_type3A_502, %cond3A_503 : i32
      scf.if %cond3A_504 {
        %dma_wait3A_519 = arith.constant 0 : i32
        %dma_wait3A_520 = arith.constant 0 : i32
        %dma_wait3A_521 = tpu.memref_slice %arg27[%dma_wait3A_519, %dma_wait3A_520] : memref<10016x128xbf16, #tpu.memory_space<vmem_shared>> -> memref<10016x128xbf16, #tpu.memory_space<vmem_shared>>
        tpu.wait_indirect_dma semaphore(%arg33 : memref<!tpu.dma_semaphore, #tpu.memory_space<semaphore_mem>>) src(%arg24 : memref<128x128xbf16, #tpu.memory_space<vmem>>) dst(%dma_wait3A_521 : memref<10016x128xbf16, #tpu.memory_space<vmem_shared>>)
      } else {
      }
      %add3A_505 = arith.constant 2 : i32
      %add3A_506 = arith.addi %add3A_470, %add3A_505 : i32
      %lt3A_507 = arith.constant 80 : i32
      %lt3A_508 = arith.cmpi slt, %add3A_506, %lt3A_507 : i32
      %convert_element_type3A_509 = arith.extui %lt3A_508 : i1 to i32
      %cond3A_510 = arith.constant 0 : i32
      %cond3A_511 = arith.cmpi ne, %convert_element_type3A_509, %cond3A_510 : i32
      scf.if %cond3A_511 {
        %dma_start3A_519 = arith.constant 0 : i32
        %dma_start3A_520 = arith.constant 0 : i32
        %dma_start3A_521 = tpu.memref_slice %arg2[%dma_start3A_519, %dma_start3A_520] : memref<10000x128xbf16, #tpu.memory_space<hbm>> -> memref<10000x128xbf16, #tpu.memory_space<hbm>>
        tpu.enqueue_indirect_dma source(%dma_start3A_521 : memref<10000x128xbf16, #tpu.memory_space<hbm>>) target(%arg24 : memref<128x128xbf16, #tpu.memory_space<vmem>>) offsets(%arg8 : memref<128xi32, #tpu.memory_space<vmem>>) semaphore(%arg29 : memref<!tpu.dma_semaphore, #tpu.memory_space<semaphore_mem>>)
      } else {
      }
      %add3A_512 = arith.constant 6 : i32
      %add3A_513 = arith.addi %add3A_470, %add3A_512 : i32
      %lt3A_514 = arith.constant 80 : i32
      %lt3A_515 = arith.cmpi slt, %add3A_513, %lt3A_514 : i32
      %convert_element_type3A_516 = arith.extui %lt3A_515 : i1 to i32
      %cond3A_517 = arith.constant 0 : i32
      %cond3A_518 = arith.cmpi ne, %convert_element_type3A_516, %cond3A_517 : i32
      scf.if %cond3A_518 {
        %add3A_519 = arith.constant 6 : i32
        %add3A_520 = arith.addi %add3A_470, %add3A_519 : i32
        %mul3A_521 = arith.constant 128 : i32
        %mul3A_522 = arith.muli %add3A_520, %mul3A_521 : i32
        %add3A_523 = arith.addi %mul3A_31, %mul3A_522 : i32
        %dma_start3A_524 = tpu.memref_slice %arg3[%add3A_523] : memref<327680xi32, #tpu.memory_space<hbm>> -> memref<128xi32, #tpu.memory_space<hbm>>
        %dma_start3A_525 = tpu.memref_slice %arg3[%add3A_523] : memref<327680xi32, #tpu.memory_space<hbm>> -> memref<128xi32, #tpu.memory_space<hbm>>
        tpu.enqueue_dma source(%dma_start3A_525 : memref<128xi32, #tpu.memory_space<hbm>>) target(%arg12 : memref<128xi32, #tpu.memory_space<vmem>>) target_semaphore(%arg41 : memref<!tpu.dma_semaphore, #tpu.memory_space<semaphore_mem>>)
        %dma_start3A_526 = tpu.memref_slice %arg4[%add3A_523] : memref<327680xi32, #tpu.memory_space<hbm>> -> memref<128xi32, #tpu.memory_space<hbm>>
        %dma_start3A_527 = tpu.memref_slice %arg4[%add3A_523] : memref<327680xi32, #tpu.memory_space<hbm>> -> memref<128xi32, #tpu.memory_space<hbm>>
        tpu.enqueue_dma source(%dma_start3A_527 : memref<128xi32, #tpu.memory_space<hbm>>) target(%arg20 : memref<128xi32, #tpu.memory_space<vmem>>) target_semaphore(%arg41 : memref<!tpu.dma_semaphore, #tpu.memory_space<semaphore_mem>>)
      } else {
      }
    }
    %scan3A_88 = arith.constant 10 : i32
    %dma_wait3A_89 = arith.constant 0 : i32
    %dma_wait3A_90 = arith.constant 0 : i32
    %dma_wait3A_91 = tpu.memref_slice %arg27[%dma_wait3A_89, %dma_wait3A_90] : memref<10016x128xbf16, #tpu.memory_space<vmem_shared>> -> memref<10016x128xbf16, #tpu.memory_space<vmem_shared>>
    tpu.wait_indirect_dma semaphore(%arg34 : memref<!tpu.dma_semaphore, #tpu.memory_space<semaphore_mem>>) src(%arg25 : memref<128x128xbf16, #tpu.memory_space<vmem>>) dst(%dma_wait3A_91 : memref<10016x128xbf16, #tpu.memory_space<vmem_shared>>)
    %dma_wait3A_92 = arith.constant 0 : i32
    %dma_wait3A_93 = arith.constant 0 : i32
    %dma_wait3A_94 = tpu.memref_slice %arg27[%dma_wait3A_92, %dma_wait3A_93] : memref<10016x128xbf16, #tpu.memory_space<vmem_shared>> -> memref<10016x128xbf16, #tpu.memory_space<vmem_shared>>
    tpu.wait_indirect_dma semaphore(%arg35 : memref<!tpu.dma_semaphore, #tpu.memory_space<semaphore_mem>>) src(%arg26 : memref<128x128xbf16, #tpu.memory_space<vmem>>) dst(%dma_wait3A_94 : memref<10016x128xbf16, #tpu.memory_space<vmem_shared>>)
    %barrier3A_95 = arith.constant 0 : index
    tpu.barrier barrier_id(%barrier3A_95)
    "tpu.region"() ({
      %run_scoped3A_101 = tpu.sem_alloc : memref<!tpu.dma_semaphore, #tpu.memory_space<semaphore_mem>>
      %dma_start3A_102 = arith.constant 0 : i32
      %dma_start3A_103 = tpu.memref_slice %arg5[%arg0, %mul3A_9, %dma_start3A_102] : memref<2x10000x128xbf16, #tpu.memory_space<hbm>> -> memref<1x624x128xbf16, #tpu.memory_space<hbm>>
      %dma_start3A_104 = tpu.memref_squeeze %dma_start3A_103 : memref<1x624x128xbf16, #tpu.memory_space<hbm>> -> memref<624x128xbf16, #tpu.memory_space<hbm>>
      %dma_start3A_105 = arith.constant 0 : i32
      %dma_start3A_106 = tpu.memref_slice %arg27[%mul3A_9, %dma_start3A_105] : memref<10016x128xbf16, #tpu.memory_space<vmem_shared>> -> memref<624x128xbf16, #tpu.memory_space<vmem_shared>>
      tpu.enqueue_dma source(%dma_start3A_106 : memref<624x128xbf16, #tpu.memory_space<vmem_shared>>) target(%dma_start3A_104 : memref<624x128xbf16, #tpu.memory_space<hbm>>) target_semaphore(%run_scoped3A_101 : memref<!tpu.dma_semaphore, #tpu.memory_space<semaphore_mem>>)
      %dma_wait3A_107 = arith.constant 0 : i32
      %dma_wait3A_108 = tpu.memref_slice %arg5[%arg0, %mul3A_9, %dma_wait3A_107] : memref<2x10000x128xbf16, #tpu.memory_space<hbm>> -> memref<1x624x128xbf16, #tpu.memory_space<hbm>>
      %dma_wait3A_109 = tpu.memref_squeeze %dma_wait3A_108 : memref<1x624x128xbf16, #tpu.memory_space<hbm>> -> memref<624x128xbf16, #tpu.memory_space<hbm>>
      %dma_wait3A_110 = arith.constant 0 : i32
      %dma_wait3A_111 = tpu.memref_slice %arg27[%mul3A_9, %dma_wait3A_110] : memref<10016x128xbf16, #tpu.memory_space<vmem_shared>> -> memref<624x128xbf16, #tpu.memory_space<vmem_shared>>
      tpu.wait_dma2 semaphore(%run_scoped3A_101 : memref<!tpu.dma_semaphore, #tpu.memory_space<semaphore_mem>>) src(%dma_wait3A_111 : memref<624x128xbf16, #tpu.memory_space<vmem_shared>>) dst(%dma_wait3A_109 : memref<624x128xbf16, #tpu.memory_space<hbm>>)
      tpu.yield
    }) : () -> ()
    %eq3A_96 = arith.constant 15 : i32
    %eq3A_97 = arith.cmpi eq, %arg1, %eq3A_96 : i32
    %convert_element_type3A_98 = arith.extui %eq3A_97 : i1 to i32
    %cond3A_99 = arith.constant 0 : i32
    %cond3A_100 = arith.cmpi ne, %convert_element_type3A_98, %cond3A_99 : i32
    scf.if %cond3A_100 {
      "tpu.region"() ({
        %run_scoped3A_101 = tpu.sem_alloc : memref<!tpu.dma_semaphore, #tpu.memory_space<semaphore_mem>>
        %dma_start3A_102 = arith.constant 9984 : i32
        %dma_start3A_103 = arith.constant 0 : i32
        %dma_start3A_104 = tpu.memref_slice %arg5[%arg0, %dma_start3A_102, %dma_start3A_103] : memref<2x10000x128xbf16, #tpu.memory_space<hbm>> -> memref<1x16x128xbf16, #tpu.memory_space<hbm>>
        %dma_start3A_105 = tpu.memref_squeeze %dma_start3A_104 : memref<1x16x128xbf16, #tpu.memory_space<hbm>> -> memref<16x128xbf16, #tpu.memory_space<hbm>>
        %dma_start3A_106 = arith.constant 9984 : i32
        %dma_start3A_107 = arith.constant 0 : i32
        %dma_start3A_108 = tpu.memref_slice %arg27[%dma_start3A_106, %dma_start3A_107] : memref<10016x128xbf16, #tpu.memory_space<vmem_shared>> -> memref<16x128xbf16, #tpu.memory_space<vmem_shared>>
        tpu.enqueue_dma source(%dma_start3A_108 : memref<16x128xbf16, #tpu.memory_space<vmem_shared>>) target(%dma_start3A_105 : memref<16x128xbf16, #tpu.memory_space<hbm>>) target_semaphore(%run_scoped3A_101 : memref<!tpu.dma_semaphore, #tpu.memory_space<semaphore_mem>>)
        %dma_wait3A_109 = arith.constant 9984 : i32
        %dma_wait3A_110 = arith.constant 0 : i32
        %dma_wait3A_111 = tpu.memref_slice %arg5[%arg0, %dma_wait3A_109, %dma_wait3A_110] : memref<2x10000x128xbf16, #tpu.memory_space<hbm>> -> memref<1x16x128xbf16, #tpu.memory_space<hbm>>
        %dma_wait3A_112 = tpu.memref_squeeze %dma_wait3A_111 : memref<1x16x128xbf16, #tpu.memory_space<hbm>> -> memref<16x128xbf16, #tpu.memory_space<hbm>>
        %dma_wait3A_113 = arith.constant 9984 : i32
        %dma_wait3A_114 = arith.constant 0 : i32
        %dma_wait3A_115 = tpu.memref_slice %arg27[%dma_wait3A_113, %dma_wait3A_114] : memref<10016x128xbf16, #tpu.memory_space<vmem_shared>> -> memref<16x128xbf16, #tpu.memory_space<vmem_shared>>
        tpu.wait_dma2 semaphore(%run_scoped3A_101 : memref<!tpu.dma_semaphore, #tpu.memory_space<semaphore_mem>>) src(%dma_wait3A_115 : memref<16x128xbf16, #tpu.memory_space<vmem_shared>>) dst(%dma_wait3A_112 : memref<16x128xbf16, #tpu.memory_space<hbm>>)
        tpu.yield
      }) : () -> ()
    } else {
    }
    %run_scoped3A = arith.constant 0 : i32
    "tpu.region"() ({
      %run_scoped3A_101 = tpu.sem_alloc : memref<!tpu.dma_semaphore, #tpu.memory_space<semaphore_mem>>
      %dma_start3A_102 = arith.constant 0 : i32
      %dma_start3A_103 = tpu.memref_slice %arg44[%dma_start3A_102] : memref<10016xf32, #tpu.memory_space<vmem>> -> memref<10000xf32, #tpu.memory_space<vmem>>
      %dma_start3A_104 = arith.constant 0 : i32
      %dma_start3A_105 = tpu.memref_slice %arg6[%add3A, %run_scoped3A, %dma_start3A_104] : memref<32x1x10000xf32, #tpu.memory_space<hbm>> -> memref<1x1x10000xf32, #tpu.memory_space<hbm>>
      %dma_start3A_106 = tpu.memref_squeeze %dma_start3A_105 : memref<1x1x10000xf32, #tpu.memory_space<hbm>> -> memref<10000xf32, #tpu.memory_space<hbm>>
      %dma_start3A_107 = arith.constant 0 : i32
      %dma_start3A_108 = tpu.memref_slice %arg6[%add3A, %run_scoped3A, %dma_start3A_107] : memref<32x1x10000xf32, #tpu.memory_space<hbm>> -> memref<1x1x10000xf32, #tpu.memory_space<hbm>>
      %dma_start3A_109 = tpu.memref_squeeze %dma_start3A_108 : memref<1x1x10000xf32, #tpu.memory_space<hbm>> -> memref<10000xf32, #tpu.memory_space<hbm>>
      %dma_start3A_110 = arith.constant 0 : i32
      %dma_start3A_111 = tpu.memref_slice %arg44[%dma_start3A_110] : memref<10016xf32, #tpu.memory_space<vmem>> -> memref<10000xf32, #tpu.memory_space<vmem>>
      tpu.enqueue_dma source(%dma_start3A_111 : memref<10000xf32, #tpu.memory_space<vmem>>) target(%dma_start3A_109 : memref<10000xf32, #tpu.memory_space<hbm>>) target_semaphore(%run_scoped3A_101 : memref<!tpu.dma_semaphore, #tpu.memory_space<semaphore_mem>>)
      %dma_wait3A_112 = arith.constant 0 : i32
      %dma_wait3A_113 = tpu.memref_slice %arg44[%dma_wait3A_112] : memref<10016xf32, #tpu.memory_space<vmem>> -> memref<10000xf32, #tpu.memory_space<vmem>>
      %dma_wait3A_114 = arith.constant 0 : i32
      %dma_wait3A_115 = tpu.memref_slice %arg6[%add3A, %run_scoped3A, %dma_wait3A_114] : memref<32x1x10000xf32, #tpu.memory_space<hbm>> -> memref<1x1x10000xf32, #tpu.memory_space<hbm>>
      %dma_wait3A_116 = tpu.memref_squeeze %dma_wait3A_115 : memref<1x1x10000xf32, #tpu.memory_space<hbm>> -> memref<10000xf32, #tpu.memory_space<hbm>>
      %dma_wait3A_117 = arith.constant 0 : i32
      %dma_wait3A_118 = tpu.memref_slice %arg6[%add3A, %run_scoped3A, %dma_wait3A_117] : memref<32x1x10000xf32, #tpu.memory_space<hbm>> -> memref<1x1x10000xf32, #tpu.memory_space<hbm>>
      %dma_wait3A_119 = tpu.memref_squeeze %dma_wait3A_118 : memref<1x1x10000xf32, #tpu.memory_space<hbm>> -> memref<10000xf32, #tpu.memory_space<hbm>>
      %dma_wait3A_120 = arith.constant 0 : i32
      %dma_wait3A_121 = tpu.memref_slice %arg44[%dma_wait3A_120] : memref<10016xf32, #tpu.memory_space<vmem>> -> memref<10000xf32, #tpu.memory_space<vmem>>
      tpu.wait_dma2 semaphore(%run_scoped3A_101 : memref<!tpu.dma_semaphore, #tpu.memory_space<semaphore_mem>>) src(%dma_wait3A_121 : memref<10000xf32, #tpu.memory_space<vmem>>) dst(%dma_wait3A_119 : memref<10000xf32, #tpu.memory_space<hbm>>)
      tpu.yield
    }) : () -> ()
    return
  }
}

#map = affine_map<(d0, d1) -> (0, 0)>
#map1 = affine_map<(d0, d1) -> (0)>
#map2 = affine_map<(d0, d1) -> (0, 0, 0)>
module attributes {stable_mosaic.version = 14 : i64} {
  func.func @body(%arg0: i32, %arg1: i32, %arg2: memref<10000x64xbf16, #tpu.memory_space<hbm>>, %arg3: memref<327680xi32, #tpu.memory_space<hbm>>, %arg4: memref<327680xi32, #tpu.memory_space<hbm>>, %arg5: memref<2x10000x64xbf16, #tpu.memory_space<hbm>>, %arg6: memref<128xi32, #tpu.memory_space<vmem>>, %arg7: memref<128xi32, #tpu.memory_space<vmem>>, %arg8: memref<128xi32, #tpu.memory_space<vmem>>, %arg9: memref<128xi32, #tpu.memory_space<vmem>>, %arg10: memref<128xi32, #tpu.memory_space<vmem>>, %arg11: memref<128xi32, #tpu.memory_space<vmem>>, %arg12: memref<128xi32, #tpu.memory_space<vmem>>, %arg13: memref<128xi32, #tpu.memory_space<vmem>>, %arg14: memref<128xi32, #tpu.memory_space<vmem>>, %arg15: memref<128xi32, #tpu.memory_space<vmem>>, %arg16: memref<128xi32, #tpu.memory_space<vmem>>, %arg17: memref<128xi32, #tpu.memory_space<vmem>>, %arg18: memref<128xi32, #tpu.memory_space<vmem>>, %arg19: memref<128xi32, #tpu.memory_space<vmem>>, %arg20: memref<128xi32, #tpu.memory_space<vmem>>, %arg21: memref<128xi32, #tpu.memory_space<vmem>>, %arg22: memref<128x64xbf16, #tpu.memory_space<vmem>>, %arg23: memref<128x64xbf16, #tpu.memory_space<vmem>>, %arg24: memref<128x64xbf16, #tpu.memory_space<vmem>>, %arg25: memref<128x64xbf16, #tpu.memory_space<vmem>>, %arg26: memref<10016x64xbf16, #tpu.memory_space<vmem_shared>>, %arg27: memref<!tpu.dma_semaphore, #tpu.memory_space<semaphore_mem>>, %arg28: memref<!tpu.dma_semaphore, #tpu.memory_space<semaphore_mem>>, %arg29: memref<!tpu.dma_semaphore, #tpu.memory_space<semaphore_mem>>, %arg30: memref<!tpu.dma_semaphore, #tpu.memory_space<semaphore_mem>>, %arg31: memref<!tpu.dma_semaphore, #tpu.memory_space<semaphore_mem>>, %arg32: memref<!tpu.dma_semaphore, #tpu.memory_space<semaphore_mem>>, %arg33: memref<!tpu.dma_semaphore, #tpu.memory_space<semaphore_mem>>, %arg34: memref<!tpu.dma_semaphore, #tpu.memory_space<semaphore_mem>>, %arg35: memref<!tpu.dma_semaphore, #tpu.memory_space<semaphore_mem>>, %arg36: memref<!tpu.dma_semaphore, #tpu.memory_space<semaphore_mem>>, %arg37: memref<!tpu.dma_semaphore, #tpu.memory_space<semaphore_mem>>, %arg38: memref<!tpu.dma_semaphore, #tpu.memory_space<semaphore_mem>>, %arg39: memref<!tpu.dma_semaphore, #tpu.memory_space<semaphore_mem>>, %arg40: memref<!tpu.dma_semaphore, #tpu.memory_space<semaphore_mem>>, %arg41: memref<!tpu.dma_semaphore, #tpu.memory_space<semaphore_mem>>, %arg42: memref<!tpu.dma_semaphore, #tpu.memory_space<semaphore_mem>>) attributes {dimension_semantics = [#tpu.dimension_semantics<core_parallel>, #tpu.dimension_semantics<subcore_parallel>], iteration_bounds = array<i64: 2, 16>, scalar_prefetch = 0 : i64, scratch_operands = 37 : i64, tpu.core_type = #tpu.core_type<sc_vector_subcore>, window_params = [{transform_indices = #map}, {transform_indices = #map1}, {transform_indices = #map1}, {transform_indices = #map2}]} {
    %mul3A = arith.constant 16 : i32
    %mul3A_0 = arith.muli %arg0, %mul3A : i32
    %add3A = arith.addi %mul3A_0, %arg1 : i32
    %broadcast_in_dim3A = arith.constant 0.000000e+00 : f32
    %broadcast_in_dim3A_1 = vector.broadcast %broadcast_in_dim3A : f32 to vector<16xf32>
    %broadcast_in_dim3A_2 = arith.constant 0.000000e+00 : bf16
    %broadcast_in_dim3A_3 = vector.broadcast %broadcast_in_dim3A_2 : bf16 to vector<32xbf16>
    %scan3A = arith.constant 0 : i32
    %scan3A_4 = arith.constant 128 : i32
    %scan3A_5 = arith.addi %scan3A, %scan3A_4 : i32
    %scan3A_6 = arith.constant 1 : i32
    scf.for %scan3A_96 = %scan3A to %scan3A_5 step %scan3A_6  : i32 {
      %mul3A_97 = arith.constant 1 : i32
      %mul3A_98 = arith.muli %scan3A_96, %mul3A_97 : i32
      %add3A_99 = arith.constant 0 : i32
      %add3A_100 = arith.addi %add3A_99, %mul3A_98 : i32
      %swap3A = arith.index_cast %add3A_100 : i32 to index
      %swap3A_101 = arith.constant 0 : index
      %swap3A_102 = tpu.vector_load %arg22[%swap3A, %swap3A_101] {strides = array<i32>} : memref<128x64xbf16, #tpu.memory_space<vmem>>, vector<32xbf16>,
      tpu.vector_store %arg22[%swap3A, %swap3A_101], %broadcast_in_dim3A_3 {strides = array<i32>} : memref<128x64xbf16, #tpu.memory_space<vmem>>, vector<32xbf16>,
      %swap3A_103 = arith.index_cast %add3A_100 : i32 to index
      %swap3A_104 = arith.constant 32 : index
      %swap3A_105 = tpu.vector_load %arg22[%swap3A_103, %swap3A_104] {strides = array<i32>} : memref<128x64xbf16, #tpu.memory_space<vmem>>, vector<32xbf16>,
      tpu.vector_store %arg22[%swap3A_103, %swap3A_104], %broadcast_in_dim3A_3 {strides = array<i32>} : memref<128x64xbf16, #tpu.memory_space<vmem>>, vector<32xbf16>,
    }
    %scan3A_7 = arith.constant 128 : i32
    %mul3A_8 = arith.constant 624 : i32
    %mul3A_9 = arith.muli %arg1, %mul3A_8 : i32
    %add3A_10 = arith.constant 0 : i32
    %add3A_11 = arith.addi %mul3A_9, %add3A_10 : i32
    "tpu.region"() ({
      %run_scoped3A = tpu.sem_alloc : memref<!tpu.dma_semaphore, #tpu.memory_space<semaphore_mem>>
      %dma_start3A_96 = arith.constant 0 : i32
      %dma_start3A_97 = tpu.memref_slice %arg26[%add3A_11, %dma_start3A_96] : memref<10016x64xbf16, #tpu.memory_space<vmem_shared>> -> memref<128x64xbf16, #tpu.memory_space<vmem_shared>>
      %dma_start3A_98 = arith.constant 0 : i32
      %dma_start3A_99 = tpu.memref_slice %arg26[%add3A_11, %dma_start3A_98] : memref<10016x64xbf16, #tpu.memory_space<vmem_shared>> -> memref<128x64xbf16, #tpu.memory_space<vmem_shared>>
      tpu.enqueue_dma source(%arg22 : memref<128x64xbf16, #tpu.memory_space<vmem>>) target(%dma_start3A_99 : memref<128x64xbf16, #tpu.memory_space<vmem_shared>>) target_semaphore(%run_scoped3A : memref<!tpu.dma_semaphore, #tpu.memory_space<semaphore_mem>>)
      %dma_wait3A_100 = arith.constant 0 : i32
      %dma_wait3A_101 = tpu.memref_slice %arg26[%add3A_11, %dma_wait3A_100] : memref<10016x64xbf16, #tpu.memory_space<vmem_shared>> -> memref<128x64xbf16, #tpu.memory_space<vmem_shared>>
      %dma_wait3A_102 = arith.constant 0 : i32
      %dma_wait3A_103 = tpu.memref_slice %arg26[%add3A_11, %dma_wait3A_102] : memref<10016x64xbf16, #tpu.memory_space<vmem_shared>> -> memref<128x64xbf16, #tpu.memory_space<vmem_shared>>
      tpu.wait_dma2 semaphore(%run_scoped3A : memref<!tpu.dma_semaphore, #tpu.memory_space<semaphore_mem>>) src(%arg22 : memref<128x64xbf16, #tpu.memory_space<vmem>>) dst(%dma_wait3A_103 : memref<128x64xbf16, #tpu.memory_space<vmem_shared>>)
      tpu.yield
    }) : () -> ()
    %add3A_12 = arith.constant 128 : i32
    %add3A_13 = arith.addi %mul3A_9, %add3A_12 : i32
    "tpu.region"() ({
      %run_scoped3A = tpu.sem_alloc : memref<!tpu.dma_semaphore, #tpu.memory_space<semaphore_mem>>
      %dma_start3A_96 = arith.constant 0 : i32
      %dma_start3A_97 = tpu.memref_slice %arg26[%add3A_13, %dma_start3A_96] : memref<10016x64xbf16, #tpu.memory_space<vmem_shared>> -> memref<128x64xbf16, #tpu.memory_space<vmem_shared>>
      %dma_start3A_98 = arith.constant 0 : i32
      %dma_start3A_99 = tpu.memref_slice %arg26[%add3A_13, %dma_start3A_98] : memref<10016x64xbf16, #tpu.memory_space<vmem_shared>> -> memref<128x64xbf16, #tpu.memory_space<vmem_shared>>
      tpu.enqueue_dma source(%arg22 : memref<128x64xbf16, #tpu.memory_space<vmem>>) target(%dma_start3A_99 : memref<128x64xbf16, #tpu.memory_space<vmem_shared>>) target_semaphore(%run_scoped3A : memref<!tpu.dma_semaphore, #tpu.memory_space<semaphore_mem>>)
      %dma_wait3A_100 = arith.constant 0 : i32
      %dma_wait3A_101 = tpu.memref_slice %arg26[%add3A_13, %dma_wait3A_100] : memref<10016x64xbf16, #tpu.memory_space<vmem_shared>> -> memref<128x64xbf16, #tpu.memory_space<vmem_shared>>
      %dma_wait3A_102 = arith.constant 0 : i32
      %dma_wait3A_103 = tpu.memref_slice %arg26[%add3A_13, %dma_wait3A_102] : memref<10016x64xbf16, #tpu.memory_space<vmem_shared>> -> memref<128x64xbf16, #tpu.memory_space<vmem_shared>>
      tpu.wait_dma2 semaphore(%run_scoped3A : memref<!tpu.dma_semaphore, #tpu.memory_space<semaphore_mem>>) src(%arg22 : memref<128x64xbf16, #tpu.memory_space<vmem>>) dst(%dma_wait3A_103 : memref<128x64xbf16, #tpu.memory_space<vmem_shared>>)
      tpu.yield
    }) : () -> ()
    %add3A_14 = arith.constant 256 : i32
    %add3A_15 = arith.addi %mul3A_9, %add3A_14 : i32
    "tpu.region"() ({
      %run_scoped3A = tpu.sem_alloc : memref<!tpu.dma_semaphore, #tpu.memory_space<semaphore_mem>>
      %dma_start3A_96 = arith.constant 0 : i32
      %dma_start3A_97 = tpu.memref_slice %arg26[%add3A_15, %dma_start3A_96] : memref<10016x64xbf16, #tpu.memory_space<vmem_shared>> -> memref<128x64xbf16, #tpu.memory_space<vmem_shared>>
      %dma_start3A_98 = arith.constant 0 : i32
      %dma_start3A_99 = tpu.memref_slice %arg26[%add3A_15, %dma_start3A_98] : memref<10016x64xbf16, #tpu.memory_space<vmem_shared>> -> memref<128x64xbf16, #tpu.memory_space<vmem_shared>>
      tpu.enqueue_dma source(%arg22 : memref<128x64xbf16, #tpu.memory_space<vmem>>) target(%dma_start3A_99 : memref<128x64xbf16, #tpu.memory_space<vmem_shared>>) target_semaphore(%run_scoped3A : memref<!tpu.dma_semaphore, #tpu.memory_space<semaphore_mem>>)
      %dma_wait3A_100 = arith.constant 0 : i32
      %dma_wait3A_101 = tpu.memref_slice %arg26[%add3A_15, %dma_wait3A_100] : memref<10016x64xbf16, #tpu.memory_space<vmem_shared>> -> memref<128x64xbf16, #tpu.memory_space<vmem_shared>>
      %dma_wait3A_102 = arith.constant 0 : i32
      %dma_wait3A_103 = tpu.memref_slice %arg26[%add3A_15, %dma_wait3A_102] : memref<10016x64xbf16, #tpu.memory_space<vmem_shared>> -> memref<128x64xbf16, #tpu.memory_space<vmem_shared>>
      tpu.wait_dma2 semaphore(%run_scoped3A : memref<!tpu.dma_semaphore, #tpu.memory_space<semaphore_mem>>) src(%arg22 : memref<128x64xbf16, #tpu.memory_space<vmem>>) dst(%dma_wait3A_103 : memref<128x64xbf16, #tpu.memory_space<vmem_shared>>)
      tpu.yield
    }) : () -> ()
    %add3A_16 = arith.constant 384 : i32
    %add3A_17 = arith.addi %mul3A_9, %add3A_16 : i32
    "tpu.region"() ({
      %run_scoped3A = tpu.sem_alloc : memref<!tpu.dma_semaphore, #tpu.memory_space<semaphore_mem>>
      %dma_start3A_96 = arith.constant 0 : i32
      %dma_start3A_97 = tpu.memref_slice %arg26[%add3A_17, %dma_start3A_96] : memref<10016x64xbf16, #tpu.memory_space<vmem_shared>> -> memref<128x64xbf16, #tpu.memory_space<vmem_shared>>
      %dma_start3A_98 = arith.constant 0 : i32
      %dma_start3A_99 = tpu.memref_slice %arg26[%add3A_17, %dma_start3A_98] : memref<10016x64xbf16, #tpu.memory_space<vmem_shared>> -> memref<128x64xbf16, #tpu.memory_space<vmem_shared>>
      tpu.enqueue_dma source(%arg22 : memref<128x64xbf16, #tpu.memory_space<vmem>>) target(%dma_start3A_99 : memref<128x64xbf16, #tpu.memory_space<vmem_shared>>) target_semaphore(%run_scoped3A : memref<!tpu.dma_semaphore, #tpu.memory_space<semaphore_mem>>)
      %dma_wait3A_100 = arith.constant 0 : i32
      %dma_wait3A_101 = tpu.memref_slice %arg26[%add3A_17, %dma_wait3A_100] : memref<10016x64xbf16, #tpu.memory_space<vmem_shared>> -> memref<128x64xbf16, #tpu.memory_space<vmem_shared>>
      %dma_wait3A_102 = arith.constant 0 : i32
      %dma_wait3A_103 = tpu.memref_slice %arg26[%add3A_17, %dma_wait3A_102] : memref<10016x64xbf16, #tpu.memory_space<vmem_shared>> -> memref<128x64xbf16, #tpu.memory_space<vmem_shared>>
      tpu.wait_dma2 semaphore(%run_scoped3A : memref<!tpu.dma_semaphore, #tpu.memory_space<semaphore_mem>>) src(%arg22 : memref<128x64xbf16, #tpu.memory_space<vmem>>) dst(%dma_wait3A_103 : memref<128x64xbf16, #tpu.memory_space<vmem_shared>>)
      tpu.yield
    }) : () -> ()
    %add3A_18 = arith.constant 624 : i32
    %add3A_19 = arith.addi %mul3A_9, %add3A_18 : i32
    %sub3A = arith.constant 112 : i32
    %sub3A_20 = arith.subi %add3A_19, %sub3A : i32
    "tpu.region"() ({
      %run_scoped3A = tpu.sem_alloc : memref<!tpu.dma_semaphore, #tpu.memory_space<semaphore_mem>>
      %dma_start3A_96 = arith.constant 0 : i32
      %dma_start3A_97 = arith.constant 0 : i32
      %dma_start3A_98 = tpu.memref_slice %arg22[%dma_start3A_96, %dma_start3A_97] : memref<128x64xbf16, #tpu.memory_space<vmem>> -> memref<112x64xbf16, #tpu.memory_space<vmem>>
      %dma_start3A_99 = arith.constant 0 : i32
      %dma_start3A_100 = tpu.memref_slice %arg26[%sub3A_20, %dma_start3A_99] : memref<10016x64xbf16, #tpu.memory_space<vmem_shared>> -> memref<112x64xbf16, #tpu.memory_space<vmem_shared>>
      %dma_start3A_101 = arith.constant 0 : i32
      %dma_start3A_102 = tpu.memref_slice %arg26[%sub3A_20, %dma_start3A_101] : memref<10016x64xbf16, #tpu.memory_space<vmem_shared>> -> memref<112x64xbf16, #tpu.memory_space<vmem_shared>>
      %dma_start3A_103 = arith.constant 0 : i32
      %dma_start3A_104 = arith.constant 0 : i32
      %dma_start3A_105 = tpu.memref_slice %arg22[%dma_start3A_103, %dma_start3A_104] : memref<128x64xbf16, #tpu.memory_space<vmem>> -> memref<112x64xbf16, #tpu.memory_space<vmem>>
      tpu.enqueue_dma source(%dma_start3A_105 : memref<112x64xbf16, #tpu.memory_space<vmem>>) target(%dma_start3A_102 : memref<112x64xbf16, #tpu.memory_space<vmem_shared>>) target_semaphore(%run_scoped3A : memref<!tpu.dma_semaphore, #tpu.memory_space<semaphore_mem>>)
      %dma_wait3A_106 = arith.constant 0 : i32
      %dma_wait3A_107 = arith.constant 0 : i32
      %dma_wait3A_108 = tpu.memref_slice %arg22[%dma_wait3A_106, %dma_wait3A_107] : memref<128x64xbf16, #tpu.memory_space<vmem>> -> memref<112x64xbf16, #tpu.memory_space<vmem>>
      %dma_wait3A_109 = arith.constant 0 : i32
      %dma_wait3A_110 = tpu.memref_slice %arg26[%sub3A_20, %dma_wait3A_109] : memref<10016x64xbf16, #tpu.memory_space<vmem_shared>> -> memref<112x64xbf16, #tpu.memory_space<vmem_shared>>
      %dma_wait3A_111 = arith.constant 0 : i32
      %dma_wait3A_112 = tpu.memref_slice %arg26[%sub3A_20, %dma_wait3A_111] : memref<10016x64xbf16, #tpu.memory_space<vmem_shared>> -> memref<112x64xbf16, #tpu.memory_space<vmem_shared>>
      %dma_wait3A_113 = arith.constant 0 : i32
      %dma_wait3A_114 = arith.constant 0 : i32
      %dma_wait3A_115 = tpu.memref_slice %arg22[%dma_wait3A_113, %dma_wait3A_114] : memref<128x64xbf16, #tpu.memory_space<vmem>> -> memref<112x64xbf16, #tpu.memory_space<vmem>>
      tpu.wait_dma2 semaphore(%run_scoped3A : memref<!tpu.dma_semaphore, #tpu.memory_space<semaphore_mem>>) src(%dma_wait3A_115 : memref<112x64xbf16, #tpu.memory_space<vmem>>) dst(%dma_wait3A_112 : memref<112x64xbf16, #tpu.memory_space<vmem_shared>>)
      tpu.yield
    }) : () -> ()
    %eq3A = arith.constant 15 : i32
    %eq3A_21 = arith.cmpi eq, %arg1, %eq3A : i32
    %convert_element_type3A = arith.extui %eq3A_21 : i1 to i32
    %cond3A = arith.constant 0 : i32
    %cond3A_22 = arith.cmpi ne, %convert_element_type3A, %cond3A : i32
    scf.if %cond3A_22 {
      "tpu.region"() ({
        %run_scoped3A = tpu.sem_alloc : memref<!tpu.dma_semaphore, #tpu.memory_space<semaphore_mem>>
        %dma_start3A_96 = arith.constant 0 : i32
        %dma_start3A_97 = arith.constant 0 : i32
        %dma_start3A_98 = tpu.memref_slice %arg22[%dma_start3A_96, %dma_start3A_97] : memref<128x64xbf16, #tpu.memory_space<vmem>> -> memref<16x64xbf16, #tpu.memory_space<vmem>>
        %dma_start3A_99 = arith.constant 9984 : i32
        %dma_start3A_100 = arith.constant 0 : i32
        %dma_start3A_101 = tpu.memref_slice %arg26[%dma_start3A_99, %dma_start3A_100] : memref<10016x64xbf16, #tpu.memory_space<vmem_shared>> -> memref<16x64xbf16, #tpu.memory_space<vmem_shared>>
        %dma_start3A_102 = arith.constant 9984 : i32
        %dma_start3A_103 = arith.constant 0 : i32
        %dma_start3A_104 = tpu.memref_slice %arg26[%dma_start3A_102, %dma_start3A_103] : memref<10016x64xbf16, #tpu.memory_space<vmem_shared>> -> memref<16x64xbf16, #tpu.memory_space<vmem_shared>>
        %dma_start3A_105 = arith.constant 0 : i32
        %dma_start3A_106 = arith.constant 0 : i32
        %dma_start3A_107 = tpu.memref_slice %arg22[%dma_start3A_105, %dma_start3A_106] : memref<128x64xbf16, #tpu.memory_space<vmem>> -> memref<16x64xbf16, #tpu.memory_space<vmem>>
        tpu.enqueue_dma source(%dma_start3A_107 : memref<16x64xbf16, #tpu.memory_space<vmem>>) target(%dma_start3A_104 : memref<16x64xbf16, #tpu.memory_space<vmem_shared>>) target_semaphore(%run_scoped3A : memref<!tpu.dma_semaphore, #tpu.memory_space<semaphore_mem>>)
        %dma_wait3A_108 = arith.constant 0 : i32
        %dma_wait3A_109 = arith.constant 0 : i32
        %dma_wait3A_110 = tpu.memref_slice %arg22[%dma_wait3A_108, %dma_wait3A_109] : memref<128x64xbf16, #tpu.memory_space<vmem>> -> memref<16x64xbf16, #tpu.memory_space<vmem>>
        %dma_wait3A_111 = arith.constant 9984 : i32
        %dma_wait3A_112 = arith.constant 0 : i32
        %dma_wait3A_113 = tpu.memref_slice %arg26[%dma_wait3A_111, %dma_wait3A_112] : memref<10016x64xbf16, #tpu.memory_space<vmem_shared>> -> memref<16x64xbf16, #tpu.memory_space<vmem_shared>>
        %dma_wait3A_114 = arith.constant 9984 : i32
        %dma_wait3A_115 = arith.constant 0 : i32
        %dma_wait3A_116 = tpu.memref_slice %arg26[%dma_wait3A_114, %dma_wait3A_115] : memref<10016x64xbf16, #tpu.memory_space<vmem_shared>> -> memref<16x64xbf16, #tpu.memory_space<vmem_shared>>
        %dma_wait3A_117 = arith.constant 0 : i32
        %dma_wait3A_118 = arith.constant 0 : i32
        %dma_wait3A_119 = tpu.memref_slice %arg22[%dma_wait3A_117, %dma_wait3A_118] : memref<128x64xbf16, #tpu.memory_space<vmem>> -> memref<16x64xbf16, #tpu.memory_space<vmem>>
        tpu.wait_dma2 semaphore(%run_scoped3A : memref<!tpu.dma_semaphore, #tpu.memory_space<semaphore_mem>>) src(%dma_wait3A_119 : memref<16x64xbf16, #tpu.memory_space<vmem>>) dst(%dma_wait3A_116 : memref<16x64xbf16, #tpu.memory_space<vmem_shared>>)
        tpu.yield
      }) : () -> ()
    } else {
    }
    %barrier3A = arith.constant 0 : index
    tpu.barrier barrier_id(%barrier3A)
    %broadcast_in_dim3A_23 = arith.constant 1.000000e+00 : f32
    %broadcast_in_dim3A_24 = vector.broadcast %broadcast_in_dim3A_23 : f32 to vector<16xf32>
    %mul3A_25 = arith.constant 10240 : i32
    %mul3A_26 = arith.muli %add3A, %mul3A_25 : i32
    %add3A_27 = arith.constant 0 : i32
    %add3A_28 = arith.addi %mul3A_26, %add3A_27 : i32
    %dma_start3A = tpu.memref_slice %arg3[%add3A_28] : memref<327680xi32, #tpu.memory_space<hbm>> -> memref<128xi32, #tpu.memory_space<hbm>>
    %dma_start3A_29 = tpu.memref_slice %arg3[%add3A_28] : memref<327680xi32, #tpu.memory_space<hbm>> -> memref<128xi32, #tpu.memory_space<hbm>>
    tpu.enqueue_dma source(%dma_start3A_29 : memref<128xi32, #tpu.memory_space<hbm>>) target(%arg6 : memref<128xi32, #tpu.memory_space<vmem>>) target_semaphore(%arg35 : memref<!tpu.dma_semaphore, #tpu.memory_space<semaphore_mem>>)
    %dma_start3A_30 = tpu.memref_slice %arg4[%add3A_28] : memref<327680xi32, #tpu.memory_space<hbm>> -> memref<128xi32, #tpu.memory_space<hbm>>
    %dma_start3A_31 = tpu.memref_slice %arg4[%add3A_28] : memref<327680xi32, #tpu.memory_space<hbm>> -> memref<128xi32, #tpu.memory_space<hbm>>
    tpu.enqueue_dma source(%dma_start3A_31 : memref<128xi32, #tpu.memory_space<hbm>>) target(%arg14 : memref<128xi32, #tpu.memory_space<vmem>>) target_semaphore(%arg35 : memref<!tpu.dma_semaphore, #tpu.memory_space<semaphore_mem>>)
    %add3A_32 = arith.constant 128 : i32
    %add3A_33 = arith.addi %mul3A_26, %add3A_32 : i32
    %dma_start3A_34 = tpu.memref_slice %arg3[%add3A_33] : memref<327680xi32, #tpu.memory_space<hbm>> -> memref<128xi32, #tpu.memory_space<hbm>>
    %dma_start3A_35 = tpu.memref_slice %arg3[%add3A_33] : memref<327680xi32, #tpu.memory_space<hbm>> -> memref<128xi32, #tpu.memory_space<hbm>>
    tpu.enqueue_dma source(%dma_start3A_35 : memref<128xi32, #tpu.memory_space<hbm>>) target(%arg7 : memref<128xi32, #tpu.memory_space<vmem>>) target_semaphore(%arg36 : memref<!tpu.dma_semaphore, #tpu.memory_space<semaphore_mem>>)
    %dma_start3A_36 = tpu.memref_slice %arg4[%add3A_33] : memref<327680xi32, #tpu.memory_space<hbm>> -> memref<128xi32, #tpu.memory_space<hbm>>
    %dma_start3A_37 = tpu.memref_slice %arg4[%add3A_33] : memref<327680xi32, #tpu.memory_space<hbm>> -> memref<128xi32, #tpu.memory_space<hbm>>
    tpu.enqueue_dma source(%dma_start3A_37 : memref<128xi32, #tpu.memory_space<hbm>>) target(%arg15 : memref<128xi32, #tpu.memory_space<vmem>>) target_semaphore(%arg36 : memref<!tpu.dma_semaphore, #tpu.memory_space<semaphore_mem>>)
    %add3A_38 = arith.constant 256 : i32
    %add3A_39 = arith.addi %mul3A_26, %add3A_38 : i32
    %dma_start3A_40 = tpu.memref_slice %arg3[%add3A_39] : memref<327680xi32, #tpu.memory_space<hbm>> -> memref<128xi32, #tpu.memory_space<hbm>>
    %dma_start3A_41 = tpu.memref_slice %arg3[%add3A_39] : memref<327680xi32, #tpu.memory_space<hbm>> -> memref<128xi32, #tpu.memory_space<hbm>>
    tpu.enqueue_dma source(%dma_start3A_41 : memref<128xi32, #tpu.memory_space<hbm>>) target(%arg8 : memref<128xi32, #tpu.memory_space<vmem>>) target_semaphore(%arg37 : memref<!tpu.dma_semaphore, #tpu.memory_space<semaphore_mem>>)
    %dma_start3A_42 = tpu.memref_slice %arg4[%add3A_39] : memref<327680xi32, #tpu.memory_space<hbm>> -> memref<128xi32, #tpu.memory_space<hbm>>
    %dma_start3A_43 = tpu.memref_slice %arg4[%add3A_39] : memref<327680xi32, #tpu.memory_space<hbm>> -> memref<128xi32, #tpu.memory_space<hbm>>
    tpu.enqueue_dma source(%dma_start3A_43 : memref<128xi32, #tpu.memory_space<hbm>>) target(%arg16 : memref<128xi32, #tpu.memory_space<vmem>>) target_semaphore(%arg37 : memref<!tpu.dma_semaphore, #tpu.memory_space<semaphore_mem>>)
    %add3A_44 = arith.constant 384 : i32
    %add3A_45 = arith.addi %mul3A_26, %add3A_44 : i32
    %dma_start3A_46 = tpu.memref_slice %arg3[%add3A_45] : memref<327680xi32, #tpu.memory_space<hbm>> -> memref<128xi32, #tpu.memory_space<hbm>>
    %dma_start3A_47 = tpu.memref_slice %arg3[%add3A_45] : memref<327680xi32, #tpu.memory_space<hbm>> -> memref<128xi32, #tpu.memory_space<hbm>>
    tpu.enqueue_dma source(%dma_start3A_47 : memref<128xi32, #tpu.memory_space<hbm>>) target(%arg9 : memref<128xi32, #tpu.memory_space<vmem>>) target_semaphore(%arg38 : memref<!tpu.dma_semaphore, #tpu.memory_space<semaphore_mem>>)
    %dma_start3A_48 = tpu.memref_slice %arg4[%add3A_45] : memref<327680xi32, #tpu.memory_space<hbm>> -> memref<128xi32, #tpu.memory_space<hbm>>
    %dma_start3A_49 = tpu.memref_slice %arg4[%add3A_45] : memref<327680xi32, #tpu.memory_space<hbm>> -> memref<128xi32, #tpu.memory_space<hbm>>
    tpu.enqueue_dma source(%dma_start3A_49 : memref<128xi32, #tpu.memory_space<hbm>>) target(%arg17 : memref<128xi32, #tpu.memory_space<vmem>>) target_semaphore(%arg38 : memref<!tpu.dma_semaphore, #tpu.memory_space<semaphore_mem>>)
    %add3A_50 = arith.constant 512 : i32
    %add3A_51 = arith.addi %mul3A_26, %add3A_50 : i32
    %dma_start3A_52 = tpu.memref_slice %arg3[%add3A_51] : memref<327680xi32, #tpu.memory_space<hbm>> -> memref<128xi32, #tpu.memory_space<hbm>>
    %dma_start3A_53 = tpu.memref_slice %arg3[%add3A_51] : memref<327680xi32, #tpu.memory_space<hbm>> -> memref<128xi32, #tpu.memory_space<hbm>>
    tpu.enqueue_dma source(%dma_start3A_53 : memref<128xi32, #tpu.memory_space<hbm>>) target(%arg10 : memref<128xi32, #tpu.memory_space<vmem>>) target_semaphore(%arg39 : memref<!tpu.dma_semaphore, #tpu.memory_space<semaphore_mem>>)
    %dma_start3A_54 = tpu.memref_slice %arg4[%add3A_51] : memref<327680xi32, #tpu.memory_space<hbm>> -> memref<128xi32, #tpu.memory_space<hbm>>
    %dma_start3A_55 = tpu.memref_slice %arg4[%add3A_51] : memref<327680xi32, #tpu.memory_space<hbm>> -> memref<128xi32, #tpu.memory_space<hbm>>
    tpu.enqueue_dma source(%dma_start3A_55 : memref<128xi32, #tpu.memory_space<hbm>>) target(%arg18 : memref<128xi32, #tpu.memory_space<vmem>>) target_semaphore(%arg39 : memref<!tpu.dma_semaphore, #tpu.memory_space<semaphore_mem>>)
    %add3A_56 = arith.constant 640 : i32
    %add3A_57 = arith.addi %mul3A_26, %add3A_56 : i32
    %dma_start3A_58 = tpu.memref_slice %arg3[%add3A_57] : memref<327680xi32, #tpu.memory_space<hbm>> -> memref<128xi32, #tpu.memory_space<hbm>>
    %dma_start3A_59 = tpu.memref_slice %arg3[%add3A_57] : memref<327680xi32, #tpu.memory_space<hbm>> -> memref<128xi32, #tpu.memory_space<hbm>>
    tpu.enqueue_dma source(%dma_start3A_59 : memref<128xi32, #tpu.memory_space<hbm>>) target(%arg11 : memref<128xi32, #tpu.memory_space<vmem>>) target_semaphore(%arg40 : memref<!tpu.dma_semaphore, #tpu.memory_space<semaphore_mem>>)
    %dma_start3A_60 = tpu.memref_slice %arg4[%add3A_57] : memref<327680xi32, #tpu.memory_space<hbm>> -> memref<128xi32, #tpu.memory_space<hbm>>
    %dma_start3A_61 = tpu.memref_slice %arg4[%add3A_57] : memref<327680xi32, #tpu.memory_space<hbm>> -> memref<128xi32, #tpu.memory_space<hbm>>
    tpu.enqueue_dma source(%dma_start3A_61 : memref<128xi32, #tpu.memory_space<hbm>>) target(%arg19 : memref<128xi32, #tpu.memory_space<vmem>>) target_semaphore(%arg40 : memref<!tpu.dma_semaphore, #tpu.memory_space<semaphore_mem>>)
    %add3A_62 = arith.constant 0 : i32
    %add3A_63 = arith.addi %mul3A_26, %add3A_62 : i32
    %dma_wait3A = tpu.memref_slice %arg3[%add3A_63] : memref<327680xi32, #tpu.memory_space<hbm>> -> memref<128xi32, #tpu.memory_space<hbm>>
    %dma_wait3A_64 = tpu.memref_slice %arg3[%add3A_63] : memref<327680xi32, #tpu.memory_space<hbm>> -> memref<128xi32, #tpu.memory_space<hbm>>
    tpu.wait_dma2 semaphore(%arg35 : memref<!tpu.dma_semaphore, #tpu.memory_space<semaphore_mem>>) src(%dma_wait3A_64 : memref<128xi32, #tpu.memory_space<hbm>>) dst(%arg6 : memref<128xi32, #tpu.memory_space<vmem>>)
    %dma_wait3A_65 = tpu.memref_slice %arg4[%add3A_63] : memref<327680xi32, #tpu.memory_space<hbm>> -> memref<128xi32, #tpu.memory_space<hbm>>
    %dma_wait3A_66 = tpu.memref_slice %arg4[%add3A_63] : memref<327680xi32, #tpu.memory_space<hbm>> -> memref<128xi32, #tpu.memory_space<hbm>>
    tpu.wait_dma2 semaphore(%arg35 : memref<!tpu.dma_semaphore, #tpu.memory_space<semaphore_mem>>) src(%dma_wait3A_66 : memref<128xi32, #tpu.memory_space<hbm>>) dst(%arg14 : memref<128xi32, #tpu.memory_space<vmem>>)
    %add3A_67 = arith.constant 128 : i32
    %add3A_68 = arith.addi %mul3A_26, %add3A_67 : i32
    %dma_wait3A_69 = tpu.memref_slice %arg3[%add3A_68] : memref<327680xi32, #tpu.memory_space<hbm>> -> memref<128xi32, #tpu.memory_space<hbm>>
    %dma_wait3A_70 = tpu.memref_slice %arg3[%add3A_68] : memref<327680xi32, #tpu.memory_space<hbm>> -> memref<128xi32, #tpu.memory_space<hbm>>
    tpu.wait_dma2 semaphore(%arg36 : memref<!tpu.dma_semaphore, #tpu.memory_space<semaphore_mem>>) src(%dma_wait3A_70 : memref<128xi32, #tpu.memory_space<hbm>>) dst(%arg7 : memref<128xi32, #tpu.memory_space<vmem>>)
    %dma_wait3A_71 = tpu.memref_slice %arg4[%add3A_68] : memref<327680xi32, #tpu.memory_space<hbm>> -> memref<128xi32, #tpu.memory_space<hbm>>
    %dma_wait3A_72 = tpu.memref_slice %arg4[%add3A_68] : memref<327680xi32, #tpu.memory_space<hbm>> -> memref<128xi32, #tpu.memory_space<hbm>>
    tpu.wait_dma2 semaphore(%arg36 : memref<!tpu.dma_semaphore, #tpu.memory_space<semaphore_mem>>) src(%dma_wait3A_72 : memref<128xi32, #tpu.memory_space<hbm>>) dst(%arg15 : memref<128xi32, #tpu.memory_space<vmem>>)
    %dma_start3A_73 = arith.constant 0 : i32
    %dma_start3A_74 = arith.constant 0 : i32
    %dma_start3A_75 = tpu.memref_slice %arg2[%dma_start3A_73, %dma_start3A_74] : memref<10000x64xbf16, #tpu.memory_space<hbm>> -> memref<10000x64xbf16, #tpu.memory_space<hbm>>
    tpu.enqueue_indirect_dma source(%dma_start3A_75 : memref<10000x64xbf16, #tpu.memory_space<hbm>>) target(%arg22 : memref<128x64xbf16, #tpu.memory_space<vmem>>) offsets(%arg6 : memref<128xi32, #tpu.memory_space<vmem>>) semaphore(%arg27 : memref<!tpu.dma_semaphore, #tpu.memory_space<semaphore_mem>>)
    %dma_start3A_76 = arith.constant 0 : i32
    %dma_start3A_77 = arith.constant 0 : i32
    %dma_start3A_78 = tpu.memref_slice %arg2[%dma_start3A_76, %dma_start3A_77] : memref<10000x64xbf16, #tpu.memory_space<hbm>> -> memref<10000x64xbf16, #tpu.memory_space<hbm>>
    tpu.enqueue_indirect_dma source(%dma_start3A_78 : memref<10000x64xbf16, #tpu.memory_space<hbm>>) target(%arg23 : memref<128x64xbf16, #tpu.memory_space<vmem>>) offsets(%arg7 : memref<128xi32, #tpu.memory_space<vmem>>) semaphore(%arg28 : memref<!tpu.dma_semaphore, #tpu.memory_space<semaphore_mem>>)
    %scan3A_79 = arith.constant 0 : i32
    %scan3A_80 = arith.constant 10 : i32
    %scan3A_81 = arith.addi %scan3A_79, %scan3A_80 : i32
    %scan3A_82 = arith.constant 1 : i32
    scf.for %scan3A_96 = %scan3A_79 to %scan3A_81 step %scan3A_82  : i32 {
      %mul3A_97 = arith.constant 1 : i32
      %mul3A_98 = arith.muli %scan3A_96, %mul3A_97 : i32
      %add3A_99 = arith.constant 0 : i32
      %add3A_100 = arith.addi %add3A_99, %mul3A_98 : i32
      %mul3A_101 = arith.constant 8 : i32
      %mul3A_102 = arith.muli %mul3A_101, %add3A_100 : i32
      %add3A_103 = arith.constant 0 : i32
      %add3A_104 = arith.addi %mul3A_102, %add3A_103 : i32
      %add3A_105 = arith.constant 2 : i32
      %add3A_106 = arith.addi %add3A_104, %add3A_105 : i32
      %lt3A = arith.constant 80 : i32
      %lt3A_107 = arith.cmpi slt, %add3A_106, %lt3A : i32
      %convert_element_type3A_108 = arith.extui %lt3A_107 : i1 to i32
      %cond3A_109 = arith.constant 0 : i32
      %cond3A_110 = arith.cmpi ne, %convert_element_type3A_108, %cond3A_109 : i32
      scf.if %cond3A_110 {
        %add3A_387 = arith.constant 2 : i32
        %add3A_388 = arith.addi %add3A_104, %add3A_387 : i32
        %mul3A_389 = arith.constant 128 : i32
        %mul3A_390 = arith.muli %add3A_388, %mul3A_389 : i32
        %add3A_391 = arith.addi %mul3A_26, %mul3A_390 : i32
        %dma_wait3A_392 = tpu.memref_slice %arg3[%add3A_391] : memref<327680xi32, #tpu.memory_space<hbm>> -> memref<128xi32, #tpu.memory_space<hbm>>
        %dma_wait3A_393 = tpu.memref_slice %arg3[%add3A_391] : memref<327680xi32, #tpu.memory_space<hbm>> -> memref<128xi32, #tpu.memory_space<hbm>>
        tpu.wait_dma2 semaphore(%arg37 : memref<!tpu.dma_semaphore, #tpu.memory_space<semaphore_mem>>) src(%dma_wait3A_393 : memref<128xi32, #tpu.memory_space<hbm>>) dst(%arg8 : memref<128xi32, #tpu.memory_space<vmem>>)
        %dma_wait3A_394 = tpu.memref_slice %arg4[%add3A_391] : memref<327680xi32, #tpu.memory_space<hbm>> -> memref<128xi32, #tpu.memory_space<hbm>>
        %dma_wait3A_395 = tpu.memref_slice %arg4[%add3A_391] : memref<327680xi32, #tpu.memory_space<hbm>> -> memref<128xi32, #tpu.memory_space<hbm>>
        tpu.wait_dma2 semaphore(%arg37 : memref<!tpu.dma_semaphore, #tpu.memory_space<semaphore_mem>>) src(%dma_wait3A_395 : memref<128xi32, #tpu.memory_space<hbm>>) dst(%arg16 : memref<128xi32, #tpu.memory_space<vmem>>)
      } else {
      }
      %dma_wait3A_111 = arith.constant 0 : i32
      %dma_wait3A_112 = arith.constant 0 : i32
      %dma_wait3A_113 = tpu.memref_slice %arg2[%dma_wait3A_111, %dma_wait3A_112] : memref<10000x64xbf16, #tpu.memory_space<hbm>> -> memref<10000x64xbf16, #tpu.memory_space<hbm>>
      tpu.wait_indirect_dma semaphore(%arg27 : memref<!tpu.dma_semaphore, #tpu.memory_space<semaphore_mem>>) src(%dma_wait3A_113 : memref<10000x64xbf16, #tpu.memory_space<hbm>>) dst(%arg22 : memref<128x64xbf16, #tpu.memory_space<vmem>>)
      %dma_start3A_114 = arith.constant 0 : i32
      %dma_start3A_115 = arith.constant 0 : i32
      %dma_start3A_116 = tpu.memref_slice %arg26[%dma_start3A_114, %dma_start3A_115] : memref<10016x64xbf16, #tpu.memory_space<vmem_shared>> -> memref<10016x64xbf16, #tpu.memory_space<vmem_shared>>
      tpu.enqueue_indirect_dma source(%arg22 : memref<128x64xbf16, #tpu.memory_space<vmem>>) target(%dma_start3A_116 : memref<10016x64xbf16, #tpu.memory_space<vmem_shared>>) offsets(%arg14 : memref<128xi32, #tpu.memory_space<vmem>>) semaphore(%arg31 : memref<!tpu.dma_semaphore, #tpu.memory_space<semaphore_mem>>) {add = true}
      %ge3A = arith.constant 2 : i32
      %ge3A_117 = arith.cmpi sge, %add3A_104, %ge3A : i32
      %convert_element_type3A_118 = arith.extui %ge3A_117 : i1 to i32
      %cond3A_119 = arith.constant 0 : i32
      %cond3A_120 = arith.cmpi ne, %convert_element_type3A_118, %cond3A_119 : i32
      scf.if %cond3A_120 {
        %dma_wait3A_387 = arith.constant 0 : i32
        %dma_wait3A_388 = arith.constant 0 : i32
        %dma_wait3A_389 = tpu.memref_slice %arg26[%dma_wait3A_387, %dma_wait3A_388] : memref<10016x64xbf16, #tpu.memory_space<vmem_shared>> -> memref<10016x64xbf16, #tpu.memory_space<vmem_shared>>
        tpu.wait_indirect_dma semaphore(%arg33 : memref<!tpu.dma_semaphore, #tpu.memory_space<semaphore_mem>>) src(%arg24 : memref<128x64xbf16, #tpu.memory_space<vmem>>) dst(%dma_wait3A_389 : memref<10016x64xbf16, #tpu.memory_space<vmem_shared>>)
      } else {
      }
      %add3A_121 = arith.constant 2 : i32
      %add3A_122 = arith.addi %add3A_104, %add3A_121 : i32
      %lt3A_123 = arith.constant 80 : i32
      %lt3A_124 = arith.cmpi slt, %add3A_122, %lt3A_123 : i32
      %convert_element_type3A_125 = arith.extui %lt3A_124 : i1 to i32
      %cond3A_126 = arith.constant 0 : i32
      %cond3A_127 = arith.cmpi ne, %convert_element_type3A_125, %cond3A_126 : i32
      scf.if %cond3A_127 {
        %dma_start3A_387 = arith.constant 0 : i32
        %dma_start3A_388 = arith.constant 0 : i32
        %dma_start3A_389 = tpu.memref_slice %arg2[%dma_start3A_387, %dma_start3A_388] : memref<10000x64xbf16, #tpu.memory_space<hbm>> -> memref<10000x64xbf16, #tpu.memory_space<hbm>>
        tpu.enqueue_indirect_dma source(%dma_start3A_389 : memref<10000x64xbf16, #tpu.memory_space<hbm>>) target(%arg24 : memref<128x64xbf16, #tpu.memory_space<vmem>>) offsets(%arg8 : memref<128xi32, #tpu.memory_space<vmem>>) semaphore(%arg29 : memref<!tpu.dma_semaphore, #tpu.memory_space<semaphore_mem>>)
      } else {
      }
      %add3A_128 = arith.constant 6 : i32
      %add3A_129 = arith.addi %add3A_104, %add3A_128 : i32
      %lt3A_130 = arith.constant 80 : i32
      %lt3A_131 = arith.cmpi slt, %add3A_129, %lt3A_130 : i32
      %convert_element_type3A_132 = arith.extui %lt3A_131 : i1 to i32
      %cond3A_133 = arith.constant 0 : i32
      %cond3A_134 = arith.cmpi ne, %convert_element_type3A_132, %cond3A_133 : i32
      scf.if %cond3A_134 {
        %add3A_387 = arith.constant 6 : i32
        %add3A_388 = arith.addi %add3A_104, %add3A_387 : i32
        %mul3A_389 = arith.constant 128 : i32
        %mul3A_390 = arith.muli %add3A_388, %mul3A_389 : i32
        %add3A_391 = arith.addi %mul3A_26, %mul3A_390 : i32
        %dma_start3A_392 = tpu.memref_slice %arg3[%add3A_391] : memref<327680xi32, #tpu.memory_space<hbm>> -> memref<128xi32, #tpu.memory_space<hbm>>
        %dma_start3A_393 = tpu.memref_slice %arg3[%add3A_391] : memref<327680xi32, #tpu.memory_space<hbm>> -> memref<128xi32, #tpu.memory_space<hbm>>
        tpu.enqueue_dma source(%dma_start3A_393 : memref<128xi32, #tpu.memory_space<hbm>>) target(%arg12 : memref<128xi32, #tpu.memory_space<vmem>>) target_semaphore(%arg41 : memref<!tpu.dma_semaphore, #tpu.memory_space<semaphore_mem>>)
        %dma_start3A_394 = tpu.memref_slice %arg4[%add3A_391] : memref<327680xi32, #tpu.memory_space<hbm>> -> memref<128xi32, #tpu.memory_space<hbm>>
        %dma_start3A_395 = tpu.memref_slice %arg4[%add3A_391] : memref<327680xi32, #tpu.memory_space<hbm>> -> memref<128xi32, #tpu.memory_space<hbm>>
        tpu.enqueue_dma source(%dma_start3A_395 : memref<128xi32, #tpu.memory_space<hbm>>) target(%arg20 : memref<128xi32, #tpu.memory_space<vmem>>) target_semaphore(%arg41 : memref<!tpu.dma_semaphore, #tpu.memory_space<semaphore_mem>>)
      } else {
      }
      %mul3A_135 = arith.constant 8 : i32
      %mul3A_136 = arith.muli %mul3A_135, %add3A_100 : i32
      %add3A_137 = arith.constant 1 : i32
      %add3A_138 = arith.addi %mul3A_136, %add3A_137 : i32
      %add3A_139 = arith.constant 2 : i32
      %add3A_140 = arith.addi %add3A_138, %add3A_139 : i32
      %lt3A_141 = arith.constant 80 : i32
      %lt3A_142 = arith.cmpi slt, %add3A_140, %lt3A_141 : i32
      %convert_element_type3A_143 = arith.extui %lt3A_142 : i1 to i32
      %cond3A_144 = arith.constant 0 : i32
      %cond3A_145 = arith.cmpi ne, %convert_element_type3A_143, %cond3A_144 : i32
      scf.if %cond3A_145 {
        %add3A_387 = arith.constant 2 : i32
        %add3A_388 = arith.addi %add3A_138, %add3A_387 : i32
        %mul3A_389 = arith.constant 128 : i32
        %mul3A_390 = arith.muli %add3A_388, %mul3A_389 : i32
        %add3A_391 = arith.addi %mul3A_26, %mul3A_390 : i32
        %dma_wait3A_392 = tpu.memref_slice %arg3[%add3A_391] : memref<327680xi32, #tpu.memory_space<hbm>> -> memref<128xi32, #tpu.memory_space<hbm>>
        %dma_wait3A_393 = tpu.memref_slice %arg3[%add3A_391] : memref<327680xi32, #tpu.memory_space<hbm>> -> memref<128xi32, #tpu.memory_space<hbm>>
        tpu.wait_dma2 semaphore(%arg38 : memref<!tpu.dma_semaphore, #tpu.memory_space<semaphore_mem>>) src(%dma_wait3A_393 : memref<128xi32, #tpu.memory_space<hbm>>) dst(%arg9 : memref<128xi32, #tpu.memory_space<vmem>>)
        %dma_wait3A_394 = tpu.memref_slice %arg4[%add3A_391] : memref<327680xi32, #tpu.memory_space<hbm>> -> memref<128xi32, #tpu.memory_space<hbm>>
        %dma_wait3A_395 = tpu.memref_slice %arg4[%add3A_391] : memref<327680xi32, #tpu.memory_space<hbm>> -> memref<128xi32, #tpu.memory_space<hbm>>
        tpu.wait_dma2 semaphore(%arg38 : memref<!tpu.dma_semaphore, #tpu.memory_space<semaphore_mem>>) src(%dma_wait3A_395 : memref<128xi32, #tpu.memory_space<hbm>>) dst(%arg17 : memref<128xi32, #tpu.memory_space<vmem>>)
      } else {
      }
      %dma_wait3A_146 = arith.constant 0 : i32
      %dma_wait3A_147 = arith.constant 0 : i32
      %dma_wait3A_148 = tpu.memref_slice %arg2[%dma_wait3A_146, %dma_wait3A_147] : memref<10000x64xbf16, #tpu.memory_space<hbm>> -> memref<10000x64xbf16, #tpu.memory_space<hbm>>
      tpu.wait_indirect_dma semaphore(%arg28 : memref<!tpu.dma_semaphore, #tpu.memory_space<semaphore_mem>>) src(%dma_wait3A_148 : memref<10000x64xbf16, #tpu.memory_space<hbm>>) dst(%arg23 : memref<128x64xbf16, #tpu.memory_space<vmem>>)
      %dma_start3A_149 = arith.constant 0 : i32
      %dma_start3A_150 = arith.constant 0 : i32
      %dma_start3A_151 = tpu.memref_slice %arg26[%dma_start3A_149, %dma_start3A_150] : memref<10016x64xbf16, #tpu.memory_space<vmem_shared>> -> memref<10016x64xbf16, #tpu.memory_space<vmem_shared>>
      tpu.enqueue_indirect_dma source(%arg23 : memref<128x64xbf16, #tpu.memory_space<vmem>>) target(%dma_start3A_151 : memref<10016x64xbf16, #tpu.memory_space<vmem_shared>>) offsets(%arg15 : memref<128xi32, #tpu.memory_space<vmem>>) semaphore(%arg32 : memref<!tpu.dma_semaphore, #tpu.memory_space<semaphore_mem>>) {add = true}
      %ge3A_152 = arith.constant 2 : i32
      %ge3A_153 = arith.cmpi sge, %add3A_138, %ge3A_152 : i32
      %convert_element_type3A_154 = arith.extui %ge3A_153 : i1 to i32
      %cond3A_155 = arith.constant 0 : i32
      %cond3A_156 = arith.cmpi ne, %convert_element_type3A_154, %cond3A_155 : i32
      scf.if %cond3A_156 {
        %dma_wait3A_387 = arith.constant 0 : i32
        %dma_wait3A_388 = arith.constant 0 : i32
        %dma_wait3A_389 = tpu.memref_slice %arg26[%dma_wait3A_387, %dma_wait3A_388] : memref<10016x64xbf16, #tpu.memory_space<vmem_shared>> -> memref<10016x64xbf16, #tpu.memory_space<vmem_shared>>
        tpu.wait_indirect_dma semaphore(%arg34 : memref<!tpu.dma_semaphore, #tpu.memory_space<semaphore_mem>>) src(%arg25 : memref<128x64xbf16, #tpu.memory_space<vmem>>) dst(%dma_wait3A_389 : memref<10016x64xbf16, #tpu.memory_space<vmem_shared>>)
      } else {
      }
      %add3A_157 = arith.constant 2 : i32
      %add3A_158 = arith.addi %add3A_138, %add3A_157 : i32
      %lt3A_159 = arith.constant 80 : i32
      %lt3A_160 = arith.cmpi slt, %add3A_158, %lt3A_159 : i32
      %convert_element_type3A_161 = arith.extui %lt3A_160 : i1 to i32
      %cond3A_162 = arith.constant 0 : i32
      %cond3A_163 = arith.cmpi ne, %convert_element_type3A_161, %cond3A_162 : i32
      scf.if %cond3A_163 {
        %dma_start3A_387 = arith.constant 0 : i32
        %dma_start3A_388 = arith.constant 0 : i32
        %dma_start3A_389 = tpu.memref_slice %arg2[%dma_start3A_387, %dma_start3A_388] : memref<10000x64xbf16, #tpu.memory_space<hbm>> -> memref<10000x64xbf16, #tpu.memory_space<hbm>>
        tpu.enqueue_indirect_dma source(%dma_start3A_389 : memref<10000x64xbf16, #tpu.memory_space<hbm>>) target(%arg25 : memref<128x64xbf16, #tpu.memory_space<vmem>>) offsets(%arg9 : memref<128xi32, #tpu.memory_space<vmem>>) semaphore(%arg30 : memref<!tpu.dma_semaphore, #tpu.memory_space<semaphore_mem>>)
      } else {
      }
      %add3A_164 = arith.constant 6 : i32
      %add3A_165 = arith.addi %add3A_138, %add3A_164 : i32
      %lt3A_166 = arith.constant 80 : i32
      %lt3A_167 = arith.cmpi slt, %add3A_165, %lt3A_166 : i32
      %convert_element_type3A_168 = arith.extui %lt3A_167 : i1 to i32
      %cond3A_169 = arith.constant 0 : i32
      %cond3A_170 = arith.cmpi ne, %convert_element_type3A_168, %cond3A_169 : i32
      scf.if %cond3A_170 {
        %add3A_387 = arith.constant 6 : i32
        %add3A_388 = arith.addi %add3A_138, %add3A_387 : i32
        %mul3A_389 = arith.constant 128 : i32
        %mul3A_390 = arith.muli %add3A_388, %mul3A_389 : i32
        %add3A_391 = arith.addi %mul3A_26, %mul3A_390 : i32
        %dma_start3A_392 = tpu.memref_slice %arg3[%add3A_391] : memref<327680xi32, #tpu.memory_space<hbm>> -> memref<128xi32, #tpu.memory_space<hbm>>
        %dma_start3A_393 = tpu.memref_slice %arg3[%add3A_391] : memref<327680xi32, #tpu.memory_space<hbm>> -> memref<128xi32, #tpu.memory_space<hbm>>
        tpu.enqueue_dma source(%dma_start3A_393 : memref<128xi32, #tpu.memory_space<hbm>>) target(%arg13 : memref<128xi32, #tpu.memory_space<vmem>>) target_semaphore(%arg42 : memref<!tpu.dma_semaphore, #tpu.memory_space<semaphore_mem>>)
        %dma_start3A_394 = tpu.memref_slice %arg4[%add3A_391] : memref<327680xi32, #tpu.memory_space<hbm>> -> memref<128xi32, #tpu.memory_space<hbm>>
        %dma_start3A_395 = tpu.memref_slice %arg4[%add3A_391] : memref<327680xi32, #tpu.memory_space<hbm>> -> memref<128xi32, #tpu.memory_space<hbm>>
        tpu.enqueue_dma source(%dma_start3A_395 : memref<128xi32, #tpu.memory_space<hbm>>) target(%arg21 : memref<128xi32, #tpu.memory_space<vmem>>) target_semaphore(%arg42 : memref<!tpu.dma_semaphore, #tpu.memory_space<semaphore_mem>>)
      } else {
      }
      %mul3A_171 = arith.constant 8 : i32
      %mul3A_172 = arith.muli %mul3A_171, %add3A_100 : i32
      %add3A_173 = arith.constant 2 : i32
      %add3A_174 = arith.addi %mul3A_172, %add3A_173 : i32
      %add3A_175 = arith.constant 2 : i32
      %add3A_176 = arith.addi %add3A_174, %add3A_175 : i32
      %lt3A_177 = arith.constant 80 : i32
      %lt3A_178 = arith.cmpi slt, %add3A_176, %lt3A_177 : i32
      %convert_element_type3A_179 = arith.extui %lt3A_178 : i1 to i32
      %cond3A_180 = arith.constant 0 : i32
      %cond3A_181 = arith.cmpi ne, %convert_element_type3A_179, %cond3A_180 : i32
      scf.if %cond3A_181 {
        %add3A_387 = arith.constant 2 : i32
        %add3A_388 = arith.addi %add3A_174, %add3A_387 : i32
        %mul3A_389 = arith.constant 128 : i32
        %mul3A_390 = arith.muli %add3A_388, %mul3A_389 : i32
        %add3A_391 = arith.addi %mul3A_26, %mul3A_390 : i32
        %dma_wait3A_392 = tpu.memref_slice %arg3[%add3A_391] : memref<327680xi32, #tpu.memory_space<hbm>> -> memref<128xi32, #tpu.memory_space<hbm>>
        %dma_wait3A_393 = tpu.memref_slice %arg3[%add3A_391] : memref<327680xi32, #tpu.memory_space<hbm>> -> memref<128xi32, #tpu.memory_space<hbm>>
        tpu.wait_dma2 semaphore(%arg39 : memref<!tpu.dma_semaphore, #tpu.memory_space<semaphore_mem>>) src(%dma_wait3A_393 : memref<128xi32, #tpu.memory_space<hbm>>) dst(%arg10 : memref<128xi32, #tpu.memory_space<vmem>>)
        %dma_wait3A_394 = tpu.memref_slice %arg4[%add3A_391] : memref<327680xi32, #tpu.memory_space<hbm>> -> memref<128xi32, #tpu.memory_space<hbm>>
        %dma_wait3A_395 = tpu.memref_slice %arg4[%add3A_391] : memref<327680xi32, #tpu.memory_space<hbm>> -> memref<128xi32, #tpu.memory_space<hbm>>
        tpu.wait_dma2 semaphore(%arg39 : memref<!tpu.dma_semaphore, #tpu.memory_space<semaphore_mem>>) src(%dma_wait3A_395 : memref<128xi32, #tpu.memory_space<hbm>>) dst(%arg18 : memref<128xi32, #tpu.memory_space<vmem>>)
      } else {
      }
      %dma_wait3A_182 = arith.constant 0 : i32
      %dma_wait3A_183 = arith.constant 0 : i32
      %dma_wait3A_184 = tpu.memref_slice %arg2[%dma_wait3A_182, %dma_wait3A_183] : memref<10000x64xbf16, #tpu.memory_space<hbm>> -> memref<10000x64xbf16, #tpu.memory_space<hbm>>
      tpu.wait_indirect_dma semaphore(%arg29 : memref<!tpu.dma_semaphore, #tpu.memory_space<semaphore_mem>>) src(%dma_wait3A_184 : memref<10000x64xbf16, #tpu.memory_space<hbm>>) dst(%arg24 : memref<128x64xbf16, #tpu.memory_space<vmem>>)
      %dma_start3A_185 = arith.constant 0 : i32
      %dma_start3A_186 = arith.constant 0 : i32
      %dma_start3A_187 = tpu.memref_slice %arg26[%dma_start3A_185, %dma_start3A_186] : memref<10016x64xbf16, #tpu.memory_space<vmem_shared>> -> memref<10016x64xbf16, #tpu.memory_space<vmem_shared>>
      tpu.enqueue_indirect_dma source(%arg24 : memref<128x64xbf16, #tpu.memory_space<vmem>>) target(%dma_start3A_187 : memref<10016x64xbf16, #tpu.memory_space<vmem_shared>>) offsets(%arg16 : memref<128xi32, #tpu.memory_space<vmem>>) semaphore(%arg33 : memref<!tpu.dma_semaphore, #tpu.memory_space<semaphore_mem>>) {add = true}
      %ge3A_188 = arith.constant 2 : i32
      %ge3A_189 = arith.cmpi sge, %add3A_174, %ge3A_188 : i32
      %convert_element_type3A_190 = arith.extui %ge3A_189 : i1 to i32
      %cond3A_191 = arith.constant 0 : i32
      %cond3A_192 = arith.cmpi ne, %convert_element_type3A_190, %cond3A_191 : i32
      scf.if %cond3A_192 {
        %dma_wait3A_387 = arith.constant 0 : i32
        %dma_wait3A_388 = arith.constant 0 : i32
        %dma_wait3A_389 = tpu.memref_slice %arg26[%dma_wait3A_387, %dma_wait3A_388] : memref<10016x64xbf16, #tpu.memory_space<vmem_shared>> -> memref<10016x64xbf16, #tpu.memory_space<vmem_shared>>
        tpu.wait_indirect_dma semaphore(%arg31 : memref<!tpu.dma_semaphore, #tpu.memory_space<semaphore_mem>>) src(%arg22 : memref<128x64xbf16, #tpu.memory_space<vmem>>) dst(%dma_wait3A_389 : memref<10016x64xbf16, #tpu.memory_space<vmem_shared>>)
      } else {
      }
      %add3A_193 = arith.constant 2 : i32
      %add3A_194 = arith.addi %add3A_174, %add3A_193 : i32
      %lt3A_195 = arith.constant 80 : i32
      %lt3A_196 = arith.cmpi slt, %add3A_194, %lt3A_195 : i32
      %convert_element_type3A_197 = arith.extui %lt3A_196 : i1 to i32
      %cond3A_198 = arith.constant 0 : i32
      %cond3A_199 = arith.cmpi ne, %convert_element_type3A_197, %cond3A_198 : i32
      scf.if %cond3A_199 {
        %dma_start3A_387 = arith.constant 0 : i32
        %dma_start3A_388 = arith.constant 0 : i32
        %dma_start3A_389 = tpu.memref_slice %arg2[%dma_start3A_387, %dma_start3A_388] : memref<10000x64xbf16, #tpu.memory_space<hbm>> -> memref<10000x64xbf16, #tpu.memory_space<hbm>>
        tpu.enqueue_indirect_dma source(%dma_start3A_389 : memref<10000x64xbf16, #tpu.memory_space<hbm>>) target(%arg22 : memref<128x64xbf16, #tpu.memory_space<vmem>>) offsets(%arg10 : memref<128xi32, #tpu.memory_space<vmem>>) semaphore(%arg27 : memref<!tpu.dma_semaphore, #tpu.memory_space<semaphore_mem>>)
      } else {
      }
      %add3A_200 = arith.constant 6 : i32
      %add3A_201 = arith.addi %add3A_174, %add3A_200 : i32
      %lt3A_202 = arith.constant 80 : i32
      %lt3A_203 = arith.cmpi slt, %add3A_201, %lt3A_202 : i32
      %convert_element_type3A_204 = arith.extui %lt3A_203 : i1 to i32
      %cond3A_205 = arith.constant 0 : i32
      %cond3A_206 = arith.cmpi ne, %convert_element_type3A_204, %cond3A_205 : i32
      scf.if %cond3A_206 {
        %add3A_387 = arith.constant 6 : i32
        %add3A_388 = arith.addi %add3A_174, %add3A_387 : i32
        %mul3A_389 = arith.constant 128 : i32
        %mul3A_390 = arith.muli %add3A_388, %mul3A_389 : i32
        %add3A_391 = arith.addi %mul3A_26, %mul3A_390 : i32
        %dma_start3A_392 = tpu.memref_slice %arg3[%add3A_391] : memref<327680xi32, #tpu.memory_space<hbm>> -> memref<128xi32, #tpu.memory_space<hbm>>
        %dma_start3A_393 = tpu.memref_slice %arg3[%add3A_391] : memref<327680xi32, #tpu.memory_space<hbm>> -> memref<128xi32, #tpu.memory_space<hbm>>
        tpu.enqueue_dma source(%dma_start3A_393 : memref<128xi32, #tpu.memory_space<hbm>>) target(%arg6 : memref<128xi32, #tpu.memory_space<vmem>>) target_semaphore(%arg35 : memref<!tpu.dma_semaphore, #tpu.memory_space<semaphore_mem>>)
        %dma_start3A_394 = tpu.memref_slice %arg4[%add3A_391] : memref<327680xi32, #tpu.memory_space<hbm>> -> memref<128xi32, #tpu.memory_space<hbm>>
        %dma_start3A_395 = tpu.memref_slice %arg4[%add3A_391] : memref<327680xi32, #tpu.memory_space<hbm>> -> memref<128xi32, #tpu.memory_space<hbm>>
        tpu.enqueue_dma source(%dma_start3A_395 : memref<128xi32, #tpu.memory_space<hbm>>) target(%arg14 : memref<128xi32, #tpu.memory_space<vmem>>) target_semaphore(%arg35 : memref<!tpu.dma_semaphore, #tpu.memory_space<semaphore_mem>>)
      } else {
      }
      %mul3A_207 = arith.constant 8 : i32
      %mul3A_208 = arith.muli %mul3A_207, %add3A_100 : i32
      %add3A_209 = arith.constant 3 : i32
      %add3A_210 = arith.addi %mul3A_208, %add3A_209 : i32
      %add3A_211 = arith.constant 2 : i32
      %add3A_212 = arith.addi %add3A_210, %add3A_211 : i32
      %lt3A_213 = arith.constant 80 : i32
      %lt3A_214 = arith.cmpi slt, %add3A_212, %lt3A_213 : i32
      %convert_element_type3A_215 = arith.extui %lt3A_214 : i1 to i32
      %cond3A_216 = arith.constant 0 : i32
      %cond3A_217 = arith.cmpi ne, %convert_element_type3A_215, %cond3A_216 : i32
      scf.if %cond3A_217 {
        %add3A_387 = arith.constant 2 : i32
        %add3A_388 = arith.addi %add3A_210, %add3A_387 : i32
        %mul3A_389 = arith.constant 128 : i32
        %mul3A_390 = arith.muli %add3A_388, %mul3A_389 : i32
        %add3A_391 = arith.addi %mul3A_26, %mul3A_390 : i32
        %dma_wait3A_392 = tpu.memref_slice %arg3[%add3A_391] : memref<327680xi32, #tpu.memory_space<hbm>> -> memref<128xi32, #tpu.memory_space<hbm>>
        %dma_wait3A_393 = tpu.memref_slice %arg3[%add3A_391] : memref<327680xi32, #tpu.memory_space<hbm>> -> memref<128xi32, #tpu.memory_space<hbm>>
        tpu.wait_dma2 semaphore(%arg40 : memref<!tpu.dma_semaphore, #tpu.memory_space<semaphore_mem>>) src(%dma_wait3A_393 : memref<128xi32, #tpu.memory_space<hbm>>) dst(%arg11 : memref<128xi32, #tpu.memory_space<vmem>>)
        %dma_wait3A_394 = tpu.memref_slice %arg4[%add3A_391] : memref<327680xi32, #tpu.memory_space<hbm>> -> memref<128xi32, #tpu.memory_space<hbm>>
        %dma_wait3A_395 = tpu.memref_slice %arg4[%add3A_391] : memref<327680xi32, #tpu.memory_space<hbm>> -> memref<128xi32, #tpu.memory_space<hbm>>
        tpu.wait_dma2 semaphore(%arg40 : memref<!tpu.dma_semaphore, #tpu.memory_space<semaphore_mem>>) src(%dma_wait3A_395 : memref<128xi32, #tpu.memory_space<hbm>>) dst(%arg19 : memref<128xi32, #tpu.memory_space<vmem>>)
      } else {
      }
      %dma_wait3A_218 = arith.constant 0 : i32
      %dma_wait3A_219 = arith.constant 0 : i32
      %dma_wait3A_220 = tpu.memref_slice %arg2[%dma_wait3A_218, %dma_wait3A_219] : memref<10000x64xbf16, #tpu.memory_space<hbm>> -> memref<10000x64xbf16, #tpu.memory_space<hbm>>
      tpu.wait_indirect_dma semaphore(%arg30 : memref<!tpu.dma_semaphore, #tpu.memory_space<semaphore_mem>>) src(%dma_wait3A_220 : memref<10000x64xbf16, #tpu.memory_space<hbm>>) dst(%arg25 : memref<128x64xbf16, #tpu.memory_space<vmem>>)
      %dma_start3A_221 = arith.constant 0 : i32
      %dma_start3A_222 = arith.constant 0 : i32
      %dma_start3A_223 = tpu.memref_slice %arg26[%dma_start3A_221, %dma_start3A_222] : memref<10016x64xbf16, #tpu.memory_space<vmem_shared>> -> memref<10016x64xbf16, #tpu.memory_space<vmem_shared>>
      tpu.enqueue_indirect_dma source(%arg25 : memref<128x64xbf16, #tpu.memory_space<vmem>>) target(%dma_start3A_223 : memref<10016x64xbf16, #tpu.memory_space<vmem_shared>>) offsets(%arg17 : memref<128xi32, #tpu.memory_space<vmem>>) semaphore(%arg34 : memref<!tpu.dma_semaphore, #tpu.memory_space<semaphore_mem>>) {add = true}
      %ge3A_224 = arith.constant 2 : i32
      %ge3A_225 = arith.cmpi sge, %add3A_210, %ge3A_224 : i32
      %convert_element_type3A_226 = arith.extui %ge3A_225 : i1 to i32
      %cond3A_227 = arith.constant 0 : i32
      %cond3A_228 = arith.cmpi ne, %convert_element_type3A_226, %cond3A_227 : i32
      scf.if %cond3A_228 {
        %dma_wait3A_387 = arith.constant 0 : i32
        %dma_wait3A_388 = arith.constant 0 : i32
        %dma_wait3A_389 = tpu.memref_slice %arg26[%dma_wait3A_387, %dma_wait3A_388] : memref<10016x64xbf16, #tpu.memory_space<vmem_shared>> -> memref<10016x64xbf16, #tpu.memory_space<vmem_shared>>
        tpu.wait_indirect_dma semaphore(%arg32 : memref<!tpu.dma_semaphore, #tpu.memory_space<semaphore_mem>>) src(%arg23 : memref<128x64xbf16, #tpu.memory_space<vmem>>) dst(%dma_wait3A_389 : memref<10016x64xbf16, #tpu.memory_space<vmem_shared>>)
      } else {
      }
      %add3A_229 = arith.constant 2 : i32
      %add3A_230 = arith.addi %add3A_210, %add3A_229 : i32
      %lt3A_231 = arith.constant 80 : i32
      %lt3A_232 = arith.cmpi slt, %add3A_230, %lt3A_231 : i32
      %convert_element_type3A_233 = arith.extui %lt3A_232 : i1 to i32
      %cond3A_234 = arith.constant 0 : i32
      %cond3A_235 = arith.cmpi ne, %convert_element_type3A_233, %cond3A_234 : i32
      scf.if %cond3A_235 {
        %dma_start3A_387 = arith.constant 0 : i32
        %dma_start3A_388 = arith.constant 0 : i32
        %dma_start3A_389 = tpu.memref_slice %arg2[%dma_start3A_387, %dma_start3A_388] : memref<10000x64xbf16, #tpu.memory_space<hbm>> -> memref<10000x64xbf16, #tpu.memory_space<hbm>>
        tpu.enqueue_indirect_dma source(%dma_start3A_389 : memref<10000x64xbf16, #tpu.memory_space<hbm>>) target(%arg23 : memref<128x64xbf16, #tpu.memory_space<vmem>>) offsets(%arg11 : memref<128xi32, #tpu.memory_space<vmem>>) semaphore(%arg28 : memref<!tpu.dma_semaphore, #tpu.memory_space<semaphore_mem>>)
      } else {
      }
      %add3A_236 = arith.constant 6 : i32
      %add3A_237 = arith.addi %add3A_210, %add3A_236 : i32
      %lt3A_238 = arith.constant 80 : i32
      %lt3A_239 = arith.cmpi slt, %add3A_237, %lt3A_238 : i32
      %convert_element_type3A_240 = arith.extui %lt3A_239 : i1 to i32
      %cond3A_241 = arith.constant 0 : i32
      %cond3A_242 = arith.cmpi ne, %convert_element_type3A_240, %cond3A_241 : i32
      scf.if %cond3A_242 {
        %add3A_387 = arith.constant 6 : i32
        %add3A_388 = arith.addi %add3A_210, %add3A_387 : i32
        %mul3A_389 = arith.constant 128 : i32
        %mul3A_390 = arith.muli %add3A_388, %mul3A_389 : i32
        %add3A_391 = arith.addi %mul3A_26, %mul3A_390 : i32
        %dma_start3A_392 = tpu.memref_slice %arg3[%add3A_391] : memref<327680xi32, #tpu.memory_space<hbm>> -> memref<128xi32, #tpu.memory_space<hbm>>
        %dma_start3A_393 = tpu.memref_slice %arg3[%add3A_391] : memref<327680xi32, #tpu.memory_space<hbm>> -> memref<128xi32, #tpu.memory_space<hbm>>
        tpu.enqueue_dma source(%dma_start3A_393 : memref<128xi32, #tpu.memory_space<hbm>>) target(%arg7 : memref<128xi32, #tpu.memory_space<vmem>>) target_semaphore(%arg36 : memref<!tpu.dma_semaphore, #tpu.memory_space<semaphore_mem>>)
        %dma_start3A_394 = tpu.memref_slice %arg4[%add3A_391] : memref<327680xi32, #tpu.memory_space<hbm>> -> memref<128xi32, #tpu.memory_space<hbm>>
        %dma_start3A_395 = tpu.memref_slice %arg4[%add3A_391] : memref<327680xi32, #tpu.memory_space<hbm>> -> memref<128xi32, #tpu.memory_space<hbm>>
        tpu.enqueue_dma source(%dma_start3A_395 : memref<128xi32, #tpu.memory_space<hbm>>) target(%arg15 : memref<128xi32, #tpu.memory_space<vmem>>) target_semaphore(%arg36 : memref<!tpu.dma_semaphore, #tpu.memory_space<semaphore_mem>>)
      } else {
      }
      %mul3A_243 = arith.constant 8 : i32
      %mul3A_244 = arith.muli %mul3A_243, %add3A_100 : i32
      %add3A_245 = arith.constant 4 : i32
      %add3A_246 = arith.addi %mul3A_244, %add3A_245 : i32
      %add3A_247 = arith.constant 2 : i32
      %add3A_248 = arith.addi %add3A_246, %add3A_247 : i32
      %lt3A_249 = arith.constant 80 : i32
      %lt3A_250 = arith.cmpi slt, %add3A_248, %lt3A_249 : i32
      %convert_element_type3A_251 = arith.extui %lt3A_250 : i1 to i32
      %cond3A_252 = arith.constant 0 : i32
      %cond3A_253 = arith.cmpi ne, %convert_element_type3A_251, %cond3A_252 : i32
      scf.if %cond3A_253 {
        %add3A_387 = arith.constant 2 : i32
        %add3A_388 = arith.addi %add3A_246, %add3A_387 : i32
        %mul3A_389 = arith.constant 128 : i32
        %mul3A_390 = arith.muli %add3A_388, %mul3A_389 : i32
        %add3A_391 = arith.addi %mul3A_26, %mul3A_390 : i32
        %dma_wait3A_392 = tpu.memref_slice %arg3[%add3A_391] : memref<327680xi32, #tpu.memory_space<hbm>> -> memref<128xi32, #tpu.memory_space<hbm>>
        %dma_wait3A_393 = tpu.memref_slice %arg3[%add3A_391] : memref<327680xi32, #tpu.memory_space<hbm>> -> memref<128xi32, #tpu.memory_space<hbm>>
        tpu.wait_dma2 semaphore(%arg41 : memref<!tpu.dma_semaphore, #tpu.memory_space<semaphore_mem>>) src(%dma_wait3A_393 : memref<128xi32, #tpu.memory_space<hbm>>) dst(%arg12 : memref<128xi32, #tpu.memory_space<vmem>>)
        %dma_wait3A_394 = tpu.memref_slice %arg4[%add3A_391] : memref<327680xi32, #tpu.memory_space<hbm>> -> memref<128xi32, #tpu.memory_space<hbm>>
        %dma_wait3A_395 = tpu.memref_slice %arg4[%add3A_391] : memref<327680xi32, #tpu.memory_space<hbm>> -> memref<128xi32, #tpu.memory_space<hbm>>
        tpu.wait_dma2 semaphore(%arg41 : memref<!tpu.dma_semaphore, #tpu.memory_space<semaphore_mem>>) src(%dma_wait3A_395 : memref<128xi32, #tpu.memory_space<hbm>>) dst(%arg20 : memref<128xi32, #tpu.memory_space<vmem>>)
      } else {
      }
      %dma_wait3A_254 = arith.constant 0 : i32
      %dma_wait3A_255 = arith.constant 0 : i32
      %dma_wait3A_256 = tpu.memref_slice %arg2[%dma_wait3A_254, %dma_wait3A_255] : memref<10000x64xbf16, #tpu.memory_space<hbm>> -> memref<10000x64xbf16, #tpu.memory_space<hbm>>
      tpu.wait_indirect_dma semaphore(%arg27 : memref<!tpu.dma_semaphore, #tpu.memory_space<semaphore_mem>>) src(%dma_wait3A_256 : memref<10000x64xbf16, #tpu.memory_space<hbm>>) dst(%arg22 : memref<128x64xbf16, #tpu.memory_space<vmem>>)
      %dma_start3A_257 = arith.constant 0 : i32
      %dma_start3A_258 = arith.constant 0 : i32
      %dma_start3A_259 = tpu.memref_slice %arg26[%dma_start3A_257, %dma_start3A_258] : memref<10016x64xbf16, #tpu.memory_space<vmem_shared>> -> memref<10016x64xbf16, #tpu.memory_space<vmem_shared>>
      tpu.enqueue_indirect_dma source(%arg22 : memref<128x64xbf16, #tpu.memory_space<vmem>>) target(%dma_start3A_259 : memref<10016x64xbf16, #tpu.memory_space<vmem_shared>>) offsets(%arg18 : memref<128xi32, #tpu.memory_space<vmem>>) semaphore(%arg31 : memref<!tpu.dma_semaphore, #tpu.memory_space<semaphore_mem>>) {add = true}
      %ge3A_260 = arith.constant 2 : i32
      %ge3A_261 = arith.cmpi sge, %add3A_246, %ge3A_260 : i32
      %convert_element_type3A_262 = arith.extui %ge3A_261 : i1 to i32
      %cond3A_263 = arith.constant 0 : i32
      %cond3A_264 = arith.cmpi ne, %convert_element_type3A_262, %cond3A_263 : i32
      scf.if %cond3A_264 {
        %dma_wait3A_387 = arith.constant 0 : i32
        %dma_wait3A_388 = arith.constant 0 : i32
        %dma_wait3A_389 = tpu.memref_slice %arg26[%dma_wait3A_387, %dma_wait3A_388] : memref<10016x64xbf16, #tpu.memory_space<vmem_shared>> -> memref<10016x64xbf16, #tpu.memory_space<vmem_shared>>
        tpu.wait_indirect_dma semaphore(%arg33 : memref<!tpu.dma_semaphore, #tpu.memory_space<semaphore_mem>>) src(%arg24 : memref<128x64xbf16, #tpu.memory_space<vmem>>) dst(%dma_wait3A_389 : memref<10016x64xbf16, #tpu.memory_space<vmem_shared>>)
      } else {
      }
      %add3A_265 = arith.constant 2 : i32
      %add3A_266 = arith.addi %add3A_246, %add3A_265 : i32
      %lt3A_267 = arith.constant 80 : i32
      %lt3A_268 = arith.cmpi slt, %add3A_266, %lt3A_267 : i32
      %convert_element_type3A_269 = arith.extui %lt3A_268 : i1 to i32
      %cond3A_270 = arith.constant 0 : i32
      %cond3A_271 = arith.cmpi ne, %convert_element_type3A_269, %cond3A_270 : i32
      scf.if %cond3A_271 {
        %dma_start3A_387 = arith.constant 0 : i32
        %dma_start3A_388 = arith.constant 0 : i32
        %dma_start3A_389 = tpu.memref_slice %arg2[%dma_start3A_387, %dma_start3A_388] : memref<10000x64xbf16, #tpu.memory_space<hbm>> -> memref<10000x64xbf16, #tpu.memory_space<hbm>>
        tpu.enqueue_indirect_dma source(%dma_start3A_389 : memref<10000x64xbf16, #tpu.memory_space<hbm>>) target(%arg24 : memref<128x64xbf16, #tpu.memory_space<vmem>>) offsets(%arg12 : memref<128xi32, #tpu.memory_space<vmem>>) semaphore(%arg29 : memref<!tpu.dma_semaphore, #tpu.memory_space<semaphore_mem>>)
      } else {
      }
      %add3A_272 = arith.constant 6 : i32
      %add3A_273 = arith.addi %add3A_246, %add3A_272 : i32
      %lt3A_274 = arith.constant 80 : i32
      %lt3A_275 = arith.cmpi slt, %add3A_273, %lt3A_274 : i32
      %convert_element_type3A_276 = arith.extui %lt3A_275 : i1 to i32
      %cond3A_277 = arith.constant 0 : i32
      %cond3A_278 = arith.cmpi ne, %convert_element_type3A_276, %cond3A_277 : i32
      scf.if %cond3A_278 {
        %add3A_387 = arith.constant 6 : i32
        %add3A_388 = arith.addi %add3A_246, %add3A_387 : i32
        %mul3A_389 = arith.constant 128 : i32
        %mul3A_390 = arith.muli %add3A_388, %mul3A_389 : i32
        %add3A_391 = arith.addi %mul3A_26, %mul3A_390 : i32
        %dma_start3A_392 = tpu.memref_slice %arg3[%add3A_391] : memref<327680xi32, #tpu.memory_space<hbm>> -> memref<128xi32, #tpu.memory_space<hbm>>
        %dma_start3A_393 = tpu.memref_slice %arg3[%add3A_391] : memref<327680xi32, #tpu.memory_space<hbm>> -> memref<128xi32, #tpu.memory_space<hbm>>
        tpu.enqueue_dma source(%dma_start3A_393 : memref<128xi32, #tpu.memory_space<hbm>>) target(%arg8 : memref<128xi32, #tpu.memory_space<vmem>>) target_semaphore(%arg37 : memref<!tpu.dma_semaphore, #tpu.memory_space<semaphore_mem>>)
        %dma_start3A_394 = tpu.memref_slice %arg4[%add3A_391] : memref<327680xi32, #tpu.memory_space<hbm>> -> memref<128xi32, #tpu.memory_space<hbm>>
        %dma_start3A_395 = tpu.memref_slice %arg4[%add3A_391] : memref<327680xi32, #tpu.memory_space<hbm>> -> memref<128xi32, #tpu.memory_space<hbm>>
        tpu.enqueue_dma source(%dma_start3A_395 : memref<128xi32, #tpu.memory_space<hbm>>) target(%arg16 : memref<128xi32, #tpu.memory_space<vmem>>) target_semaphore(%arg37 : memref<!tpu.dma_semaphore, #tpu.memory_space<semaphore_mem>>)
      } else {
      }
      %mul3A_279 = arith.constant 8 : i32
      %mul3A_280 = arith.muli %mul3A_279, %add3A_100 : i32
      %add3A_281 = arith.constant 5 : i32
      %add3A_282 = arith.addi %mul3A_280, %add3A_281 : i32
      %add3A_283 = arith.constant 2 : i32
      %add3A_284 = arith.addi %add3A_282, %add3A_283 : i32
      %lt3A_285 = arith.constant 80 : i32
      %lt3A_286 = arith.cmpi slt, %add3A_284, %lt3A_285 : i32
      %convert_element_type3A_287 = arith.extui %lt3A_286 : i1 to i32
      %cond3A_288 = arith.constant 0 : i32
      %cond3A_289 = arith.cmpi ne, %convert_element_type3A_287, %cond3A_288 : i32
      scf.if %cond3A_289 {
        %add3A_387 = arith.constant 2 : i32
        %add3A_388 = arith.addi %add3A_282, %add3A_387 : i32
        %mul3A_389 = arith.constant 128 : i32
        %mul3A_390 = arith.muli %add3A_388, %mul3A_389 : i32
        %add3A_391 = arith.addi %mul3A_26, %mul3A_390 : i32
        %dma_wait3A_392 = tpu.memref_slice %arg3[%add3A_391] : memref<327680xi32, #tpu.memory_space<hbm>> -> memref<128xi32, #tpu.memory_space<hbm>>
        %dma_wait3A_393 = tpu.memref_slice %arg3[%add3A_391] : memref<327680xi32, #tpu.memory_space<hbm>> -> memref<128xi32, #tpu.memory_space<hbm>>
        tpu.wait_dma2 semaphore(%arg42 : memref<!tpu.dma_semaphore, #tpu.memory_space<semaphore_mem>>) src(%dma_wait3A_393 : memref<128xi32, #tpu.memory_space<hbm>>) dst(%arg13 : memref<128xi32, #tpu.memory_space<vmem>>)
        %dma_wait3A_394 = tpu.memref_slice %arg4[%add3A_391] : memref<327680xi32, #tpu.memory_space<hbm>> -> memref<128xi32, #tpu.memory_space<hbm>>
        %dma_wait3A_395 = tpu.memref_slice %arg4[%add3A_391] : memref<327680xi32, #tpu.memory_space<hbm>> -> memref<128xi32, #tpu.memory_space<hbm>>
        tpu.wait_dma2 semaphore(%arg42 : memref<!tpu.dma_semaphore, #tpu.memory_space<semaphore_mem>>) src(%dma_wait3A_395 : memref<128xi32, #tpu.memory_space<hbm>>) dst(%arg21 : memref<128xi32, #tpu.memory_space<vmem>>)
      } else {
      }
      %dma_wait3A_290 = arith.constant 0 : i32
      %dma_wait3A_291 = arith.constant 0 : i32
      %dma_wait3A_292 = tpu.memref_slice %arg2[%dma_wait3A_290, %dma_wait3A_291] : memref<10000x64xbf16, #tpu.memory_space<hbm>> -> memref<10000x64xbf16, #tpu.memory_space<hbm>>
      tpu.wait_indirect_dma semaphore(%arg28 : memref<!tpu.dma_semaphore, #tpu.memory_space<semaphore_mem>>) src(%dma_wait3A_292 : memref<10000x64xbf16, #tpu.memory_space<hbm>>) dst(%arg23 : memref<128x64xbf16, #tpu.memory_space<vmem>>)
      %dma_start3A_293 = arith.constant 0 : i32
      %dma_start3A_294 = arith.constant 0 : i32
      %dma_start3A_295 = tpu.memref_slice %arg26[%dma_start3A_293, %dma_start3A_294] : memref<10016x64xbf16, #tpu.memory_space<vmem_shared>> -> memref<10016x64xbf16, #tpu.memory_space<vmem_shared>>
      tpu.enqueue_indirect_dma source(%arg23 : memref<128x64xbf16, #tpu.memory_space<vmem>>) target(%dma_start3A_295 : memref<10016x64xbf16, #tpu.memory_space<vmem_shared>>) offsets(%arg19 : memref<128xi32, #tpu.memory_space<vmem>>) semaphore(%arg32 : memref<!tpu.dma_semaphore, #tpu.memory_space<semaphore_mem>>) {add = true}
      %ge3A_296 = arith.constant 2 : i32
      %ge3A_297 = arith.cmpi sge, %add3A_282, %ge3A_296 : i32
      %convert_element_type3A_298 = arith.extui %ge3A_297 : i1 to i32
      %cond3A_299 = arith.constant 0 : i32
      %cond3A_300 = arith.cmpi ne, %convert_element_type3A_298, %cond3A_299 : i32
      scf.if %cond3A_300 {
        %dma_wait3A_387 = arith.constant 0 : i32
        %dma_wait3A_388 = arith.constant 0 : i32
        %dma_wait3A_389 = tpu.memref_slice %arg26[%dma_wait3A_387, %dma_wait3A_388] : memref<10016x64xbf16, #tpu.memory_space<vmem_shared>> -> memref<10016x64xbf16, #tpu.memory_space<vmem_shared>>
        tpu.wait_indirect_dma semaphore(%arg34 : memref<!tpu.dma_semaphore, #tpu.memory_space<semaphore_mem>>) src(%arg25 : memref<128x64xbf16, #tpu.memory_space<vmem>>) dst(%dma_wait3A_389 : memref<10016x64xbf16, #tpu.memory_space<vmem_shared>>)
      } else {
      }
      %add3A_301 = arith.constant 2 : i32
      %add3A_302 = arith.addi %add3A_282, %add3A_301 : i32
      %lt3A_303 = arith.constant 80 : i32
      %lt3A_304 = arith.cmpi slt, %add3A_302, %lt3A_303 : i32
      %convert_element_type3A_305 = arith.extui %lt3A_304 : i1 to i32
      %cond3A_306 = arith.constant 0 : i32
      %cond3A_307 = arith.cmpi ne, %convert_element_type3A_305, %cond3A_306 : i32
      scf.if %cond3A_307 {
        %dma_start3A_387 = arith.constant 0 : i32
        %dma_start3A_388 = arith.constant 0 : i32
        %dma_start3A_389 = tpu.memref_slice %arg2[%dma_start3A_387, %dma_start3A_388] : memref<10000x64xbf16, #tpu.memory_space<hbm>> -> memref<10000x64xbf16, #tpu.memory_space<hbm>>
        tpu.enqueue_indirect_dma source(%dma_start3A_389 : memref<10000x64xbf16, #tpu.memory_space<hbm>>) target(%arg25 : memref<128x64xbf16, #tpu.memory_space<vmem>>) offsets(%arg13 : memref<128xi32, #tpu.memory_space<vmem>>) semaphore(%arg30 : memref<!tpu.dma_semaphore, #tpu.memory_space<semaphore_mem>>)
      } else {
      }
      %add3A_308 = arith.constant 6 : i32
      %add3A_309 = arith.addi %add3A_282, %add3A_308 : i32
      %lt3A_310 = arith.constant 80 : i32
      %lt3A_311 = arith.cmpi slt, %add3A_309, %lt3A_310 : i32
      %convert_element_type3A_312 = arith.extui %lt3A_311 : i1 to i32
      %cond3A_313 = arith.constant 0 : i32
      %cond3A_314 = arith.cmpi ne, %convert_element_type3A_312, %cond3A_313 : i32
      scf.if %cond3A_314 {
        %add3A_387 = arith.constant 6 : i32
        %add3A_388 = arith.addi %add3A_282, %add3A_387 : i32
        %mul3A_389 = arith.constant 128 : i32
        %mul3A_390 = arith.muli %add3A_388, %mul3A_389 : i32
        %add3A_391 = arith.addi %mul3A_26, %mul3A_390 : i32
        %dma_start3A_392 = tpu.memref_slice %arg3[%add3A_391] : memref<327680xi32, #tpu.memory_space<hbm>> -> memref<128xi32, #tpu.memory_space<hbm>>
        %dma_start3A_393 = tpu.memref_slice %arg3[%add3A_391] : memref<327680xi32, #tpu.memory_space<hbm>> -> memref<128xi32, #tpu.memory_space<hbm>>
        tpu.enqueue_dma source(%dma_start3A_393 : memref<128xi32, #tpu.memory_space<hbm>>) target(%arg9 : memref<128xi32, #tpu.memory_space<vmem>>) target_semaphore(%arg38 : memref<!tpu.dma_semaphore, #tpu.memory_space<semaphore_mem>>)
        %dma_start3A_394 = tpu.memref_slice %arg4[%add3A_391] : memref<327680xi32, #tpu.memory_space<hbm>> -> memref<128xi32, #tpu.memory_space<hbm>>
        %dma_start3A_395 = tpu.memref_slice %arg4[%add3A_391] : memref<327680xi32, #tpu.memory_space<hbm>> -> memref<128xi32, #tpu.memory_space<hbm>>
        tpu.enqueue_dma source(%dma_start3A_395 : memref<128xi32, #tpu.memory_space<hbm>>) target(%arg17 : memref<128xi32, #tpu.memory_space<vmem>>) target_semaphore(%arg38 : memref<!tpu.dma_semaphore, #tpu.memory_space<semaphore_mem>>)
      } else {
      }
      %mul3A_315 = arith.constant 8 : i32
      %mul3A_316 = arith.muli %mul3A_315, %add3A_100 : i32
      %add3A_317 = arith.constant 6 : i32
      %add3A_318 = arith.addi %mul3A_316, %add3A_317 : i32
      %add3A_319 = arith.constant 2 : i32
      %add3A_320 = arith.addi %add3A_318, %add3A_319 : i32
      %lt3A_321 = arith.constant 80 : i32
      %lt3A_322 = arith.cmpi slt, %add3A_320, %lt3A_321 : i32
      %convert_element_type3A_323 = arith.extui %lt3A_322 : i1 to i32
      %cond3A_324 = arith.constant 0 : i32
      %cond3A_325 = arith.cmpi ne, %convert_element_type3A_323, %cond3A_324 : i32
      scf.if %cond3A_325 {
        %add3A_387 = arith.constant 2 : i32
        %add3A_388 = arith.addi %add3A_318, %add3A_387 : i32
        %mul3A_389 = arith.constant 128 : i32
        %mul3A_390 = arith.muli %add3A_388, %mul3A_389 : i32
        %add3A_391 = arith.addi %mul3A_26, %mul3A_390 : i32
        %dma_wait3A_392 = tpu.memref_slice %arg3[%add3A_391] : memref<327680xi32, #tpu.memory_space<hbm>> -> memref<128xi32, #tpu.memory_space<hbm>>
        %dma_wait3A_393 = tpu.memref_slice %arg3[%add3A_391] : memref<327680xi32, #tpu.memory_space<hbm>> -> memref<128xi32, #tpu.memory_space<hbm>>
        tpu.wait_dma2 semaphore(%arg35 : memref<!tpu.dma_semaphore, #tpu.memory_space<semaphore_mem>>) src(%dma_wait3A_393 : memref<128xi32, #tpu.memory_space<hbm>>) dst(%arg6 : memref<128xi32, #tpu.memory_space<vmem>>)
        %dma_wait3A_394 = tpu.memref_slice %arg4[%add3A_391] : memref<327680xi32, #tpu.memory_space<hbm>> -> memref<128xi32, #tpu.memory_space<hbm>>
        %dma_wait3A_395 = tpu.memref_slice %arg4[%add3A_391] : memref<327680xi32, #tpu.memory_space<hbm>> -> memref<128xi32, #tpu.memory_space<hbm>>
        tpu.wait_dma2 semaphore(%arg35 : memref<!tpu.dma_semaphore, #tpu.memory_space<semaphore_mem>>) src(%dma_wait3A_395 : memref<128xi32, #tpu.memory_space<hbm>>) dst(%arg14 : memref<128xi32, #tpu.memory_space<vmem>>)
      } else {
      }
      %dma_wait3A_326 = arith.constant 0 : i32
      %dma_wait3A_327 = arith.constant 0 : i32
      %dma_wait3A_328 = tpu.memref_slice %arg2[%dma_wait3A_326, %dma_wait3A_327] : memref<10000x64xbf16, #tpu.memory_space<hbm>> -> memref<10000x64xbf16, #tpu.memory_space<hbm>>
      tpu.wait_indirect_dma semaphore(%arg29 : memref<!tpu.dma_semaphore, #tpu.memory_space<semaphore_mem>>) src(%dma_wait3A_328 : memref<10000x64xbf16, #tpu.memory_space<hbm>>) dst(%arg24 : memref<128x64xbf16, #tpu.memory_space<vmem>>)
      %dma_start3A_329 = arith.constant 0 : i32
      %dma_start3A_330 = arith.constant 0 : i32
      %dma_start3A_331 = tpu.memref_slice %arg26[%dma_start3A_329, %dma_start3A_330] : memref<10016x64xbf16, #tpu.memory_space<vmem_shared>> -> memref<10016x64xbf16, #tpu.memory_space<vmem_shared>>
      tpu.enqueue_indirect_dma source(%arg24 : memref<128x64xbf16, #tpu.memory_space<vmem>>) target(%dma_start3A_331 : memref<10016x64xbf16, #tpu.memory_space<vmem_shared>>) offsets(%arg20 : memref<128xi32, #tpu.memory_space<vmem>>) semaphore(%arg33 : memref<!tpu.dma_semaphore, #tpu.memory_space<semaphore_mem>>) {add = true}
      %ge3A_332 = arith.constant 2 : i32
      %ge3A_333 = arith.cmpi sge, %add3A_318, %ge3A_332 : i32
      %convert_element_type3A_334 = arith.extui %ge3A_333 : i1 to i32
      %cond3A_335 = arith.constant 0 : i32
      %cond3A_336 = arith.cmpi ne, %convert_element_type3A_334, %cond3A_335 : i32
      scf.if %cond3A_336 {
        %dma_wait3A_387 = arith.constant 0 : i32
        %dma_wait3A_388 = arith.constant 0 : i32
        %dma_wait3A_389 = tpu.memref_slice %arg26[%dma_wait3A_387, %dma_wait3A_388] : memref<10016x64xbf16, #tpu.memory_space<vmem_shared>> -> memref<10016x64xbf16, #tpu.memory_space<vmem_shared>>
        tpu.wait_indirect_dma semaphore(%arg31 : memref<!tpu.dma_semaphore, #tpu.memory_space<semaphore_mem>>) src(%arg22 : memref<128x64xbf16, #tpu.memory_space<vmem>>) dst(%dma_wait3A_389 : memref<10016x64xbf16, #tpu.memory_space<vmem_shared>>)
      } else {
      }
      %add3A_337 = arith.constant 2 : i32
      %add3A_338 = arith.addi %add3A_318, %add3A_337 : i32
      %lt3A_339 = arith.constant 80 : i32
      %lt3A_340 = arith.cmpi slt, %add3A_338, %lt3A_339 : i32
      %convert_element_type3A_341 = arith.extui %lt3A_340 : i1 to i32
      %cond3A_342 = arith.constant 0 : i32
      %cond3A_343 = arith.cmpi ne, %convert_element_type3A_341, %cond3A_342 : i32
      scf.if %cond3A_343 {
        %dma_start3A_387 = arith.constant 0 : i32
        %dma_start3A_388 = arith.constant 0 : i32
        %dma_start3A_389 = tpu.memref_slice %arg2[%dma_start3A_387, %dma_start3A_388] : memref<10000x64xbf16, #tpu.memory_space<hbm>> -> memref<10000x64xbf16, #tpu.memory_space<hbm>>
        tpu.enqueue_indirect_dma source(%dma_start3A_389 : memref<10000x64xbf16, #tpu.memory_space<hbm>>) target(%arg22 : memref<128x64xbf16, #tpu.memory_space<vmem>>) offsets(%arg6 : memref<128xi32, #tpu.memory_space<vmem>>) semaphore(%arg27 : memref<!tpu.dma_semaphore, #tpu.memory_space<semaphore_mem>>)
      } else {
      }
      %add3A_344 = arith.constant 6 : i32
      %add3A_345 = arith.addi %add3A_318, %add3A_344 : i32
      %lt3A_346 = arith.constant 80 : i32
      %lt3A_347 = arith.cmpi slt, %add3A_345, %lt3A_346 : i32
      %convert_element_type3A_348 = arith.extui %lt3A_347 : i1 to i32
      %cond3A_349 = arith.constant 0 : i32
      %cond3A_350 = arith.cmpi ne, %convert_element_type3A_348, %cond3A_349 : i32
      scf.if %cond3A_350 {
        %add3A_387 = arith.constant 6 : i32
        %add3A_388 = arith.addi %add3A_318, %add3A_387 : i32
        %mul3A_389 = arith.constant 128 : i32
        %mul3A_390 = arith.muli %add3A_388, %mul3A_389 : i32
        %add3A_391 = arith.addi %mul3A_26, %mul3A_390 : i32
        %dma_start3A_392 = tpu.memref_slice %arg3[%add3A_391] : memref<327680xi32, #tpu.memory_space<hbm>> -> memref<128xi32, #tpu.memory_space<hbm>>
        %dma_start3A_393 = tpu.memref_slice %arg3[%add3A_391] : memref<327680xi32, #tpu.memory_space<hbm>> -> memref<128xi32, #tpu.memory_space<hbm>>
        tpu.enqueue_dma source(%dma_start3A_393 : memref<128xi32, #tpu.memory_space<hbm>>) target(%arg10 : memref<128xi32, #tpu.memory_space<vmem>>) target_semaphore(%arg39 : memref<!tpu.dma_semaphore, #tpu.memory_space<semaphore_mem>>)
        %dma_start3A_394 = tpu.memref_slice %arg4[%add3A_391] : memref<327680xi32, #tpu.memory_space<hbm>> -> memref<128xi32, #tpu.memory_space<hbm>>
        %dma_start3A_395 = tpu.memref_slice %arg4[%add3A_391] : memref<327680xi32, #tpu.memory_space<hbm>> -> memref<128xi32, #tpu.memory_space<hbm>>
        tpu.enqueue_dma source(%dma_start3A_395 : memref<128xi32, #tpu.memory_space<hbm>>) target(%arg18 : memref<128xi32, #tpu.memory_space<vmem>>) target_semaphore(%arg39 : memref<!tpu.dma_semaphore, #tpu.memory_space<semaphore_mem>>)
      } else {
      }
      %mul3A_351 = arith.constant 8 : i32
      %mul3A_352 = arith.muli %mul3A_351, %add3A_100 : i32
      %add3A_353 = arith.constant 7 : i32
      %add3A_354 = arith.addi %mul3A_352, %add3A_353 : i32
      %add3A_355 = arith.constant 2 : i32
      %add3A_356 = arith.addi %add3A_354, %add3A_355 : i32
      %lt3A_357 = arith.constant 80 : i32
      %lt3A_358 = arith.cmpi slt, %add3A_356, %lt3A_357 : i32
      %convert_element_type3A_359 = arith.extui %lt3A_358 : i1 to i32
      %cond3A_360 = arith.constant 0 : i32
      %cond3A_361 = arith.cmpi ne, %convert_element_type3A_359, %cond3A_360 : i32
      scf.if %cond3A_361 {
        %add3A_387 = arith.constant 2 : i32
        %add3A_388 = arith.addi %add3A_354, %add3A_387 : i32
        %mul3A_389 = arith.constant 128 : i32
        %mul3A_390 = arith.muli %add3A_388, %mul3A_389 : i32
        %add3A_391 = arith.addi %mul3A_26, %mul3A_390 : i32
        %dma_wait3A_392 = tpu.memref_slice %arg3[%add3A_391] : memref<327680xi32, #tpu.memory_space<hbm>> -> memref<128xi32, #tpu.memory_space<hbm>>
        %dma_wait3A_393 = tpu.memref_slice %arg3[%add3A_391] : memref<327680xi32, #tpu.memory_space<hbm>> -> memref<128xi32, #tpu.memory_space<hbm>>
        tpu.wait_dma2 semaphore(%arg36 : memref<!tpu.dma_semaphore, #tpu.memory_space<semaphore_mem>>) src(%dma_wait3A_393 : memref<128xi32, #tpu.memory_space<hbm>>) dst(%arg7 : memref<128xi32, #tpu.memory_space<vmem>>)
        %dma_wait3A_394 = tpu.memref_slice %arg4[%add3A_391] : memref<327680xi32, #tpu.memory_space<hbm>> -> memref<128xi32, #tpu.memory_space<hbm>>
        %dma_wait3A_395 = tpu.memref_slice %arg4[%add3A_391] : memref<327680xi32, #tpu.memory_space<hbm>> -> memref<128xi32, #tpu.memory_space<hbm>>
        tpu.wait_dma2 semaphore(%arg36 : memref<!tpu.dma_semaphore, #tpu.memory_space<semaphore_mem>>) src(%dma_wait3A_395 : memref<128xi32, #tpu.memory_space<hbm>>) dst(%arg15 : memref<128xi32, #tpu.memory_space<vmem>>)
      } else {
      }
      %dma_wait3A_362 = arith.constant 0 : i32
      %dma_wait3A_363 = arith.constant 0 : i32
      %dma_wait3A_364 = tpu.memref_slice %arg2[%dma_wait3A_362, %dma_wait3A_363] : memref<10000x64xbf16, #tpu.memory_space<hbm>> -> memref<10000x64xbf16, #tpu.memory_space<hbm>>
      tpu.wait_indirect_dma semaphore(%arg30 : memref<!tpu.dma_semaphore, #tpu.memory_space<semaphore_mem>>) src(%dma_wait3A_364 : memref<10000x64xbf16, #tpu.memory_space<hbm>>) dst(%arg25 : memref<128x64xbf16, #tpu.memory_space<vmem>>)
      %dma_start3A_365 = arith.constant 0 : i32
      %dma_start3A_366 = arith.constant 0 : i32
      %dma_start3A_367 = tpu.memref_slice %arg26[%dma_start3A_365, %dma_start3A_366] : memref<10016x64xbf16, #tpu.memory_space<vmem_shared>> -> memref<10016x64xbf16, #tpu.memory_space<vmem_shared>>
      tpu.enqueue_indirect_dma source(%arg25 : memref<128x64xbf16, #tpu.memory_space<vmem>>) target(%dma_start3A_367 : memref<10016x64xbf16, #tpu.memory_space<vmem_shared>>) offsets(%arg21 : memref<128xi32, #tpu.memory_space<vmem>>) semaphore(%arg34 : memref<!tpu.dma_semaphore, #tpu.memory_space<semaphore_mem>>) {add = true}
      %ge3A_368 = arith.constant 2 : i32
      %ge3A_369 = arith.cmpi sge, %add3A_354, %ge3A_368 : i32
      %convert_element_type3A_370 = arith.extui %ge3A_369 : i1 to i32
      %cond3A_371 = arith.constant 0 : i32
      %cond3A_372 = arith.cmpi ne, %convert_element_type3A_370, %cond3A_371 : i32
      scf.if %cond3A_372 {
        %dma_wait3A_387 = arith.constant 0 : i32
        %dma_wait3A_388 = arith.constant 0 : i32
        %dma_wait3A_389 = tpu.memref_slice %arg26[%dma_wait3A_387, %dma_wait3A_388] : memref<10016x64xbf16, #tpu.memory_space<vmem_shared>> -> memref<10016x64xbf16, #tpu.memory_space<vmem_shared>>
        tpu.wait_indirect_dma semaphore(%arg32 : memref<!tpu.dma_semaphore, #tpu.memory_space<semaphore_mem>>) src(%arg23 : memref<128x64xbf16, #tpu.memory_space<vmem>>) dst(%dma_wait3A_389 : memref<10016x64xbf16, #tpu.memory_space<vmem_shared>>)
      } else {
      }
      %add3A_373 = arith.constant 2 : i32
      %add3A_374 = arith.addi %add3A_354, %add3A_373 : i32
      %lt3A_375 = arith.constant 80 : i32
      %lt3A_376 = arith.cmpi slt, %add3A_374, %lt3A_375 : i32
      %convert_element_type3A_377 = arith.extui %lt3A_376 : i1 to i32
      %cond3A_378 = arith.constant 0 : i32
      %cond3A_379 = arith.cmpi ne, %convert_element_type3A_377, %cond3A_378 : i32
      scf.if %cond3A_379 {
        %dma_start3A_387 = arith.constant 0 : i32
        %dma_start3A_388 = arith.constant 0 : i32
        %dma_start3A_389 = tpu.memref_slice %arg2[%dma_start3A_387, %dma_start3A_388] : memref<10000x64xbf16, #tpu.memory_space<hbm>> -> memref<10000x64xbf16, #tpu.memory_space<hbm>>
        tpu.enqueue_indirect_dma source(%dma_start3A_389 : memref<10000x64xbf16, #tpu.memory_space<hbm>>) target(%arg23 : memref<128x64xbf16, #tpu.memory_space<vmem>>) offsets(%arg7 : memref<128xi32, #tpu.memory_space<vmem>>) semaphore(%arg28 : memref<!tpu.dma_semaphore, #tpu.memory_space<semaphore_mem>>)
      } else {
      }
      %add3A_380 = arith.constant 6 : i32
      %add3A_381 = arith.addi %add3A_354, %add3A_380 : i32
      %lt3A_382 = arith.constant 80 : i32
      %lt3A_383 = arith.cmpi slt, %add3A_381, %lt3A_382 : i32
      %convert_element_type3A_384 = arith.extui %lt3A_383 : i1 to i32
      %cond3A_385 = arith.constant 0 : i32
      %cond3A_386 = arith.cmpi ne, %convert_element_type3A_384, %cond3A_385 : i32
      scf.if %cond3A_386 {
        %add3A_387 = arith.constant 6 : i32
        %add3A_388 = arith.addi %add3A_354, %add3A_387 : i32
        %mul3A_389 = arith.constant 128 : i32
        %mul3A_390 = arith.muli %add3A_388, %mul3A_389 : i32
        %add3A_391 = arith.addi %mul3A_26, %mul3A_390 : i32
        %dma_start3A_392 = tpu.memref_slice %arg3[%add3A_391] : memref<327680xi32, #tpu.memory_space<hbm>> -> memref<128xi32, #tpu.memory_space<hbm>>
        %dma_start3A_393 = tpu.memref_slice %arg3[%add3A_391] : memref<327680xi32, #tpu.memory_space<hbm>> -> memref<128xi32, #tpu.memory_space<hbm>>
        tpu.enqueue_dma source(%dma_start3A_393 : memref<128xi32, #tpu.memory_space<hbm>>) target(%arg11 : memref<128xi32, #tpu.memory_space<vmem>>) target_semaphore(%arg40 : memref<!tpu.dma_semaphore, #tpu.memory_space<semaphore_mem>>)
        %dma_start3A_394 = tpu.memref_slice %arg4[%add3A_391] : memref<327680xi32, #tpu.memory_space<hbm>> -> memref<128xi32, #tpu.memory_space<hbm>>
        %dma_start3A_395 = tpu.memref_slice %arg4[%add3A_391] : memref<327680xi32, #tpu.memory_space<hbm>> -> memref<128xi32, #tpu.memory_space<hbm>>
        tpu.enqueue_dma source(%dma_start3A_395 : memref<128xi32, #tpu.memory_space<hbm>>) target(%arg19 : memref<128xi32, #tpu.memory_space<vmem>>) target_semaphore(%arg40 : memref<!tpu.dma_semaphore, #tpu.memory_space<semaphore_mem>>)
      } else {
      }
    }
    %scan3A_83 = arith.constant 10 : i32
    %dma_wait3A_84 = arith.constant 0 : i32
    %dma_wait3A_85 = arith.constant 0 : i32
    %dma_wait3A_86 = tpu.memref_slice %arg26[%dma_wait3A_84, %dma_wait3A_85] : memref<10016x64xbf16, #tpu.memory_space<vmem_shared>> -> memref<10016x64xbf16, #tpu.memory_space<vmem_shared>>
    tpu.wait_indirect_dma semaphore(%arg33 : memref<!tpu.dma_semaphore, #tpu.memory_space<semaphore_mem>>) src(%arg24 : memref<128x64xbf16, #tpu.memory_space<vmem>>) dst(%dma_wait3A_86 : memref<10016x64xbf16, #tpu.memory_space<vmem_shared>>)
    %dma_wait3A_87 = arith.constant 0 : i32
    %dma_wait3A_88 = arith.constant 0 : i32
    %dma_wait3A_89 = tpu.memref_slice %arg26[%dma_wait3A_87, %dma_wait3A_88] : memref<10016x64xbf16, #tpu.memory_space<vmem_shared>> -> memref<10016x64xbf16, #tpu.memory_space<vmem_shared>>
    tpu.wait_indirect_dma semaphore(%arg34 : memref<!tpu.dma_semaphore, #tpu.memory_space<semaphore_mem>>) src(%arg25 : memref<128x64xbf16, #tpu.memory_space<vmem>>) dst(%dma_wait3A_89 : memref<10016x64xbf16, #tpu.memory_space<vmem_shared>>)
    %barrier3A_90 = arith.constant 0 : index
    tpu.barrier barrier_id(%barrier3A_90)
    "tpu.region"() ({
      %run_scoped3A = tpu.sem_alloc : memref<!tpu.dma_semaphore, #tpu.memory_space<semaphore_mem>>
      %dma_start3A_96 = arith.constant 0 : i32
      %dma_start3A_97 = tpu.memref_slice %arg5[%arg0, %mul3A_9, %dma_start3A_96] : memref<2x10000x64xbf16, #tpu.memory_space<hbm>> -> memref<1x624x64xbf16, #tpu.memory_space<hbm>>
      %dma_start3A_98 = tpu.memref_squeeze %dma_start3A_97 : memref<1x624x64xbf16, #tpu.memory_space<hbm>> -> memref<624x64xbf16, #tpu.memory_space<hbm>>
      %dma_start3A_99 = arith.constant 0 : i32
      %dma_start3A_100 = tpu.memref_slice %arg26[%mul3A_9, %dma_start3A_99] : memref<10016x64xbf16, #tpu.memory_space<vmem_shared>> -> memref<624x64xbf16, #tpu.memory_space<vmem_shared>>
      tpu.enqueue_dma source(%dma_start3A_100 : memref<624x64xbf16, #tpu.memory_space<vmem_shared>>) target(%dma_start3A_98 : memref<624x64xbf16, #tpu.memory_space<hbm>>) target_semaphore(%run_scoped3A : memref<!tpu.dma_semaphore, #tpu.memory_space<semaphore_mem>>)
      %dma_wait3A_101 = arith.constant 0 : i32
      %dma_wait3A_102 = tpu.memref_slice %arg5[%arg0, %mul3A_9, %dma_wait3A_101] : memref<2x10000x64xbf16, #tpu.memory_space<hbm>> -> memref<1x624x64xbf16, #tpu.memory_space<hbm>>
      %dma_wait3A_103 = tpu.memref_squeeze %dma_wait3A_102 : memref<1x624x64xbf16, #tpu.memory_space<hbm>> -> memref<624x64xbf16, #tpu.memory_space<hbm>>
      %dma_wait3A_104 = arith.constant 0 : i32
      %dma_wait3A_105 = tpu.memref_slice %arg26[%mul3A_9, %dma_wait3A_104] : memref<10016x64xbf16, #tpu.memory_space<vmem_shared>> -> memref<624x64xbf16, #tpu.memory_space<vmem_shared>>
      tpu.wait_dma2 semaphore(%run_scoped3A : memref<!tpu.dma_semaphore, #tpu.memory_space<semaphore_mem>>) src(%dma_wait3A_105 : memref<624x64xbf16, #tpu.memory_space<vmem_shared>>) dst(%dma_wait3A_103 : memref<624x64xbf16, #tpu.memory_space<hbm>>)
      tpu.yield
    }) : () -> ()
    %eq3A_91 = arith.constant 15 : i32
    %eq3A_92 = arith.cmpi eq, %arg1, %eq3A_91 : i32
    %convert_element_type3A_93 = arith.extui %eq3A_92 : i1 to i32
    %cond3A_94 = arith.constant 0 : i32
    %cond3A_95 = arith.cmpi ne, %convert_element_type3A_93, %cond3A_94 : i32
    scf.if %cond3A_95 {
      "tpu.region"() ({
        %run_scoped3A = tpu.sem_alloc : memref<!tpu.dma_semaphore, #tpu.memory_space<semaphore_mem>>
        %dma_start3A_96 = arith.constant 9984 : i32
        %dma_start3A_97 = arith.constant 0 : i32
        %dma_start3A_98 = tpu.memref_slice %arg5[%arg0, %dma_start3A_96, %dma_start3A_97] : memref<2x10000x64xbf16, #tpu.memory_space<hbm>> -> memref<1x16x64xbf16, #tpu.memory_space<hbm>>
        %dma_start3A_99 = tpu.memref_squeeze %dma_start3A_98 : memref<1x16x64xbf16, #tpu.memory_space<hbm>> -> memref<16x64xbf16, #tpu.memory_space<hbm>>
        %dma_start3A_100 = arith.constant 9984 : i32
        %dma_start3A_101 = arith.constant 0 : i32
        %dma_start3A_102 = tpu.memref_slice %arg26[%dma_start3A_100, %dma_start3A_101] : memref<10016x64xbf16, #tpu.memory_space<vmem_shared>> -> memref<16x64xbf16, #tpu.memory_space<vmem_shared>>
        tpu.enqueue_dma source(%dma_start3A_102 : memref<16x64xbf16, #tpu.memory_space<vmem_shared>>) target(%dma_start3A_99 : memref<16x64xbf16, #tpu.memory_space<hbm>>) target_semaphore(%run_scoped3A : memref<!tpu.dma_semaphore, #tpu.memory_space<semaphore_mem>>)
        %dma_wait3A_103 = arith.constant 9984 : i32
        %dma_wait3A_104 = arith.constant 0 : i32
        %dma_wait3A_105 = tpu.memref_slice %arg5[%arg0, %dma_wait3A_103, %dma_wait3A_104] : memref<2x10000x64xbf16, #tpu.memory_space<hbm>> -> memref<1x16x64xbf16, #tpu.memory_space<hbm>>
        %dma_wait3A_106 = tpu.memref_squeeze %dma_wait3A_105 : memref<1x16x64xbf16, #tpu.memory_space<hbm>> -> memref<16x64xbf16, #tpu.memory_space<hbm>>
        %dma_wait3A_107 = arith.constant 9984 : i32
        %dma_wait3A_108 = arith.constant 0 : i32
        %dma_wait3A_109 = tpu.memref_slice %arg26[%dma_wait3A_107, %dma_wait3A_108] : memref<10016x64xbf16, #tpu.memory_space<vmem_shared>> -> memref<16x64xbf16, #tpu.memory_space<vmem_shared>>
        tpu.wait_dma2 semaphore(%run_scoped3A : memref<!tpu.dma_semaphore, #tpu.memory_space<semaphore_mem>>) src(%dma_wait3A_109 : memref<16x64xbf16, #tpu.memory_space<vmem_shared>>) dst(%dma_wait3A_106 : memref<16x64xbf16, #tpu.memory_space<hbm>>)
        tpu.yield
      }) : () -> ()
    } else {
    }
    return
  }
}

module attributes {stable_mosaic.version = 14 : i64} {
  func.func @body(%arg0: memref<2x10000x128xbf16, #tpu.memory_space<vmem>>, %arg1: memref<32x1x10000xf32, #tpu.memory_space<vmem>>, %arg2: memref<128x128xf32, #tpu.memory_space<vmem>>, %arg3: memref<1x128xf32, #tpu.memory_space<vmem>>, %arg4: memref<128x64xf32, #tpu.memory_space<vmem>>, %arg5: memref<10000x64xbf16, #tpu.memory_space<vmem>>, %arg6: memref<10000x1xf32, #tpu.memory_space<vmem>>) attributes {dimension_semantics = [], scalar_prefetch = 0 : i64, scratch_operands = 0 : i64, tpu.core_type = #tpu.core_type<tc>} {
    %get3A = arith.constant 0 : index
    %get3A_0 = arith.constant 0 : index
    %get3A_1 = arith.constant 0 : index
    %get3A_2 = vector.load %arg1[%get3A, %get3A_0, %get3A_1] : memref<32x1x10000xf32, #tpu.memory_space<vmem>>, vector<32x1x10000xf32>
    %reduce_sum3A = arith.constant dense<0.000000e+00> : vector<10000xf32>
    %reduce_sum3A_3 = vector.multi_reduction <add>, %get3A_2, %reduce_sum3A [0, 1] : vector<32x1x10000xf32> to vector<10000xf32>
    %max3A = arith.constant 1.000000e+00 : f32
    %max3A_4 = vector.broadcast %max3A : f32 to vector<10000xf32>
    %max3A_5 = arith.maximumf %reduce_sum3A_3, %max3A_4 : vector<10000xf32>
    %broadcast_in_dim3A = vector.shape_cast %max3A_5 : vector<10000xf32> to vector<10000x1xf32>
    %swap3A = arith.constant 0 : index
    %swap3A_6 = arith.constant 0 : index
    %swap3A_7 = vector.load %arg6[%swap3A, %swap3A_6] : memref<10000x1xf32, #tpu.memory_space<vmem>>, vector<10000x1xf32>
    tpu.vector_store %arg6[%swap3A, %swap3A_6], %broadcast_in_dim3A {strides = array<i32>} : memref<10000x1xf32, #tpu.memory_space<vmem>>, vector<10000x1xf32>,
    %get3A_8 = arith.constant 0 : index
    %get3A_9 = arith.constant 0 : index
    %get3A_10 = arith.constant 0 : index
    %get3A_11 = vector.load %arg0[%get3A_8, %get3A_9, %get3A_10] : memref<2x10000x128xbf16, #tpu.memory_space<vmem>>, vector<1x10000x128xbf16>
    %get3A_12 = vector.shape_cast %get3A_11 : vector<1x10000x128xbf16> to vector<10000x128xbf16>
    %convert_element_type3A = arith.extf %get3A_12 : vector<10000x128xbf16> to vector<10000x128xf32>
    %get3A_13 = arith.constant 1 : index
    %get3A_14 = arith.constant 0 : index
    %get3A_15 = arith.constant 0 : index
    %get3A_16 = vector.load %arg0[%get3A_13, %get3A_14, %get3A_15] : memref<2x10000x128xbf16, #tpu.memory_space<vmem>>, vector<1x10000x128xbf16>
    %get3A_17 = vector.shape_cast %get3A_16 : vector<1x10000x128xbf16> to vector<10000x128xbf16>
    %convert_element_type3A_18 = arith.extf %get3A_17 : vector<10000x128xbf16> to vector<10000x128xf32>
    %add3A = arith.addf %convert_element_type3A, %convert_element_type3A_18 : vector<10000x128xf32>
    %div3A = vector.broadcast %broadcast_in_dim3A : vector<10000x1xf32> to vector<10000x128xf32>
    %div3A_19 = arith.divf %add3A, %div3A : vector<10000x128xf32>
    %get3A_20 = arith.constant 0 : index
    %get3A_21 = arith.constant 0 : index
    %get3A_22 = vector.load %arg2[%get3A_20, %get3A_21] : memref<128x128xf32, #tpu.memory_space<vmem>>, vector<128x128xf32>
    %dot_general3A = arith.constant dense<0.000000e+00> : vector<10000x128xf32>
    %dot_general3A_23 = tpu.matmul %div3A_19, %get3A_22, %dot_general3A {dimension_numbers = #tpu.dot_dimension_numbers<[1], [0], [0], [1], [0, 0, 1, 1], [], []>, transpose_lhs_hint = false} : vector<10000x128xf32>, vector<128x128xf32>, vector<10000x128xf32> -> vector<10000x128xf32>
    %get3A_24 = arith.constant 0 : index
    %get3A_25 = arith.constant 0 : index
    %get3A_26 = vector.load %arg3[%get3A_24, %get3A_25] : memref<1x128xf32, #tpu.memory_space<vmem>>, vector<1x128xf32>
    %add3A_27 = vector.broadcast %get3A_26 : vector<1x128xf32> to vector<10000x128xf32>
    %add3A_28 = arith.addf %dot_general3A_23, %add3A_27 : vector<10000x128xf32>
    %max3A_29 = arith.constant 0.000000e+00 : f32
    %max3A_30 = vector.broadcast %max3A_29 : f32 to vector<10000x128xf32>
    %max3A_31 = arith.maximumf %add3A_28, %max3A_30 : vector<10000x128xf32>
    %get3A_32 = arith.constant 0 : index
    %get3A_33 = arith.constant 0 : index
    %get3A_34 = vector.load %arg4[%get3A_32, %get3A_33] : memref<128x64xf32, #tpu.memory_space<vmem>>, vector<128x64xf32>
    %dot_general3A_35 = arith.constant dense<0.000000e+00> : vector<10000x64xf32>
    %dot_general3A_36 = tpu.matmul %max3A_31, %get3A_34, %dot_general3A_35 {dimension_numbers = #tpu.dot_dimension_numbers<[1], [0], [0], [1], [0, 0, 1, 1], [], []>, transpose_lhs_hint = false} : vector<10000x128xf32>, vector<128x64xf32>, vector<10000x64xf32> -> vector<10000x64xf32>
    %convert_element_type3A_37 = arith.truncf %dot_general3A_36 : vector<10000x64xf32> to vector<10000x64xbf16>
    %swap3A_38 = arith.constant 0 : index
    %swap3A_39 = arith.constant 0 : index
    %swap3A_40 = vector.load %arg5[%swap3A_38, %swap3A_39] : memref<10000x64xbf16, #tpu.memory_space<vmem>>, vector<10000x64xbf16>
    tpu.vector_store %arg5[%swap3A_38, %swap3A_39], %convert_element_type3A_37 {strides = array<i32>} : memref<10000x64xbf16, #tpu.memory_space<vmem>>, vector<10000x64xbf16>,
    return
  }
}

module attributes {stable_mosaic.version = 14 : i64} {
  func.func @body(%arg0: memref<2x10000x64xbf16, #tpu.memory_space<vmem>>, %arg1: memref<10000x1xf32, #tpu.memory_space<vmem>>, %arg2: memref<1x64xf32, #tpu.memory_space<vmem>>, %arg3: memref<10000x64xf32, #tpu.memory_space<vmem>>) attributes {dimension_semantics = [], scalar_prefetch = 0 : i64, scratch_operands = 0 : i64, tpu.core_type = #tpu.core_type<tc>} {
    %get3A = arith.constant 0 : index
    %get3A_0 = arith.constant 0 : index
    %get3A_1 = arith.constant 0 : index
    %get3A_2 = vector.load %arg0[%get3A, %get3A_0, %get3A_1] : memref<2x10000x64xbf16, #tpu.memory_space<vmem>>, vector<1x10000x64xbf16>
    %get3A_3 = vector.shape_cast %get3A_2 : vector<1x10000x64xbf16> to vector<10000x64xbf16>
    %convert_element_type3A = arith.extf %get3A_3 : vector<10000x64xbf16> to vector<10000x64xf32>
    %get3A_4 = arith.constant 1 : index
    %get3A_5 = arith.constant 0 : index
    %get3A_6 = arith.constant 0 : index
    %get3A_7 = vector.load %arg0[%get3A_4, %get3A_5, %get3A_6] : memref<2x10000x64xbf16, #tpu.memory_space<vmem>>, vector<1x10000x64xbf16>
    %get3A_8 = vector.shape_cast %get3A_7 : vector<1x10000x64xbf16> to vector<10000x64xbf16>
    %convert_element_type3A_9 = arith.extf %get3A_8 : vector<10000x64xbf16> to vector<10000x64xf32>
    %add3A = arith.addf %convert_element_type3A, %convert_element_type3A_9 : vector<10000x64xf32>
    %get3A_10 = arith.constant 0 : index
    %get3A_11 = arith.constant 0 : index
    %get3A_12 = vector.load %arg1[%get3A_10, %get3A_11] : memref<10000x1xf32, #tpu.memory_space<vmem>>, vector<10000x1xf32>
    %div3A = vector.broadcast %get3A_12 : vector<10000x1xf32> to vector<10000x64xf32>
    %div3A_13 = arith.divf %add3A, %div3A : vector<10000x64xf32>
    %get3A_14 = arith.constant 0 : index
    %get3A_15 = arith.constant 0 : index
    %get3A_16 = vector.load %arg2[%get3A_14, %get3A_15] : memref<1x64xf32, #tpu.memory_space<vmem>>, vector<1x64xf32>
    %add3A_17 = vector.broadcast %get3A_16 : vector<1x64xf32> to vector<10000x64xf32>
    %add3A_18 = arith.addf %div3A_13, %add3A_17 : vector<10000x64xf32>
    %swap3A = arith.constant 0 : index
    %swap3A_19 = arith.constant 0 : index
    %swap3A_20 = vector.load %arg3[%swap3A, %swap3A_19] : memref<10000x64xf32, #tpu.memory_space<vmem>>, vector<10000x64xf32>
    tpu.vector_store %arg3[%swap3A, %swap3A_19], %add3A_18 {strides = array<i32>} : memref<10000x64xf32, #tpu.memory_space<vmem>>, vector<10000x64xf32>,
    return
  }
}

</mosaic_0001>

<sc_bundles>
// kernel: kernel.6.cloned.1.call-start
scs
__scs_entry_jumppad:
0x0: {  	(pc) =	sbr.rel $0x88, $3  }
0x1: {  	(tag) =	ssettag $0x0;
	lr =	simm.s32 $0x1  }
0x2: {  	[smem:$0x3F9B] =	sst lr;
	_ =	strace $0xD0000000  }
0x3: {  	_ = 	snop  }
0x4: {  	_ = 	snop  }
0x5: {  	_ = 	snop  }
0x6: {  	_ = 	snop  }
0x7: {  	_ = 	snop  }
__scs_overlays_trampoline_lowered:
0x8: {  	[smem:$0x3FAA] =	sst s0  }
0x9: {  	[smem:$0x3FAB] =	sst s1  }
0xa: {  	[smem:$0x3FAC] =	sst s2  }
0xb: {  	[smem:$0x3FAD] =	sst s3  }
0xc: {  	[smem:$0x3FAE] =	sst s4  }
0xd: {  	[smem:$0x3FAF] =	sst s5  }
0xe: {  	[smem:$0x3FB0] =	sst s6  }
0xf: {  	[smem:$0x3FB1] =	sst s7  }
0x10: {  	[smem:$0x3FB2] =	sst s8  }
0x11: {  	[smem:$0x3FB3] =	sst s9;
	s0 =	simm.s32 @!p0 $0x0  }
0x12: {  	s1 =	sld [smem:$0x3F99];
	s0 =	simm.s32 @p0 $0x1  }
0x13: {  	[smem:$0x3FB4] =	sst s0;
	s0 =	simm.s32 @!p1 $0x0  }
0x14: {  	s2 =	sld [smem:$0x3F98];
	s0 =	simm.s32 @p1 $0x1  }
0x15: {  	[smem:$0x3FB5] =	sst s0;
	s0 =	simm.s32 @!p2 $0x0  }
0x16: {  	s3 =	sld [smem:$0x3FDB];
	s0 =	simm.s32 @p2 $0x1  }
0x17: {  	s4 =	simm.s32 $0x1BF5;
	[smem:$0x3FB7] =	sst s0  }
0x18: {  	s0 =	sld [smem:$0x3F9A];
	_ =	swait.ge [sflag:s4], $0x0  }
0x19: {  	s7 =	sld [smem:$0x3F9B]  }
0x1a: {  	s8 =	sadd.s32 $0xFFFFE003, lr  }
0x1b: {  	s9 =	sadd.s32 $0xFFFFFEF7, lr;
	s5 =	simm.s32 $0xFFFFFFFF;
	p2 =	slt.u32 s8, $0xFFFFF086  }
0x1c: {  	p1 =	slt.u32 s9, $0xF7A;
	s5 =	simm.s32 @!p2 $0x0  }
0x1d: {  	s5 =	simm.s32 @p1 $0x1;
	p0 =	seq.s32 s7, s2  }
0x1e: {  	s7 =	smul.u32 @!p0 $0xF7A, s2;
	p2 =	seq.s32 @!p0 s5, $0x0  }
0x1f: {  	s9 =	smul.u32 $0xF7A, s1;
	s8 =	simm.s32 @!p0 $0x1BF5;
	p2 =	por !p2, p0  }
0x20: {  	[sflag:s8] =	ssyncset.s32 @!p0 $0xFFFFF086;
	s6 =	sadd.s32 @!p0 s3, s7;
	s7 =	simm.s32 @!p0 $0x108  }
0x21: {  	s3 =	sadd.s32 s3, s9;
	s6 =	sadd.s32 @!p0 $0x88, s6;
	s7 =	simm.s32 @p2 $0x1082  }
0x22: {  	[simem:s7], [sflag:s8] =	dma.local @!p0 [hbm:s6], $0xF7A  }
0x23: {  	s9 =	sor.u32 $0xD0000000, s2;
	s6 =	simm.s32 $0x108;
	_ =	swait.ge @!p0 [sflag:s8], $0x0  }
0x24: {  	s3 =	sadd.s32 $0x88, s3;
	s6 =	simm.s32 @!p1 $0x1082;
	[sflag:s4] =	ssyncset.s32 $0xFFFFF086  }
0x25: {  	[simem:s6], [sflag:s4] =	dma.local [hbm:s3], $0xF7A  }
0x26: {  	[smem:$0x3F9B] =	sst s1;
	(tag) =	ssettag s2;
	_ =	strace s9  }
0x27: {  	s1 =	sld [smem:$0x3FAB]  }
0x28: {  	s2 =	sld [smem:$0x3FAC]  }
0x29: {  	s4 =	sld [smem:$0x3FAE]  }
0x2a: {  	p0 =	seq.s32 s5, $0x0;
	s5 =	sld [smem:$0x3FAF]  }
0x2b: {  	s6 =	sld [smem:$0x3FB0]  }
0x2c: {  	s7 =	sld [smem:$0x3FB1]  }
0x2d: {  	s3 =	simm.s32 $0x108;
	s8 =	sld [smem:$0x3FB2]  }
0x2e: {  	s3 =	simm.s32 @!p0 $0x1082;
	s9 =	sld [smem:$0x3FB3]  }
0x2f: {  	lr =	sadd.s32 s0, s3;
	s0 =	sld [smem:$0x3FAA]  }
0x30: {  	s3 =	sld [smem:$0x3FAD]  }
0x31: {  	[smem:$0x3FB6] =	sst s10  }
0x32: {  	s10 =	sld [smem:$0x3FB4];
	_ =	sdelay $0x3  }
0x33: {  	p0 =	seq.s32 s10, $0x1;
	s10 =	sld [smem:$0x3FB6];
	_ =	sdelay $0x3  }
0x34: {  	[smem:$0x3FB6] =	sst s10  }
0x35: {  	s10 =	sld [smem:$0x3FB5];
	_ =	sdelay $0x3  }
0x36: {  	p1 =	seq.s32 s10, $0x1;
	s10 =	sld [smem:$0x3FB6];
	_ =	sdelay $0x3  }
0x37: {  	[smem:$0x3FB6] =	sst s10  }
0x38: {  	s10 =	sld [smem:$0x3FB7]  }
0x39: {  	_ = 	snop;
	(pc) =	sbr.ind lr, $3  }
0x3a: {  	_ = 	snop  }
0x3b: {  	_ = 	snop  }
0x3c: {  	p2 =	seq.s32 s10, $0x1;
	s10 =	sld [smem:$0x3FB6]  }
0x3d: {  	_ =	shalt  }
0x3e: {  	_ =	shalt  }
0x3f: {  	_ =	shalt  }
0x40: {  	_ =	shalt  }
0x41: {  	_ =	shalt  }
0x42: {  	_ =	shalt  }
0x43: {  	_ =	shalt  }
0x44: {  	_ =	shalt  }
0x45: {  	_ =	shalt  }
0x46: {  	_ =	shalt  }
0x47: {  	_ =	shalt  }
0x48: {  	_ =	shalt  }
0x49: {  	_ =	shalt  }
0x4a: {  	_ =	shalt  }
0x4b: {  	_ =	shalt  }
0x4c: {  	_ =	shalt  }
0x4d: {  	_ =	shalt  }
0x4e: {  	_ =	shalt  }
0x4f: {  	_ =	shalt  }
0x50: {  	_ =	shalt  }
0x51: {  	_ =	shalt  }
0x52: {  	_ =	shalt  }
0x53: {  	_ =	shalt  }
0x54: {  	_ =	shalt  }
0x55: {  	_ =	shalt  }
0x56: {  	_ =	shalt  }
0x57: {  	_ =	shalt  }
0x58: {  	_ =	shalt  }
0x59: {  	_ =	shalt  }
0x5a: {  	_ =	shalt  }
0x5b: {  	_ =	shalt  }
0x5c: {  	_ =	shalt  }
0x5d: {  	_ =	shalt  }
0x5e: {  	_ =	shalt  }
0x5f: {  	_ =	shalt  }
0x60: {  	_ =	shalt  }
0x61: {  	_ =	shalt  }
0x62: {  	_ =	shalt  }
0x63: {  	_ =	shalt  }
0x64: {  	_ =	shalt  }
0x65: {  	_ =	shalt  }
0x66: {  	_ =	shalt  }
0x67: {  	_ =	shalt  }
0x68: {  	_ =	shalt  }
0x69: {  	_ =	shalt  }
0x6a: {  	_ =	shalt  }
0x6b: {  	_ =	shalt  }
0x6c: {  	_ =	shalt  }
0x6d: {  	_ =	shalt  }
0x6e: {  	_ =	shalt  }
0x6f: {  	_ =	shalt  }
0x70: {  	_ =	shalt  }
0x71: {  	_ =	shalt  }
0x72: {  	_ =	shalt  }
0x73: {  	_ =	shalt  }
0x74: {  	_ =	shalt  }
0x75: {  	_ =	shalt  }
0x76: {  	_ =	shalt  }
0x77: {  	_ =	shalt  }
0x78: {  	_ =	shalt  }
0x79: {  	_ =	shalt  }
0x7a: {  	_ =	shalt  }
0x7b: {  	_ =	shalt  }
0x7c: {  	_ =	shalt  }
0x7d: {  	_ =	shalt  }
0x7e: {  	_ =	shalt  }
0x7f: {  	_ =	shalt  }
0x80: {  	_ =	shalt  }
0x81: {  	_ =	shalt  }
0x82: {  	_ =	shalt  }
0x83: {  	_ =	shalt  }
0x84: {  	_ =	shalt  }
0x85: {  	_ =	shalt  }
0x86: {  	_ =	shalt  }
0x87: {  	_ =	shalt  }
.Lfunc_end0:
.L_simem_size_0:
called_computation_lowered:
.L_overlay_start_0:
0x88: {  	s2 =	sld [smem:$0x3FD9]  }
0x89: {  	s3 =	sld [smem:$0x3FFE];
	_ =	sdelay $0x1  }
0x8a: {  	s1 =	srdreg.scid  }
0x8b: {  	s0 =	sand.u32 $0x1, s1  }
0x8c: {  	s17 =	sshll.u32 s0, $0xA;
	s2 =	sadd.s32 s3, s2  }
0x8d: {  	s2 =	sadd.s32 s2, s17  }
0x8e: {  	[smem:$0x3FC2] =	sst s2  }
0x8f: {  	_ = 	snop  }
0x90: {  	s2 =	sld [smem:$0x3FD0];
	(tm) =	ssettm $0x1  }
0x91: {  	s18 =	sld [smem:$0x3FFB];
	_ =	sdelay $0x3  }
0x92: {  	_ =	strace s18  }
0x93: {  	s3 =	sld [smem:$0x3FFC];
	_ =	sdelay $0x3  }
0x94: {  	_ =	strace s3  }
0x95: {  	s3 =	sld [smem:$0x3FFD];
	_ =	sdelay $0x3  }
0x96: {  	_ =	strace s3  }
0x97: {  	_ =	strace $0x8FFFFFFF  }
0x98: {  	s19 =	sld [smem:$0x3FDB];
	_ =	sdelay $0x1  }
0x99: {  	s4 =	simm.s32 $_scs_section_size  }
0x9a: {  	s5 =	simm.s32 $_size__tile_overlayer_lowered;
	s6 =	simm.s32 $_tile_overlayer_lowered  }
0x9b: {  	s22 =	simm.s32 $0x1BFF;
	s21 =	sshll.u32 s6, $0x1;
	s3 =	sadd.s32 s4, s19  }
0x9c: {  	s7 =	simm.s32 $0x0;
	s20 =	sshll.u32 s5, $0x1;
	s5 =	sadd.s32 s21, s3  }
0x9d: {  	[timem:s7], [sflag:s22] =	dma.local [hbm:s5], s20  }
0x9e: {  	_ =	swait.ge [sflag:s22], s20  }
0x9f: {  	s4 =	ssub.s32 $0x0, s20;
	[sflag:s22] =	ssyncset.done $0x0  }
0xa0: {  	[sflag:s22] =	ssyncadd.s32 s4;
	_ =	sdelay $0x1  }
0xa1: {  	s23 =	simm.s32 $0x1B8B  }
0xa2: {  	_ =	swait.ge [sflag:s23], $0x1  }
0xa3: {  	[sflag:s23] =	ssyncset.done $0x0  }
0xa4: {  	s25 =	simm.s32 $0x1B8E;
	s24 =	sld [smem:$0x3FFE];
	[sflag:s23] =	ssyncadd.s32 $0xFFFFFFFF  }
0xa5: {  	s26 =	simm.s32 $execute0_lowered;
	[smem:$0x3FD2] =	sst s25  }
0xa6: {  	s5 =	sshll.u32 s26, $0x1;
	_ =	strace $0x80000046;
	[dreg:$0x1] =	wrdreg $0xFFFFFFFF  }
0xa7: {  	s28 =	simm.s32 $_size_execute0_lowered;
	s3 =	sadd.s32 s3, s5;
	[dreg:$0x0] =	wrdreg $0x0  }
0xa8: {  	s5 =	sshll.u32 s28, $0x1;
	[dreg:$0x2] =	wrdreg s3  }
0xa9: {  	[dreg:$0x3] =	wrdreg s5  }
0xaa: {  	[dreg:$0x4] =	wrdreg $0xC0  }
0xab: {  	_ =	task [dreg:s7], $0x5FFFF  }
0xac: {  	[dreg:$0x1] =	wrdreg $0xFFFFFFFF  }
0xad: {  	[dreg:$0x0] =	wrdreg $0x60  }
0xae: {  	[dreg:$0x2] =	wrdreg s2  }
0xaf: {  	[dreg:$0x3] =	wrdreg s24  }
0xb0: {  	[dreg:$0x4] =	wrdreg $0x88000  }
0xb1: {  	[dreg:$0x5] =	wrdreg $0x9  }
0xb2: {  	_ =	task.clear_ibuf [dreg:s7], $0x6FFFF;
	_ =	strace $0x90000046  }
0xb3: {  	s29 =	simm.s32 $0x9;
	_ =	strace $0x80000048  }
0xb4: {  	_ =	swait.ge [sflag:s29], $0x1  }
0xb5: {  	[sflag:s29] =	ssyncadd.s32 $0xFFFFFFFF  }
0xb6: {  	_ =	strace $0x90000048  }
0xb7: {  	_ =	sfence  }
0xb8: {  	s30 =	sld [smem:$0x0];
	_ =	sdelay $0x2  }
0xb9: {  	s31 =	sshll.u32 s1, $0xD;
	s1 =	sshrl.u32 s1, $0x2  }
0xba: {  	s3 =	sand.u32 $0x4000, s31;
	s1 =	sadd.s32 s1, s30  }
0xbb: {  	s0 =	sor.u32 s3, s0;
	s1 =	sshll.u32 s1, $0x11  }
0xbc: {  	s0 =	sor.u32 s1, s0  }
0xbd: {  	s0 =	sadd.s32 $0x8F2B, s0  }
0xbe: {  	[sflag:s0] =	ssyncadd.remote.s32 $0x1  }
0xbf: {  	_ =	sfence.sel $0xFFFF  }
0xc0: {  	[dreg:$0x0] =	wrdreg $0xFFFFFFFF;
	(pc) =	sbr.abs _section_cstart, $3  }
0xc1: {  	[dreg:$0x1] =	wrdreg $0xFFFFFFFF  }
0xc2: {  	_ =	task.clear_ibuf [dreg:s7], $0x2FFFF;
	_ =	strace $0x9FFFFFFF  }
0xc3: {  	(tm) =	ssettm $0x7FFFFFFF  }
tec
execute0_lowered:
.L_overlay_start_1:
0x0: {  	(tag) =	ssettag $0x1  }
0x1: {  	s0 =	srdreg.scid  }
0x2: {  	s12 =	stileid.u32;
	s2 =	rddreg [dreg:$0x1]  }
0x3: {  	s1 =	simm.s32 $0x0;
	s28 =	rddreg [dreg:$0x0];
	s30 =	simm.s32 $0x10  }
0x4: {  	s31 =	simm.s32 $0x8;
	s6 =	sand.u32 $0x1, s0;
	s29 =	smul.u32 $0x2800, s12  }
0x5: {  	[smem:$0x7FF] =	sst s1;
	s0 =	sshll.u32 s6, $0x4;
	s11 =	smul.u32 $0x138800, s6  }
0x6: {  	s7 =	ssub.s32 $0x2, s6;
	s6 =	smul.u32 $0x28000, s6;
	s3 =	sor.u32 s12, s0  }
0x7: {  	s4 =	sadd.s32 $0xB200, s2;
	s9 =	sadd.s32 $0x15200, s2;
	s5 =	smul.u32 $0x4E2, s3  }
0x8: {  	p0 =	sne.s32 s12, $0xF;
	s17 =	sshrl.u32 s7, $0x1;
	s8 =	smul.u32 $0x2800, s3  }
0x9: {  	s0 =	sadd.s32 $0x1200, s2;
	s3 =	ssub.s32 s7, s17;
	s6 =	sadd.s32 s29, s6  }
0xa: {  	s17 =	sor.u32 $0x680, s6;
	s2 =	sadd.s32 s5, s2;
	s18 =	sshrl.u32 s8, $0x3  }
0xb: {  	s5 =	smul.u32 $0x13800, s12;
	s8 =	sadd.s32 s4, s18;
	s19 =	sadd.s32 s0, s18  }
0xc: {  	s20 =	sor.u32 $0x10, s18;
	s21 =	sor.u32 $0x20, s18;
	[dreg:$0x4] =	wrdreg s8  }
0xd: {  	s23 =	sor.u32 $0x30, s18;
	[dreg:$0x5] =	wrdreg s19;
	s10 =	sadd.s32 s4, s20  }
0xe: {  	s26 =	sor.u32 $0x40, s18;
	s8 =	sadd.s32 s0, s20;
	[dreg:$0x6] =	wrdreg s10  }
0xf: {  	s7 =	sor.u32 $0x50, s18;
	s22 =	sadd.s32 s4, s21;
	[dreg:$0x7] =	wrdreg s8  }
0x10: {  	s18 =	sshrl.u32 s11, $0x4;
	s24 =	sadd.s32 s4, s23;
	[dreg:$0x8] =	wrdreg s22  }
0x11: {  	s2 =	sadd.s32 $0x3C400, s2;
	s25 =	sadd.s32 s0, s23;
	[dreg:$0xa] =	wrdreg s24  }
0x12: {  	s13 =	sadd.s32 s4, s26;
	s14 =	sadd.s32 s4, s7;
	[dreg:$0xb] =	wrdreg s25  }
0x13: {  	s15 =	sadd.s32 s5, s11;
	s7 =	sadd.s32 s0, s7;
	[dreg:$0xc] =	wrdreg s13  }
0x14: {  	s20 =	sor.u32 $0x600, s6;
	s5 =	sshrl.u32 s5, $0x1;
	[dreg:$0xe] =	wrdreg s14  }
0x15: {  	s8 =	sadd.s32 s0, s21;
	[dreg:$0xf] =	wrdreg s7;
	s16 =	sshrl.u32 s15, $0x4  }
0x16: {  	s21 =	sshrl.u32 s20, $0x3;
	s22 =	sor.u32 $0x580, s6;
	s24 =	sor.u32 $0x500, s6  }
0x17: {  	s10 =	sor.u32 $0x480, s6;
	s13 =	sor.u32 $0x400, s6;
	[dreg:$0x9] =	wrdreg s8  }
0x18: {  	s8 =	sadd.s32 s0, s26;
	s7 =	sadd.s32 s9, s16;
	s23 =	sadd.s32 s21, s0  }
0x19: {  	s25 =	sshrl.u32 s24, $0x3;
	s11 =	sshrl.u32 s10, $0x3;
	[dreg:$0xd] =	wrdreg s8  }
0x1a: {  	s15 =	sshrl.u32 s13, $0x3;
	s16 =	sor.u32 $0x380, s6;
	[dreg:$0x10] =	wrdreg s7  }
0x1b: {  	s6 =	sor.u32 $0x300, s6;
	[dreg:$0x13] =	wrdreg s23;
	s29 =	sadd.s32 s25, s0  }
0x1c: {  	s8 =	sshrl.u32 s17, $0x3;
	s14 =	sadd.s32 s11, s0;
	[dreg:$0x17] =	wrdreg s29  }
0x1d: {  	s7 =	sadd.s32 s9, s18;
	s17 =	sadd.s32 s15, s0;
	[dreg:$0x19] =	wrdreg s14  }
0x1e: {  	s9 =	sshrl.u32 s22, $0x3;
	s19 =	sadd.s32 s8, s0;
	[dreg:$0x1b] =	wrdreg s17  }
0x1f: {  	s18 =	sshrl.u32 s16, $0x3;
	s8 =	sadd.s32 s8, s4;
	[dreg:$0x11] =	wrdreg s19  }
0x20: {  	s6 =	sshrl.u32 s6, $0x3;
	s26 =	sadd.s32 s9, s0;
	[dreg:$0x12] =	wrdreg s8  }
0x21: {  	s16 =	simm.s32 $0x6800;
	s9 =	sadd.s32 s9, s4;
	[dreg:$0x15] =	wrdreg s26  }
0x22: {  	s20 =	sadd.s32 s18, s0;
	s0 =	sadd.s32 s6, s0;
	[dreg:$0x16] =	wrdreg s9  }
0x23: {  	s14 =	simm.s32 $0x2800;
	s17 =	simm.s32 $0x380;
	[dreg:$0x1d] =	wrdreg s20  }
0x24: {  	s8 =	sadd.s32 s21, s4;
	s19 =	smul.u32 $0x27000, s12;
	[dreg:$0x1f] =	wrdreg s0  }
0x25: {  	s0 =	rddreg [dreg:$0x2];
	s26 =	smax.u32 s3, $0x1;
	s3 =	simm.s32 $0xC  }
0x26: {  	s20 =	simm.s32 $0x3;
	[dreg:$0x14] =	wrdreg s8;
	s8 =	sadd.s32 s25, s4  }
0x27: {  	s9 =	simm.s32 $0x0;
	[dreg:$0x18] =	wrdreg s8;
	s8 =	sadd.s32 s11, s4  }
0x28: {  	s12 =	simm.s32 $0x780;
	[dreg:$0x1a] =	wrdreg s8;
	s8 =	sadd.s32 s15, s4  }
0x29: {  	s13 =	sadd.s32 s5, s0;
	[dreg:$0x1c] =	wrdreg s8;
	s8 =	sadd.s32 s18, s4  }
0x2a: {  	s25 =	sadd.s32 $0x13800, s7;
	s4 =	sadd.s32 s6, s4;
	[dreg:$0x1e] =	wrdreg s8  }
0x2b: {  	s29 =	sadd.s32 $0x9C000, s0;
	s5 =	simm.s32 $0xB;
	[smem:$0x7F4] =	sst s4  }
0x2c: {  	s7 =	simm.s32 $0x12480;
	_ =	strace $0x80000047;
	[smem:$0x7F9] =	sst s25  }
0x2d: {  	s21 =	sshrl.u32 s19, $0x2;
	s19 =	simm.s32 $0xD;
	[smem:$0x7FA] =	sst s2  }
0x2e: {  	s15 =	simm.s32 $0x2;
	s6 =	simm.s32 $0x1;
	[smem:$0x7FB] =	sst s26  }
0x2f: {  	s18 =	simm.s32 $0x300;
	s4 =	sadd.s32 s21, s0;
	[smem:$0x7FC] =	sst s29  }
0x30: {  	s8 =	simm.s32 $0x4800;
	s22 =	sadd.s32 $0x2000, s4;
	[smem:$0x7FD] =	sst s13  }
.Ltmp0:
0x31: {  	s23 =	sadd.s32 $0x4000, s4;
	[smem:$0x7F5] =	sst s22;
	(pc) =	sbr.rel .LBB2_1-.Ltmp0, $4  }
0x32: {  	s21 =	simm.s32 $0x5;
	s24 =	sadd.s32 $0x6000, s4;
	[smem:$0x7F6] =	sst s23  }
0x33: {  	s4 =	sadd.s32 $0x8000, s4;
	s25 =	simm.s32 $0xF;
	[smem:$0x7F7] =	sst s24  }
0x34: {  	s26 =	simm.s32 $0x800;
	[smem:$0x7F8] =	sst s4;
	s4 =	simm.s32 $0x80  }
0x35: {  	v0 =	vimm.bf16 $0.0e+00;
	v1 =	vimm.f32 $0.0e+00;
	v2 =	vimm.f32 $1.000000000e+00;
	s22 =	simm.s32 $0xE;
	s23 =	simm.s32 $0x4;
	s24 =	simm.s32 $0x6  }
.LBB2_8:
0x36: {  	s2 =	simm.s32 $0x7  }
0x37: {  	_ =	swait.ge [sflag:s2], $0x2000  }
0x38: {  	[sflag:s2] =	ssyncset.done $0x0  }
0x39: {  	[sflag:s2] =	ssyncadd.s32 $0xFFFFE000  }
0x3a: {  	_ =	swait.ge [sflag:s31], $0x2000  }
0x3b: {  	[sflag:s31] =	ssyncset.done $0x0  }
0x3c: {  	[sflag:s31] =	ssyncadd.s32 $0xFFFFE000  }
0x3d: {  	[bflag:$0x0] =	sbarrier.arrive $0xFFFF  }
0x3e: {  	s13 =	sld [smem:$0x7FD]  }
0x3f: {  	s29 =	stileid.u32  }
0x40: {  	s2 =	sshll.u32 s29, $0x6;
	s29 =	simm.s32 $0x11  }
0x41: {  	s2 =	sor.u32 $0x1C11, s2;
	s11 =	rddreg [dreg:$0x10];
	s9 =	sshrl.u32 s13, $0x3  }
0x42: {  	[hbm:s11], [sflag:s2] =	dma.local [spmem:s9], $0x1380  }
0x43: {  	_ =	swait.ge [sflag:s29], $0x1380  }
0x44: {  	s9 =	sld [smem:$0x7FC]  }
0x45: {  	s11 =	sld [smem:$0x7F9]  }
0x46: {  	[sflag:s29] =	ssyncset.done $0x0  }
0x47: {  	[sflag:s29] =	ssyncadd.s32 $0xFFFFEC80;
	s9 =	sshrl.u32 @!p0 s9, $0x3  }
0x48: {  	[hbm:s11], [sflag:s2] =	dma.local @!p0 [spmem:s9], $0x80  }
0x49: {  	s2 =	simm.s32 @!p0 $0x11  }
0x4a: {  	_ =	swait.ge @!p0 [sflag:s2], $0x80  }
0x4b: {  	s9 =	sld [smem:$0x7FA]  }
0x4c: {  	[sflag:s2] =	ssyncset.done @!p0 $0x0  }
0x4d: {  	[sflag:s2] =	ssyncadd.s32 @!p0 $0xFFFFFF80  }
0x4e: {  	[hbm4b:s9+s1] =	stream.linear.scatter [tilespmem:s7], [sflag:$0x11], $0x2710, $0x38;
	[tilespmem:$0x14BA0] =	vst v63  }
0x4f: {  	_ =	swait.ge [sflag:s29], $0x2710  }
0x50: {  	s10 =	sld [smem:$0x7F3]  }
0x51: {  	s11 =	sld [smem:$0x7FB];
	_ =	sdelay $0x1  }
0x52: {  	s9 =	sadd.s32 $0x1, s10  }
0x53: {  	p1 =	sne.s32 s9, s11  }
.Ltmp1:
0x54: {  	_ = 	snop;
	(pc) =	sbr.rel @!p1 .LBB2_9-.Ltmp1, $3  }
0x55: {  	_ =	sdelay $0x1  }
0x56: {  	[sflag:s29] =	ssyncset.done $0x0  }
0x57: {  	[sflag:s29] =	ssyncadd.s32 $0xFFFFD8F0  }
.LBB2_1:
0x58: {  	[smem:$0x7F3] =	sst s9;
	s11 =	simm.s32 $0x100;
	s2 =	simm.s32 $0x0  }
.LBB2_2:
0x59: {  	p1 =	sne.s32 s11, $0x7F00;
	[tilespmem:s2+$0x830] =	vst v0;
	s29 =	smov.u32 s11;
	s11 =	sadd.s32 $0x100, s11  }
.Ltmp2:
0x5a: {  	[tilespmem:s2+$0x820] =	vst v0;
	(pc) =	sbr.rel @p1 .LBB2_2-.Ltmp2, $3  }
0x5b: {  	[tilespmem:s2+$0x800] =	vst v0  }
0x5c: {  	[tilespmem:s2+$0x810] =	vst v0;
	_ =	sdelay $0x1  }
0x5d: {  	s2 =	sshra.s32 s29, $0x2  }
0x5e: {  	[tilespmem:s2+$0x830] =	vst v0  }
0x5f: {  	[tilespmem:s2+$0x820] =	vst v0  }
0x60: {  	[tilespmem:s2+$0x800] =	vst v0  }
0x61: {  	[tilespmem:s2+$0x810] =	vst v0;
	s11 =	simm.s32 $0x800;
	s9 =	simm.s32 $0x11  }
0x62: {  	[spmem:s13] =	stream.linear.scatter [tilespmem:s11], [sflag:$0x11], $0x2000, $0x38;
	[tilespmem:$0x14BA0] =	vst v63  }
0x63: {  	_ =	swait.ge [sflag:s9], $0x2000  }
0x64: {  	s29 =	sld [smem:$0x7F5]  }
0x65: {  	[sflag:s9] =	ssyncset.done $0x0  }
0x66: {  	[sflag:s9] =	ssyncadd.s32 $0xFFFFE000  }
0x67: {  	[spmem:s29] =	stream.linear.scatter [tilespmem:s11], [sflag:$0x11], $0x2000, $0x38;
	[tilespmem:$0x14BA0] =	vst v63  }
0x68: {  	_ =	swait.ge [sflag:s9], $0x2000  }
0x69: {  	s10 =	sld [smem:$0x7F6]  }
0x6a: {  	[sflag:s9] =	ssyncset.done $0x0  }
0x6b: {  	[sflag:s9] =	ssyncadd.s32 $0xFFFFE000  }
0x6c: {  	[spmem:s10] =	stream.linear.scatter [tilespmem:s11], [sflag:$0x11], $0x2000, $0x38;
	[tilespmem:$0x14BA0] =	vst v63  }
0x6d: {  	_ =	swait.ge [sflag:s9], $0x2000  }
0x6e: {  	s13 =	sld [smem:$0x7F7]  }
0x6f: {  	[sflag:s9] =	ssyncset.done $0x0  }
0x70: {  	[sflag:s9] =	ssyncadd.s32 $0xFFFFE000  }
0x71: {  	[spmem:s13] =	stream.linear.scatter [tilespmem:s11], [sflag:$0x11], $0x2000, $0x38;
	[tilespmem:$0x14BA0] =	vst v63  }
0x72: {  	_ =	swait.ge [sflag:s9], $0x2000  }
0x73: {  	s29 =	sld [smem:$0x7F8]  }
0x74: {  	[sflag:s9] =	ssyncset.done $0x0  }
0x75: {  	[sflag:s9] =	ssyncadd.s32 $0xFFFFE000  }
0x76: {  	[spmem:s29] =	stream.linear.scatter [tilespmem:s11], [sflag:$0x11], $0x1C00, $0x38;
	[tilespmem:$0x14BA0] =	vst v63  }
0x77: {  	_ =	swait.ge [sflag:s9], $0x1C00  }
0x78: {  	[sflag:s9] =	ssyncset.done $0x0  }
0x79: {  	[sflag:s9] =	ssyncadd.s32 $0xFFFFE400;
	s9 =	sld [smem:$0x7FC];
	_ =	sdelay $0x1  }
0x7a: {  	s2 =	simm.s32 @!p0 $0x800  }
0x7b: {  	[spmem:s9] =	stream.linear.scatter @!p0 [tilespmem:s2], [sflag:$0x11], $0x400, $0x38;
	[tilespmem:$0x14BA0] =	vst v63  }
0x7c: {  	s2 =	simm.s32 @!p0 $0x11  }
0x7d: {  	_ =	swait.ge @!p0 [sflag:s2], $0x400  }
0x7e: {  	s10 =	simm.s32 $0x800;
	[sflag:s2] =	ssyncset.done @!p0 $0x0  }
0x7f: {  	s11 =	simm.s32 $0x0;
	[sflag:s2] =	ssyncadd.s32 @!p0 $0xFFFFFC00;
	s2 =	simm.s32 $0x40  }
.LBB2_4:
0x80: {  	p1 =	sne.s32 s2, $0x9C00;
	[tilespmem:s11+$0x12480] =	vst v1;
	s11 =	smov.u32 s2;
	s2 =	sadd.s32 $0x40, s2  }
.Ltmp3:
0x81: {  	(pc) =	sbr.rel @p1 .LBB2_4-.Ltmp3, $2  }
0x82: {  	_ =	sdelay $0x2  }
0x83: {  	s11 =	sshra.s32 s11, $0x2  }
0x84: {  	[tilespmem:s11+$0x12480] =	vst v1  }
0x85: {  	[bflag:$0x0] =	sbarrier.arrive $0xFFFF  }
0x86: {  	s29 =	simm.s32 $0x0;
	s2 =	rddreg [dreg:$0x4]  }
0x87: {  	[tilespmem:s29], [sflag:$0x9] =	stream.linear.gather [hbm4b:s2+s29], $0x80, $0x38;
	[tilespmem:$0x14BA0] =	vst v63  }
0x88: {  	s9 =	simm.s32 $0x400;
	s13 =	rddreg [dreg:$0x5]  }
0x89: {  	[tilespmem:s9], [sflag:$0x9] =	stream.linear.gather [hbm4b:s13+s29], $0x80, $0x38;
	[tilespmem:$0x14BA0] =	vst v63  }
0x8a: {  	s9 =	rddreg [dreg:$0x6]  }
0x8b: {  	[tilespmem:s4], [sflag:$0xA] =	stream.linear.gather [hbm4b:s9+s29], $0x80, $0x38;
	[tilespmem:$0x14BA0] =	vst v63  }
0x8c: {  	s11 =	rddreg [dreg:$0x7];
	s13 =	simm.s32 $0x480  }
0x8d: {  	[tilespmem:s13], [sflag:$0xA] =	stream.linear.gather [hbm4b:s11+s29], $0x80, $0x38;
	[tilespmem:$0x14BA0] =	vst v63  }
0x8e: {  	s11 =	rddreg [dreg:$0x8];
	s13 =	simm.s32 $0x100  }
0x8f: {  	[tilespmem:s13], [sflag:$0xB] =	stream.linear.gather [hbm4b:s11+s29], $0x80, $0x38;
	[tilespmem:$0x14BA0] =	vst v63  }
0x90: {  	s11 =	rddreg [dreg:$0x9];
	s13 =	simm.s32 $0x500  }
0x91: {  	[tilespmem:s13], [sflag:$0xB] =	stream.linear.gather [hbm4b:s11+s29], $0x80, $0x38;
	[tilespmem:$0x14BA0] =	vst v63  }
0x92: {  	s11 =	rddreg [dreg:$0xa];
	s13 =	simm.s32 $0x180  }
0x93: {  	[tilespmem:s13], [sflag:$0xC] =	stream.linear.gather [hbm4b:s11+s29], $0x80, $0x38;
	[tilespmem:$0x14BA0] =	vst v63  }
0x94: {  	s11 =	rddreg [dreg:$0xb];
	s13 =	simm.s32 $0x580  }
0x95: {  	[tilespmem:s13], [sflag:$0xC] =	stream.linear.gather [hbm4b:s11+s29], $0x80, $0x38;
	[tilespmem:$0x14BA0] =	vst v63  }
0x96: {  	s11 =	rddreg [dreg:$0xc];
	s13 =	simm.s32 $0x200  }
0x97: {  	[tilespmem:s13], [sflag:$0xD] =	stream.linear.gather [hbm4b:s11+s29], $0x80, $0x38;
	[tilespmem:$0x14BA0] =	vst v63  }
0x98: {  	s11 =	rddreg [dreg:$0xd];
	s13 =	simm.s32 $0x600  }
0x99: {  	[tilespmem:s13], [sflag:$0xD] =	stream.linear.gather [hbm4b:s11+s29], $0x80, $0x38;
	[tilespmem:$0x14BA0] =	vst v63  }
0x9a: {  	s11 =	rddreg [dreg:$0xe];
	s13 =	simm.s32 $0x280  }
0x9b: {  	[tilespmem:s13], [sflag:$0xE] =	stream.linear.gather [hbm4b:s11+s29], $0x80, $0x38;
	[tilespmem:$0x14BA0] =	vst v63  }
0x9c: {  	s11 =	rddreg [dreg:$0xf];
	s13 =	simm.s32 $0x680  }
0x9d: {  	[tilespmem:s13], [sflag:$0xE] =	stream.linear.gather [hbm4b:s11+s29], $0x80, $0x38;
	[tilespmem:$0x14BA0] =	vst v63  }
0x9e: {  	s11 =	simm.s32 $0x9  }
0x9f: {  	_ =	swait.ge [sflag:s11], $0x80  }
0xa0: {  	[sflag:s11] =	ssyncset.done $0x0  }
0xa1: {  	[sflag:s11] =	ssyncadd.s32 $0xFFFFFF80  }
0xa2: {  	_ =	swait.ge [sflag:s11], $0x80  }
0xa3: {  	[sflag:s11] =	ssyncset.done $0x0  }
0xa4: {  	s13 =	simm.s32 $0xA;
	[sflag:s11] =	ssyncadd.s32 $0xFFFFFF80  }
0xa5: {  	_ =	swait.ge [sflag:s13], $0x80  }
0xa6: {  	[sflag:s13] =	ssyncset.done $0x0  }
0xa7: {  	[sflag:s13] =	ssyncadd.s32 $0xFFFFFF80  }
0xa8: {  	_ =	swait.ge [sflag:s13], $0x80  }
0xa9: {  	[sflag:s13] =	ssyncset.done $0x0  }
0xaa: {  	[sflag:s13] =	ssyncadd.s32 $0xFFFFFF80  }
0xab: {  	[tilespmem:s10], [sflag:$0x1] =	stream.indirect.gather [hbm4b:s28+s4], $0x40, s29, s4, $0xb8;
	[tilespmem:$0x14BA0] =	vst v63  }
0xac: {  	_ = 	snop  }
0xad: {  	[tilespmem:s14], [sflag:$0x2] =	stream.indirect.gather [hbm4b:s28+s4], $0x40, s4, s4, $0xb8;
	[tilespmem:$0x14BA0] =	vst v63  }
.LBB2_6:
0xae: {  	_ =	swait.ge [sflag:s5], $0x80  }
0xaf: {  	[sflag:s5] =	ssyncset.done $0x0  }
0xb0: {  	[sflag:s5] =	ssyncadd.s32 $0xFFFFFF80  }
0xb1: {  	_ =	swait.ge [sflag:s5], $0x80  }
0xb2: {  	[sflag:s5] =	ssyncset.done $0x0  }
0xb3: {  	[sflag:s5] =	ssyncadd.s32 $0xFFFFFF80  }
0xb4: {  	_ =	swait.ge [sflag:s6], $0x2000  }
0xb5: {  	[sflag:s6] =	ssyncset.done $0x0  }
0xb6: {  	s2 =	simm.s32 $0x400;
	[sflag:s6] =	ssyncadd.s32 $0xFFFFE000  }
0xb7: {  	[spmem:s0] =	stream.indirect.scatter.add.bf16 [tilespmem:s26], [sflag:$0x5], $0x40, s2, s4, $0xb8;
	[tilespmem:$0x14BA0] =	vst v63  }
0xb8: {  	v3 =	vld [tilespmem:$0x400];
	_ =	sdelay $0x7  }
0xb9: {  	[tilespmem:v3+s7+$0x0] =	vst.idx.add.f32.msk $0xffff, v2  }
0xba: {  	v3 =	vld [tilespmem:$0x410];
	_ =	sdelay $0x7  }
0xbb: {  	[tilespmem:v3+s7+$0x0] =	vst.idx.add.f32.msk $0xffff, v2  }
0xbc: {  	v3 =	vld [tilespmem:$0x420];
	_ =	sdelay $0x7  }
0xbd: {  	[tilespmem:v3+s7+$0x0] =	vst.idx.add.f32.msk $0xffff, v2  }
0xbe: {  	v3 =	vld [tilespmem:$0x430];
	_ =	sdelay $0x7  }
0xbf: {  	[tilespmem:v3+s7+$0x0] =	vst.idx.add.f32.msk $0xffff, v2  }
0xc0: {  	v3 =	vld [tilespmem:$0x440];
	_ =	sdelay $0x7  }
0xc1: {  	[tilespmem:v3+s7+$0x0] =	vst.idx.add.f32.msk $0xffff, v2  }
0xc2: {  	v3 =	vld [tilespmem:$0x450];
	_ =	sdelay $0x7  }
0xc3: {  	[tilespmem:v3+s7+$0x0] =	vst.idx.add.f32.msk $0xffff, v2  }
0xc4: {  	v3 =	vld [tilespmem:$0x460];
	_ =	sdelay $0x7  }
0xc5: {  	[tilespmem:v3+s7+$0x0] =	vst.idx.add.f32.msk $0xffff, v2  }
0xc6: {  	v3 =	vld [tilespmem:$0x470];
	_ =	sdelay $0x6  }
0xc7: {  	p1 =	seq.s32 s29, $0x0  }
0xc8: {  	s2 =	simm.s32 @!p1 $0x7;
	[tilespmem:v3+s7+$0x0] =	vst.idx.add.f32.msk $0xffff, v2  }
0xc9: {  	_ =	swait.ge @!p1 [sflag:s2], $0x2000  }
0xca: {  	[sflag:s2] =	ssyncset.done @!p1 $0x0;
	s10 =	sld [smem:$0x7F4]  }
0xcb: {  	s9 =	simm.s32 $0x100;
	[sflag:s2] =	ssyncadd.s32 @!p1 $0xFFFFE000  }
0xcc: {  	[tilespmem:s8], [sflag:$0x3] =	stream.indirect.gather [hbm4b:s28+s4], $0x40, s9, s4, $0xb8;
	[tilespmem:$0x14BA0] =	vst v63  }
0xcd: {  	s11 =	rddreg [dreg:$0x1f];
	s2 =	sadd.s32 s29, s10  }
0xce: {  	[tilespmem:s18], [sflag:$0xF] =	stream.linear.gather [hbm4b:s2+s1], $0x80, $0x38;
	[tilespmem:$0x14BA0] =	vst v63  }
0xcf: {  	s10 =	simm.s32 $0x700;
	s2 =	sadd.s32 s29, s11  }
0xd0: {  	[tilespmem:s10], [sflag:$0xF] =	stream.linear.gather [hbm4b:s2+s1], $0x80, $0x38;
	[tilespmem:$0x14BA0] =	vst v63  }
0xd1: {  	_ =	swait.ge [sflag:s3], $0x80  }
0xd2: {  	[sflag:s3] =	ssyncset.done $0x0  }
0xd3: {  	[sflag:s3] =	ssyncadd.s32 $0xFFFFFF80  }
0xd4: {  	_ =	swait.ge [sflag:s3], $0x80  }
0xd5: {  	[sflag:s3] =	ssyncset.done $0x0  }
0xd6: {  	[sflag:s3] =	ssyncadd.s32 $0xFFFFFF80  }
0xd7: {  	_ =	swait.ge [sflag:s15], $0x2000  }
0xd8: {  	[sflag:s15] =	ssyncset.done $0x0  }
0xd9: {  	s13 =	simm.s32 $0x480;
	[sflag:s15] =	ssyncadd.s32 $0xFFFFE000  }
0xda: {  	[spmem:s0] =	stream.indirect.scatter.add.bf16 [tilespmem:s14], [sflag:$0x6], $0x40, s13, s4, $0xb8;
	[tilespmem:$0x14BA0] =	vst v63  }
0xdb: {  	v3 =	vld [tilespmem:$0x480];
	_ =	sdelay $0x7  }
0xdc: {  	[tilespmem:v3+s7+$0x0] =	vst.idx.add.f32.msk $0xffff, v2  }
0xdd: {  	v3 =	vld [tilespmem:$0x490];
	_ =	sdelay $0x7  }
0xde: {  	[tilespmem:v3+s7+$0x0] =	vst.idx.add.f32.msk $0xffff, v2  }
0xdf: {  	v3 =	vld [tilespmem:$0x4A0];
	_ =	sdelay $0x7  }
0xe0: {  	[tilespmem:v3+s7+$0x0] =	vst.idx.add.f32.msk $0xffff, v2  }
0xe1: {  	v3 =	vld [tilespmem:$0x4B0];
	_ =	sdelay $0x7  }
0xe2: {  	[tilespmem:v3+s7+$0x0] =	vst.idx.add.f32.msk $0xffff, v2  }
0xe3: {  	v3 =	vld [tilespmem:$0x4C0];
	_ =	sdelay $0x7  }
0xe4: {  	[tilespmem:v3+s7+$0x0] =	vst.idx.add.f32.msk $0xffff, v2  }
0xe5: {  	v3 =	vld [tilespmem:$0x4D0];
	_ =	sdelay $0x7  }
0xe6: {  	[tilespmem:v3+s7+$0x0] =	vst.idx.add.f32.msk $0xffff, v2  }
0xe7: {  	v3 =	vld [tilespmem:$0x4E0];
	_ =	sdelay $0x7  }
0xe8: {  	[tilespmem:v3+s7+$0x0] =	vst.idx.add.f32.msk $0xffff, v2  }
0xe9: {  	v3 =	vld [tilespmem:$0x4F0];
	_ =	sdelay $0x7  }
0xea: {  	s2 =	simm.s32 @!p1 $0x8;
	[tilespmem:v3+s7+$0x0] =	vst.idx.add.f32.msk $0xffff, v2  }
0xeb: {  	_ =	swait.ge @!p1 [sflag:s2], $0x2000  }
0xec: {  	[sflag:s2] =	ssyncset.done @!p1 $0x0  }
0xed: {  	s9 =	simm.s32 $0x180;
	s11 =	rddreg [dreg:$0x1e];
	[sflag:s2] =	ssyncadd.s32 @!p1 $0xFFFFE000  }
0xee: {  	[tilespmem:s16], [sflag:$0x4] =	stream.indirect.gather [hbm4b:s28+s4], $0x40, s9, s4, $0xb8;
	[tilespmem:$0x14BA0] =	vst v63  }
0xef: {  	s13 =	rddreg [dreg:$0x1d];
	s2 =	sadd.s32 s29, s11  }
0xf0: {  	[tilespmem:s17], [sflag:$0x10] =	stream.linear.gather [hbm4b:s2+s1], $0x80, $0x38;
	[tilespmem:$0x14BA0] =	vst v63  }
0xf1: {  	s2 =	sadd.s32 s29, s13  }
0xf2: {  	[tilespmem:s12], [sflag:$0x10] =	stream.linear.gather [hbm4b:s2+s1], $0x80, $0x38;
	[tilespmem:$0x14BA0] =	vst v63  }
0xf3: {  	_ =	swait.ge [sflag:s19], $0x80  }
0xf4: {  	[sflag:s19] =	ssyncset.done $0x0  }
0xf5: {  	[sflag:s19] =	ssyncadd.s32 $0xFFFFFF80  }
0xf6: {  	_ =	swait.ge [sflag:s19], $0x80  }
0xf7: {  	[sflag:s19] =	ssyncset.done $0x0  }
0xf8: {  	[sflag:s19] =	ssyncadd.s32 $0xFFFFFF80  }
0xf9: {  	_ =	swait.ge [sflag:s20], $0x2000  }
0xfa: {  	[sflag:s20] =	ssyncset.done $0x0  }
0xfb: {  	s9 =	simm.s32 $0x500;
	[sflag:s20] =	ssyncadd.s32 $0xFFFFE000  }
0xfc: {  	[spmem:s0] =	stream.indirect.scatter.add.bf16 [tilespmem:s8], [sflag:$0x7], $0x40, s9, s4, $0xb8;
	[tilespmem:$0x14BA0] =	vst v63  }
0xfd: {  	v3 =	vld [tilespmem:$0x500];
	_ =	sdelay $0x7  }
0xfe: {  	[tilespmem:v3+s7+$0x0] =	vst.idx.add.f32.msk $0xffff, v2  }
0xff: {  	v3 =	vld [tilespmem:$0x510];
	_ =	sdelay $0x7  }
0x100: {  	[tilespmem:v3+s7+$0x0] =	vst.idx.add.f32.msk $0xffff, v2  }
0x101: {  	v3 =	vld [tilespmem:$0x520];
	_ =	sdelay $0x7  }
0x102: {  	[tilespmem:v3+s7+$0x0] =	vst.idx.add.f32.msk $0xffff, v2  }
0x103: {  	v3 =	vld [tilespmem:$0x530];
	_ =	sdelay $0x7  }
0x104: {  	[tilespmem:v3+s7+$0x0] =	vst.idx.add.f32.msk $0xffff, v2  }
0x105: {  	v3 =	vld [tilespmem:$0x540];
	_ =	sdelay $0x7  }
0x106: {  	[tilespmem:v3+s7+$0x0] =	vst.idx.add.f32.msk $0xffff, v2  }
0x107: {  	v3 =	vld [tilespmem:$0x550];
	_ =	sdelay $0x7  }
0x108: {  	[tilespmem:v3+s7+$0x0] =	vst.idx.add.f32.msk $0xffff, v2  }
0x109: {  	v3 =	vld [tilespmem:$0x560];
	_ =	sdelay $0x7  }
0x10a: {  	[tilespmem:v3+s7+$0x0] =	vst.idx.add.f32.msk $0xffff, v2  }
0x10b: {  	v3 =	vld [tilespmem:$0x570];
	_ =	sdelay $0x7  }
0x10c: {  	[tilespmem:v3+s7+$0x0] =	vst.idx.add.f32.msk $0xffff, v2  }
0x10d: {  	_ =	swait.ge [sflag:s21], $0x2000  }
0x10e: {  	s11 =	simm.s32 $0x200;
	[sflag:s21] =	ssyncset.done $0x0  }
0x10f: {  	p1 =	seq.s32 s29, $0x480;
	s2 =	rddreg [dreg:$0x1c];
	[sflag:s21] =	ssyncadd.s32 $0xFFFFE000  }
0x110: {  	[tilespmem:s26], [sflag:$0x1] =	stream.indirect.gather [hbm4b:s28+s4], $0x40, s11, s4, $0xb8;
	[tilespmem:$0x14BA0] =	vst v63  }
0x111: {  	s9 =	rddreg [dreg:$0x1b];
	s11 =	sadd.s32 @!p1 s29, s2;
	s2 =	simm.s32 @!p1 $0x0  }
0x112: {  	[tilespmem:s2], [sflag:$0x9] =	stream.linear.gather @!p1 [hbm4b:s11+s2], $0x80, $0x38;
	[tilespmem:$0x14BA0] =	vst v63  }
0x113: {  	s13 =	simm.s32 @!p1 $0x400;
	s11 =	sadd.s32 @!p1 s29, s9  }
0x114: {  	[tilespmem:s13], [sflag:$0x9] =	stream.linear.gather @!p1 [hbm4b:s11+s2], $0x80, $0x38;
	[tilespmem:$0x14BA0] =	vst v63  }
0x115: {  	_ =	swait.ge [sflag:s22], $0x80  }
0x116: {  	[sflag:s22] =	ssyncset.done $0x0  }
0x117: {  	[sflag:s22] =	ssyncadd.s32 $0xFFFFFF80  }
0x118: {  	_ =	swait.ge [sflag:s22], $0x80  }
0x119: {  	[sflag:s22] =	ssyncset.done $0x0  }
0x11a: {  	[sflag:s22] =	ssyncadd.s32 $0xFFFFFF80  }
0x11b: {  	_ =	swait.ge [sflag:s23], $0x2000  }
0x11c: {  	[sflag:s23] =	ssyncset.done $0x0  }
0x11d: {  	s13 =	simm.s32 $0x580;
	[sflag:s23] =	ssyncadd.s32 $0xFFFFE000  }
0x11e: {  	[spmem:s0] =	stream.indirect.scatter.add.bf16 [tilespmem:s16], [sflag:$0x8], $0x40, s13, s4, $0xb8;
	[tilespmem:$0x14BA0] =	vst v63  }
0x11f: {  	v3 =	vld [tilespmem:$0x580];
	_ =	sdelay $0x7  }
0x120: {  	[tilespmem:v3+s7+$0x0] =	vst.idx.add.f32.msk $0xffff, v2  }
0x121: {  	v3 =	vld [tilespmem:$0x590];
	_ =	sdelay $0x7  }
0x122: {  	[tilespmem:v3+s7+$0x0] =	vst.idx.add.f32.msk $0xffff, v2  }
0x123: {  	v3 =	vld [tilespmem:$0x5A0];
	_ =	sdelay $0x7  }
0x124: {  	[tilespmem:v3+s7+$0x0] =	vst.idx.add.f32.msk $0xffff, v2  }
0x125: {  	v3 =	vld [tilespmem:$0x5B0];
	_ =	sdelay $0x7  }
0x126: {  	[tilespmem:v3+s7+$0x0] =	vst.idx.add.f32.msk $0xffff, v2  }
0x127: {  	v3 =	vld [tilespmem:$0x5C0];
	_ =	sdelay $0x7  }
0x128: {  	[tilespmem:v3+s7+$0x0] =	vst.idx.add.f32.msk $0xffff, v2  }
0x129: {  	v3 =	vld [tilespmem:$0x5D0];
	_ =	sdelay $0x7  }
0x12a: {  	[tilespmem:v3+s7+$0x0] =	vst.idx.add.f32.msk $0xffff, v2  }
0x12b: {  	v3 =	vld [tilespmem:$0x5E0];
	_ =	sdelay $0x7  }
0x12c: {  	[tilespmem:v3+s7+$0x0] =	vst.idx.add.f32.msk $0xffff, v2  }
0x12d: {  	v3 =	vld [tilespmem:$0x5F0];
	_ =	sdelay $0x7  }
0x12e: {  	[tilespmem:v3+s7+$0x0] =	vst.idx.add.f32.msk $0xffff, v2  }
0x12f: {  	_ =	swait.ge [sflag:s24], $0x2000  }
0x130: {  	[sflag:s24] =	ssyncset.done $0x0  }
0x131: {  	s11 =	simm.s32 $0x280;
	s9 =	rddreg [dreg:$0x1a];
	[sflag:s24] =	ssyncadd.s32 $0xFFFFE000  }
0x132: {  	[tilespmem:s14], [sflag:$0x2] =	stream.indirect.gather [hbm4b:s28+s4], $0x40, s11, s4, $0xb8;
	[tilespmem:$0x14BA0] =	vst v63  }
0x133: {  	s13 =	sadd.s32 @!p1 s29, s9;
	s9 =	rddreg [dreg:$0x19];
	s11 =	simm.s32 @!p1 $0x80  }
0x134: {  	[tilespmem:s11], [sflag:$0xA] =	stream.linear.gather @!p1 [hbm4b:s13+s2], $0x80, $0x38;
	[tilespmem:$0x14BA0] =	vst v63  }
0x135: {  	s13 =	sadd.s32 @!p1 s29, s9;
	s9 =	simm.s32 @!p1 $0x480  }
0x136: {  	[tilespmem:s9], [sflag:$0xA] =	stream.linear.gather @!p1 [hbm4b:s13+s2], $0x80, $0x38;
	[tilespmem:$0x14BA0] =	vst v63  }
0x137: {  	_ =	swait.ge [sflag:s25], $0x80  }
0x138: {  	[sflag:s25] =	ssyncset.done $0x0  }
0x139: {  	[sflag:s25] =	ssyncadd.s32 $0xFFFFFF80  }
0x13a: {  	_ =	swait.ge [sflag:s25], $0x80  }
0x13b: {  	[sflag:s25] =	ssyncset.done $0x0  }
0x13c: {  	[sflag:s25] =	ssyncadd.s32 $0xFFFFFF80  }
0x13d: {  	_ =	swait.ge [sflag:s6], $0x2000  }
0x13e: {  	[sflag:s6] =	ssyncset.done $0x0  }
0x13f: {  	s13 =	simm.s32 $0x600;
	[sflag:s6] =	ssyncadd.s32 $0xFFFFE000  }
0x140: {  	[spmem:s0] =	stream.indirect.scatter.add.bf16 [tilespmem:s26], [sflag:$0x5], $0x40, s13, s4, $0xb8;
	[tilespmem:$0x14BA0] =	vst v63  }
0x141: {  	v3 =	vld [tilespmem:$0x600];
	_ =	sdelay $0x7  }
0x142: {  	[tilespmem:v3+s7+$0x0] =	vst.idx.add.f32.msk $0xffff, v2  }
0x143: {  	v3 =	vld [tilespmem:$0x610];
	_ =	sdelay $0x7  }
0x144: {  	[tilespmem:v3+s7+$0x0] =	vst.idx.add.f32.msk $0xffff, v2  }
0x145: {  	v3 =	vld [tilespmem:$0x620];
	_ =	sdelay $0x7  }
0x146: {  	[tilespmem:v3+s7+$0x0] =	vst.idx.add.f32.msk $0xffff, v2  }
0x147: {  	v3 =	vld [tilespmem:$0x630];
	_ =	sdelay $0x7  }
0x148: {  	[tilespmem:v3+s7+$0x0] =	vst.idx.add.f32.msk $0xffff, v2  }
0x149: {  	v3 =	vld [tilespmem:$0x640];
	_ =	sdelay $0x7  }
0x14a: {  	[tilespmem:v3+s7+$0x0] =	vst.idx.add.f32.msk $0xffff, v2  }
0x14b: {  	v3 =	vld [tilespmem:$0x650];
	_ =	sdelay $0x7  }
0x14c: {  	[tilespmem:v3+s7+$0x0] =	vst.idx.add.f32.msk $0xffff, v2  }
0x14d: {  	v3 =	vld [tilespmem:$0x660];
	_ =	sdelay $0x7  }
0x14e: {  	[tilespmem:v3+s7+$0x0] =	vst.idx.add.f32.msk $0xffff, v2  }
0x14f: {  	v3 =	vld [tilespmem:$0x670];
	_ =	sdelay $0x7  }
0x150: {  	s13 =	simm.s32 $0x7;
	[tilespmem:v3+s7+$0x0] =	vst.idx.add.f32.msk $0xffff, v2  }
0x151: {  	_ =	swait.ge [sflag:s13], $0x2000  }
0x152: {  	[sflag:s13] =	ssyncset.done $0x0  }
0x153: {  	s9 =	rddreg [dreg:$0x18];
	[sflag:s13] =	ssyncadd.s32 $0xFFFFE000  }
0x154: {  	[tilespmem:s8], [sflag:$0x3] =	stream.indirect.gather [hbm4b:s28+s4], $0x40, s18, s4, $0xb8;
	[tilespmem:$0x14BA0] =	vst v63  }
0x155: {  	s9 =	sadd.s32 @!p1 s29, s9;
	s13 =	simm.s32 @!p1 $0x100  }
0x156: {  	[tilespmem:s13], [sflag:$0xB] =	stream.linear.gather @!p1 [hbm4b:s9+s2], $0x80, $0x38;
	[tilespmem:$0x14BA0] =	vst v63  }
0x157: {  	s9 =	rddreg [dreg:$0x17]  }
0x158: {  	s13 =	simm.s32 @!p1 $0x500;
	s9 =	sadd.s32 @!p1 s29, s9  }
0x159: {  	[tilespmem:s13], [sflag:$0xB] =	stream.linear.gather @!p1 [hbm4b:s9+s2], $0x80, $0x38;
	[tilespmem:$0x14BA0] =	vst v63  }
0x15a: {  	_ =	swait.ge [sflag:s30], $0x80  }
0x15b: {  	[sflag:s30] =	ssyncset.done $0x0  }
0x15c: {  	[sflag:s30] =	ssyncadd.s32 $0xFFFFFF80  }
0x15d: {  	_ =	swait.ge [sflag:s30], $0x80  }
0x15e: {  	[sflag:s30] =	ssyncset.done $0x0  }
0x15f: {  	[sflag:s30] =	ssyncadd.s32 $0xFFFFFF80  }
0x160: {  	_ =	swait.ge [sflag:s15], $0x2000  }
0x161: {  	[sflag:s15] =	ssyncset.done $0x0  }
0x162: {  	s13 =	simm.s32 $0x680;
	[sflag:s15] =	ssyncadd.s32 $0xFFFFE000  }
0x163: {  	[spmem:s0] =	stream.indirect.scatter.add.bf16 [tilespmem:s14], [sflag:$0x6], $0x40, s13, s4, $0xb8;
	[tilespmem:$0x14BA0] =	vst v63  }
0x164: {  	v3 =	vld [tilespmem:$0x680];
	_ =	sdelay $0x7  }
0x165: {  	[tilespmem:v3+s7+$0x0] =	vst.idx.add.f32.msk $0xffff, v2  }
0x166: {  	v3 =	vld [tilespmem:$0x690];
	_ =	sdelay $0x7  }
0x167: {  	[tilespmem:v3+s7+$0x0] =	vst.idx.add.f32.msk $0xffff, v2  }
0x168: {  	v3 =	vld [tilespmem:$0x6A0];
	_ =	sdelay $0x7  }
0x169: {  	[tilespmem:v3+s7+$0x0] =	vst.idx.add.f32.msk $0xffff, v2  }
0x16a: {  	v3 =	vld [tilespmem:$0x6B0];
	_ =	sdelay $0x7  }
0x16b: {  	[tilespmem:v3+s7+$0x0] =	vst.idx.add.f32.msk $0xffff, v2  }
0x16c: {  	v3 =	vld [tilespmem:$0x6C0];
	_ =	sdelay $0x7  }
0x16d: {  	[tilespmem:v3+s7+$0x0] =	vst.idx.add.f32.msk $0xffff, v2  }
0x16e: {  	v3 =	vld [tilespmem:$0x6D0];
	_ =	sdelay $0x7  }
0x16f: {  	[tilespmem:v3+s7+$0x0] =	vst.idx.add.f32.msk $0xffff, v2  }
0x170: {  	v3 =	vld [tilespmem:$0x6E0];
	_ =	sdelay $0x7  }
0x171: {  	[tilespmem:v3+s7+$0x0] =	vst.idx.add.f32.msk $0xffff, v2  }
0x172: {  	v3 =	vld [tilespmem:$0x6F0];
	_ =	sdelay $0x7  }
0x173: {  	[tilespmem:v3+s7+$0x0] =	vst.idx.add.f32.msk $0xffff, v2  }
0x174: {  	_ =	swait.ge [sflag:s31], $0x2000  }
0x175: {  	[sflag:s31] =	ssyncset.done $0x0  }
0x176: {  	s9 =	rddreg [dreg:$0x16];
	[sflag:s31] =	ssyncadd.s32 $0xFFFFE000  }
0x177: {  	[tilespmem:s16], [sflag:$0x4] =	stream.indirect.gather [hbm4b:s28+s4], $0x40, s17, s4, $0xb8;
	[tilespmem:$0x14BA0] =	vst v63  }
0x178: {  	s13 =	simm.s32 @!p1 $0x180;
	s9 =	sadd.s32 @!p1 s29, s9  }
0x179: {  	[tilespmem:s13], [sflag:$0xC] =	stream.linear.gather @!p1 [hbm4b:s9+s2], $0x80, $0x38;
	[tilespmem:$0x14BA0] =	vst v63  }
0x17a: {  	s9 =	rddreg [dreg:$0x15]  }
0x17b: {  	s13 =	simm.s32 @!p1 $0x580;
	s9 =	sadd.s32 @!p1 s29, s9  }
0x17c: {  	[tilespmem:s13], [sflag:$0xC] =	stream.linear.gather @!p1 [hbm4b:s9+s2], $0x80, $0x38;
	[tilespmem:$0x14BA0] =	vst v63  }
0x17d: {  	s9 =	simm.s32 @!p1 $0x9  }
0x17e: {  	_ =	swait.ge @!p1 [sflag:s9], $0x80  }
0x17f: {  	[sflag:s9] =	ssyncset.done @!p1 $0x0  }
0x180: {  	[sflag:s9] =	ssyncadd.s32 @!p1 $0xFFFFFF80  }
0x181: {  	_ =	swait.ge @!p1 [sflag:s9], $0x80  }
0x182: {  	[sflag:s9] =	ssyncset.done @!p1 $0x0  }
0x183: {  	[sflag:s9] =	ssyncadd.s32 @!p1 $0xFFFFFF80  }
0x184: {  	_ =	swait.ge [sflag:s20], $0x2000  }
0x185: {  	[sflag:s20] =	ssyncset.done $0x0  }
0x186: {  	[sflag:s20] =	ssyncadd.s32 $0xFFFFE000  }
0x187: {  	[spmem:s0] =	stream.indirect.scatter.add.bf16 [tilespmem:s8], [sflag:$0x7], $0x40, s10, s4, $0xb8;
	[tilespmem:$0x14BA0] =	vst v63  }
0x188: {  	v3 =	vld [tilespmem:$0x700];
	_ =	sdelay $0x7  }
0x189: {  	[tilespmem:v3+s7+$0x0] =	vst.idx.add.f32.msk $0xffff, v2  }
0x18a: {  	v3 =	vld [tilespmem:$0x710];
	_ =	sdelay $0x7  }
0x18b: {  	[tilespmem:v3+s7+$0x0] =	vst.idx.add.f32.msk $0xffff, v2  }
0x18c: {  	v3 =	vld [tilespmem:$0x720];
	_ =	sdelay $0x7  }
0x18d: {  	[tilespmem:v3+s7+$0x0] =	vst.idx.add.f32.msk $0xffff, v2  }
0x18e: {  	v3 =	vld [tilespmem:$0x730];
	_ =	sdelay $0x7  }
0x18f: {  	[tilespmem:v3+s7+$0x0] =	vst.idx.add.f32.msk $0xffff, v2  }
0x190: {  	v3 =	vld [tilespmem:$0x740];
	_ =	sdelay $0x7  }
0x191: {  	[tilespmem:v3+s7+$0x0] =	vst.idx.add.f32.msk $0xffff, v2  }
0x192: {  	v3 =	vld [tilespmem:$0x750];
	_ =	sdelay $0x7  }
0x193: {  	[tilespmem:v3+s7+$0x0] =	vst.idx.add.f32.msk $0xffff, v2  }
0x194: {  	v3 =	vld [tilespmem:$0x760];
	_ =	sdelay $0x7  }
0x195: {  	[tilespmem:v3+s7+$0x0] =	vst.idx.add.f32.msk $0xffff, v2  }
0x196: {  	v3 =	vld [tilespmem:$0x770];
	_ =	sdelay $0x7  }
0x197: {  	[tilespmem:v3+s7+$0x0] =	vst.idx.add.f32.msk $0xffff, v2  }
0x198: {  	_ =	swait.ge [sflag:s21], $0x2000  }
0x199: {  	[sflag:s21] =	ssyncset.done $0x0  }
0x19a: {  	s9 =	simm.s32 @!p1 $0x800;
	[sflag:s21] =	ssyncadd.s32 $0xFFFFE000  }
0x19b: {  	[tilespmem:s9], [sflag:$0x1] =	stream.indirect.gather @!p1 [hbm4b:s28+s11], $0x40, s2, s11, $0xb8;
	[tilespmem:$0x14BA0] =	vst v63  }
0x19c: {  	s9 =	rddreg [dreg:$0x14]  }
0x19d: {  	s11 =	simm.s32 @!p1 $0x200;
	s9 =	sadd.s32 @!p1 s29, s9  }
0x19e: {  	[tilespmem:s11], [sflag:$0xD] =	stream.linear.gather @!p1 [hbm4b:s9+s2], $0x80, $0x38;
	[tilespmem:$0x14BA0] =	vst v63  }
0x19f: {  	s9 =	rddreg [dreg:$0x13]  }
0x1a0: {  	s11 =	simm.s32 @!p1 $0x600;
	s9 =	sadd.s32 @!p1 s29, s9  }
0x1a1: {  	[tilespmem:s11], [sflag:$0xD] =	stream.linear.gather @!p1 [hbm4b:s9+s2], $0x80, $0x38;
	[tilespmem:$0x14BA0] =	vst v63  }
0x1a2: {  	s2 =	simm.s32 @!p1 $0xA  }
0x1a3: {  	_ =	swait.ge @!p1 [sflag:s2], $0x80  }
0x1a4: {  	[sflag:s2] =	ssyncset.done @!p1 $0x0  }
0x1a5: {  	[sflag:s2] =	ssyncadd.s32 @!p1 $0xFFFFFF80  }
0x1a6: {  	_ =	swait.ge @!p1 [sflag:s2], $0x80  }
0x1a7: {  	[sflag:s2] =	ssyncset.done @!p1 $0x0  }
0x1a8: {  	[sflag:s2] =	ssyncadd.s32 @!p1 $0xFFFFFF80  }
0x1a9: {  	_ =	swait.ge [sflag:s23], $0x2000  }
0x1aa: {  	[sflag:s23] =	ssyncset.done $0x0  }
0x1ab: {  	[sflag:s23] =	ssyncadd.s32 $0xFFFFE000  }
0x1ac: {  	[spmem:s0] =	stream.indirect.scatter.add.bf16 [tilespmem:s16], [sflag:$0x8], $0x40, s12, s4, $0xb8;
	[tilespmem:$0x14BA0] =	vst v63  }
0x1ad: {  	v3 =	vld [tilespmem:$0x780];
	_ =	sdelay $0x7  }
0x1ae: {  	[tilespmem:v3+s7+$0x0] =	vst.idx.add.f32.msk $0xffff, v2  }
0x1af: {  	v3 =	vld [tilespmem:$0x790];
	_ =	sdelay $0x7  }
0x1b0: {  	[tilespmem:v3+s7+$0x0] =	vst.idx.add.f32.msk $0xffff, v2  }
0x1b1: {  	v3 =	vld [tilespmem:$0x7A0];
	_ =	sdelay $0x7  }
0x1b2: {  	[tilespmem:v3+s7+$0x0] =	vst.idx.add.f32.msk $0xffff, v2  }
0x1b3: {  	v3 =	vld [tilespmem:$0x7B0];
	_ =	sdelay $0x7  }
0x1b4: {  	[tilespmem:v3+s7+$0x0] =	vst.idx.add.f32.msk $0xffff, v2  }
0x1b5: {  	v3 =	vld [tilespmem:$0x7C0];
	_ =	sdelay $0x7  }
0x1b6: {  	[tilespmem:v3+s7+$0x0] =	vst.idx.add.f32.msk $0xffff, v2  }
0x1b7: {  	v3 =	vld [tilespmem:$0x7D0];
	_ =	sdelay $0x7  }
0x1b8: {  	[tilespmem:v3+s7+$0x0] =	vst.idx.add.f32.msk $0xffff, v2  }
0x1b9: {  	v3 =	vld [tilespmem:$0x7E0];
	_ =	sdelay $0x7  }
0x1ba: {  	[tilespmem:v3+s7+$0x0] =	vst.idx.add.f32.msk $0xffff, v2  }
0x1bb: {  	v3 =	vld [tilespmem:$0x7F0];
	_ =	sdelay $0x6  }
.Ltmp4:
0x1bc: {  	_ = 	snop;
	(pc) =	sbr.rel @p1 .LBB2_8-.Ltmp4, $4  }
0x1bd: {  	[tilespmem:v3+s7+$0x0] =	vst.idx.add.f32.msk $0xffff, v2  }
0x1be: {  	_ =	swait.ge [sflag:s24], $0x2000  }
0x1bf: {  	[sflag:s24] =	ssyncset.done $0x0  }
0x1c0: {  	[sflag:s24] =	ssyncadd.s32 $0xFFFFE000  }
0x1c1: {  	[tilespmem:s14], [sflag:$0x2] =	stream.indirect.gather [hbm4b:s28+s4], $0x40, s4, s4, $0xb8;
	[tilespmem:$0x14BA0] =	vst v63  }
.Ltmp5:
0x1c2: {  	s2 =	rddreg [dreg:$0x12];
	(pc) =	sbr.rel .LBB2_6-.Ltmp5, $4  }
0x1c3: {  	s9 =	simm.s32 $0x280;
	s11 =	rddreg [dreg:$0x11];
	s2 =	sadd.s32 s29, s2  }
0x1c4: {  	[tilespmem:s9], [sflag:$0xE] =	stream.linear.gather [hbm4b:s2+s1], $0x80, $0x38;
	[tilespmem:$0x14BA0] =	vst v63  }
0x1c5: {  	s13 =	simm.s32 $0x680;
	s2 =	sadd.s32 s29, s11;
	s29 =	sadd.s32 $0x80, s29  }
0x1c6: {  	[tilespmem:s13], [sflag:$0xE] =	stream.linear.gather [hbm4b:s2+s1], $0x80, $0x38;
	[tilespmem:$0x14BA0] =	vst v63  }
.LBB2_9:
0x1c7: {  	_ =	sfence.sel $0x180000  }
0x1c8: {  	[bflag:$0x0] =	sbarrier.arrive $0xFFFF  }
0x1c9: {  	_ =	strace $0x90000047  }
0x1ca: {  	s0 =	stileid.u32;
	[bflag:$0x2] =	sbarrier.arrive $0xFFFF  }
0x1cb: {  	p0 =	sne.s32 s0, $0x0;
	s0 =	rddreg [dreg:$0x3]  }
0x1cc: {  	s0 =	sadd.s32 @!p0 $0x100000, s0  }
0x1cd: {  	[sflag:s0] =	ssyncadd.tile.s32 @!p0 $0x1;
	_ =	shalt  }
.Lfunc_end2:
_tile_overlayer_lowered:
.L_overlay_start_2:
0x1ce: {  	(tag) =	ssettag $0x2  }
0x1cf: {  	s0 =	rddreg [dreg:$0x0];
	s2 =	stileid.u32  }
0x1d0: {  	s1 =	rddreg [dreg:$0x1];
	p0 =	sne.s32 s2, $0x0  }
0x1d1: {  	s3 =	rddreg [dreg:$0x2];
	[bflag:$0x3] =	sbarrier.arrive $0xFFFF;
	s2 =	simm.s32 @!p0 $0x1C11  }
0x1d2: {  	[timem:s3], [sflag:s2] =	dma.local @!p0 [hbm:s0], s1  }
0x1d3: {  	s0 =	simm.s32 @!p0 $0x11  }
0x1d4: {  	_ =	swait.ge @!p0 [sflag:s0], s1  }
0x1d5: {  	s1 =	ssub.s32 @!p0 $0x0, s1;
	[sflag:s0] =	ssyncset.done @!p0 $0x0  }
0x1d6: {  	[sflag:s0] =	ssyncadd.s32 @!p0 s1  }
0x1d7: {  	[bflag:$0x3] =	sbarrier.arrive $0xFFFF  }
0x1d8: {  	_ =	shalt  }

// kernel: kernel.9.cloned.1.call-start
scs
__scs_entry_jumppad:
0x0: {  	(pc) =	sbr.rel $0x88, $3  }
0x1: {  	(tag) =	ssettag $0x0;
	lr =	simm.s32 $0x1  }
0x2: {  	[smem:$0x3F9B] =	sst lr;
	_ =	strace $0xD0000000  }
0x3: {  	_ = 	snop  }
0x4: {  	_ = 	snop  }
0x5: {  	_ = 	snop  }
0x6: {  	_ = 	snop  }
0x7: {  	_ = 	snop  }
__scs_overlays_trampoline_lowered:
0x8: {  	[smem:$0x3FAA] =	sst s0  }
0x9: {  	[smem:$0x3FAB] =	sst s1  }
0xa: {  	[smem:$0x3FAC] =	sst s2  }
0xb: {  	[smem:$0x3FAD] =	sst s3  }
0xc: {  	[smem:$0x3FAE] =	sst s4  }
0xd: {  	[smem:$0x3FAF] =	sst s5  }
0xe: {  	[smem:$0x3FB0] =	sst s6  }
0xf: {  	[smem:$0x3FB1] =	sst s7  }
0x10: {  	[smem:$0x3FB2] =	sst s8  }
0x11: {  	[smem:$0x3FB3] =	sst s9;
	s0 =	simm.s32 @!p0 $0x0  }
0x12: {  	s1 =	sld [smem:$0x3F99];
	s0 =	simm.s32 @p0 $0x1  }
0x13: {  	[smem:$0x3FB4] =	sst s0;
	s0 =	simm.s32 @!p1 $0x0  }
0x14: {  	s2 =	sld [smem:$0x3F98];
	s0 =	simm.s32 @p1 $0x1  }
0x15: {  	[smem:$0x3FB5] =	sst s0;
	s0 =	simm.s32 @!p2 $0x0  }
0x16: {  	s3 =	sld [smem:$0x3FDB];
	s0 =	simm.s32 @p2 $0x1  }
0x17: {  	s4 =	simm.s32 $0x1BF5;
	[smem:$0x3FB7] =	sst s0  }
0x18: {  	s0 =	sld [smem:$0x3F9A];
	_ =	swait.ge [sflag:s4], $0x0  }
0x19: {  	s7 =	sld [smem:$0x3F9B]  }
0x1a: {  	s8 =	sadd.s32 $0xFFFFE003, lr  }
0x1b: {  	s9 =	sadd.s32 $0xFFFFFEF7, lr;
	s5 =	simm.s32 $0xFFFFFFFF;
	p2 =	slt.u32 s8, $0xFFFFF086  }
0x1c: {  	p1 =	slt.u32 s9, $0xF7A;
	s5 =	simm.s32 @!p2 $0x0  }
0x1d: {  	s5 =	simm.s32 @p1 $0x1;
	p0 =	seq.s32 s7, s2  }
0x1e: {  	s7 =	smul.u32 @!p0 $0xF7A, s2;
	p2 =	seq.s32 @!p0 s5, $0x0  }
0x1f: {  	s9 =	smul.u32 $0xF7A, s1;
	s8 =	simm.s32 @!p0 $0x1BF5;
	p2 =	por !p2, p0  }
0x20: {  	[sflag:s8] =	ssyncset.s32 @!p0 $0xFFFFF086;
	s6 =	sadd.s32 @!p0 s3, s7;
	s7 =	simm.s32 @!p0 $0x108  }
0x21: {  	s3 =	sadd.s32 s3, s9;
	s6 =	sadd.s32 @!p0 $0x88, s6;
	s7 =	simm.s32 @p2 $0x1082  }
0x22: {  	[simem:s7], [sflag:s8] =	dma.local @!p0 [hbm:s6], $0xF7A  }
0x23: {  	s9 =	sor.u32 $0xD0000000, s2;
	s6 =	simm.s32 $0x108;
	_ =	swait.ge @!p0 [sflag:s8], $0x0  }
0x24: {  	s3 =	sadd.s32 $0x88, s3;
	s6 =	simm.s32 @!p1 $0x1082;
	[sflag:s4] =	ssyncset.s32 $0xFFFFF086  }
0x25: {  	[simem:s6], [sflag:s4] =	dma.local [hbm:s3], $0xF7A  }
0x26: {  	[smem:$0x3F9B] =	sst s1;
	(tag) =	ssettag s2;
	_ =	strace s9  }
0x27: {  	s1 =	sld [smem:$0x3FAB]  }
0x28: {  	s2 =	sld [smem:$0x3FAC]  }
0x29: {  	s4 =	sld [smem:$0x3FAE]  }
0x2a: {  	p0 =	seq.s32 s5, $0x0;
	s5 =	sld [smem:$0x3FAF]  }
0x2b: {  	s6 =	sld [smem:$0x3FB0]  }
0x2c: {  	s7 =	sld [smem:$0x3FB1]  }
0x2d: {  	s3 =	simm.s32 $0x108;
	s8 =	sld [smem:$0x3FB2]  }
0x2e: {  	s3 =	simm.s32 @!p0 $0x1082;
	s9 =	sld [smem:$0x3FB3]  }
0x2f: {  	lr =	sadd.s32 s0, s3;
	s0 =	sld [smem:$0x3FAA]  }
0x30: {  	s3 =	sld [smem:$0x3FAD]  }
0x31: {  	[smem:$0x3FB6] =	sst s10  }
0x32: {  	s10 =	sld [smem:$0x3FB4];
	_ =	sdelay $0x3  }
0x33: {  	p0 =	seq.s32 s10, $0x1;
	s10 =	sld [smem:$0x3FB6];
	_ =	sdelay $0x3  }
0x34: {  	[smem:$0x3FB6] =	sst s10  }
0x35: {  	s10 =	sld [smem:$0x3FB5];
	_ =	sdelay $0x3  }
0x36: {  	p1 =	seq.s32 s10, $0x1;
	s10 =	sld [smem:$0x3FB6];
	_ =	sdelay $0x3  }
0x37: {  	[smem:$0x3FB6] =	sst s10  }
0x38: {  	s10 =	sld [smem:$0x3FB7]  }
0x39: {  	_ = 	snop;
	(pc) =	sbr.ind lr, $3  }
0x3a: {  	_ = 	snop  }
0x3b: {  	_ = 	snop  }
0x3c: {  	p2 =	seq.s32 s10, $0x1;
	s10 =	sld [smem:$0x3FB6]  }
0x3d: {  	_ =	shalt  }
0x3e: {  	_ =	shalt  }
0x3f: {  	_ =	shalt  }
0x40: {  	_ =	shalt  }
0x41: {  	_ =	shalt  }
0x42: {  	_ =	shalt  }
0x43: {  	_ =	shalt  }
0x44: {  	_ =	shalt  }
0x45: {  	_ =	shalt  }
0x46: {  	_ =	shalt  }
0x47: {  	_ =	shalt  }
0x48: {  	_ =	shalt  }
0x49: {  	_ =	shalt  }
0x4a: {  	_ =	shalt  }
0x4b: {  	_ =	shalt  }
0x4c: {  	_ =	shalt  }
0x4d: {  	_ =	shalt  }
0x4e: {  	_ =	shalt  }
0x4f: {  	_ =	shalt  }
0x50: {  	_ =	shalt  }
0x51: {  	_ =	shalt  }
0x52: {  	_ =	shalt  }
0x53: {  	_ =	shalt  }
0x54: {  	_ =	shalt  }
0x55: {  	_ =	shalt  }
0x56: {  	_ =	shalt  }
0x57: {  	_ =	shalt  }
0x58: {  	_ =	shalt  }
0x59: {  	_ =	shalt  }
0x5a: {  	_ =	shalt  }
0x5b: {  	_ =	shalt  }
0x5c: {  	_ =	shalt  }
0x5d: {  	_ =	shalt  }
0x5e: {  	_ =	shalt  }
0x5f: {  	_ =	shalt  }
0x60: {  	_ =	shalt  }
0x61: {  	_ =	shalt  }
0x62: {  	_ =	shalt  }
0x63: {  	_ =	shalt  }
0x64: {  	_ =	shalt  }
0x65: {  	_ =	shalt  }
0x66: {  	_ =	shalt  }
0x67: {  	_ =	shalt  }
0x68: {  	_ =	shalt  }
0x69: {  	_ =	shalt  }
0x6a: {  	_ =	shalt  }
0x6b: {  	_ =	shalt  }
0x6c: {  	_ =	shalt  }
0x6d: {  	_ =	shalt  }
0x6e: {  	_ =	shalt  }
0x6f: {  	_ =	shalt  }
0x70: {  	_ =	shalt  }
0x71: {  	_ =	shalt  }
0x72: {  	_ =	shalt  }
0x73: {  	_ =	shalt  }
0x74: {  	_ =	shalt  }
0x75: {  	_ =	shalt  }
0x76: {  	_ =	shalt  }
0x77: {  	_ =	shalt  }
0x78: {  	_ =	shalt  }
0x79: {  	_ =	shalt  }
0x7a: {  	_ =	shalt  }
0x7b: {  	_ =	shalt  }
0x7c: {  	_ =	shalt  }
0x7d: {  	_ =	shalt  }
0x7e: {  	_ =	shalt  }
0x7f: {  	_ =	shalt  }
0x80: {  	_ =	shalt  }
0x81: {  	_ =	shalt  }
0x82: {  	_ =	shalt  }
0x83: {  	_ =	shalt  }
0x84: {  	_ =	shalt  }
0x85: {  	_ =	shalt  }
0x86: {  	_ =	shalt  }
0x87: {  	_ =	shalt  }
.Lfunc_end0:
.L_simem_size_0:
called_computation.1_lowered:
.L_overlay_start_0:
0x88: {  	s2 =	sld [smem:$0x3FD9]  }
0x89: {  	s3 =	sld [smem:$0x3FFE];
	_ =	sdelay $0x1  }
0x8a: {  	s1 =	srdreg.scid  }
0x8b: {  	s0 =	sand.u32 $0x1, s1  }
0x8c: {  	s17 =	sshll.u32 s0, $0xA;
	s2 =	sadd.s32 s3, s2  }
0x8d: {  	s2 =	sadd.s32 s2, s17  }
0x8e: {  	[smem:$0x3FC2] =	sst s2  }
0x8f: {  	_ = 	snop  }
0x90: {  	s2 =	sld [smem:$0x3FD0];
	(tm) =	ssettm $0x1  }
0x91: {  	s18 =	sld [smem:$0x3FFB];
	_ =	sdelay $0x3  }
0x92: {  	_ =	strace s18  }
0x93: {  	s3 =	sld [smem:$0x3FFC];
	_ =	sdelay $0x3  }
0x94: {  	_ =	strace s3  }
0x95: {  	s3 =	sld [smem:$0x3FFD];
	_ =	sdelay $0x3  }
0x96: {  	_ =	strace s3  }
0x97: {  	_ =	strace $0x8FFFFFFF  }
0x98: {  	s19 =	sld [smem:$0x3FDB];
	_ =	sdelay $0x1  }
0x99: {  	s4 =	simm.s32 $_scs_section_size  }
0x9a: {  	s5 =	simm.s32 $_size__tile_overlayer_lowered;
	s6 =	simm.s32 $_tile_overlayer_lowered  }
0x9b: {  	s22 =	simm.s32 $0x1BFF;
	s21 =	sshll.u32 s6, $0x1;
	s3 =	sadd.s32 s4, s19  }
0x9c: {  	s7 =	simm.s32 $0x0;
	s20 =	sshll.u32 s5, $0x1;
	s5 =	sadd.s32 s21, s3  }
0x9d: {  	[timem:s7], [sflag:s22] =	dma.local [hbm:s5], s20  }
0x9e: {  	_ =	swait.ge [sflag:s22], s20  }
0x9f: {  	s4 =	ssub.s32 $0x0, s20;
	[sflag:s22] =	ssyncset.done $0x0  }
0xa0: {  	[sflag:s22] =	ssyncadd.s32 s4;
	_ =	sdelay $0x1  }
0xa1: {  	s23 =	simm.s32 $0x1B8B  }
0xa2: {  	_ =	swait.ge [sflag:s23], $0x1  }
0xa3: {  	[sflag:s23] =	ssyncset.done $0x0  }
0xa4: {  	s25 =	simm.s32 $0x1B8E;
	s24 =	sld [smem:$0x3FFE];
	[sflag:s23] =	ssyncadd.s32 $0xFFFFFFFF  }
0xa5: {  	s26 =	simm.s32 $execute0_lowered;
	[smem:$0x3FD2] =	sst s25  }
0xa6: {  	s5 =	sshll.u32 s26, $0x1;
	_ =	strace $0x80000049;
	[dreg:$0x1] =	wrdreg $0xFFFFFFFF  }
0xa7: {  	s28 =	simm.s32 $_size_execute0_lowered;
	s3 =	sadd.s32 s3, s5;
	[dreg:$0x0] =	wrdreg $0x0  }
0xa8: {  	s5 =	sshll.u32 s28, $0x1;
	[dreg:$0x2] =	wrdreg s3  }
0xa9: {  	[dreg:$0x3] =	wrdreg s5  }
0xaa: {  	[dreg:$0x4] =	wrdreg $0xC0  }
0xab: {  	_ =	task [dreg:s7], $0x5FFFF  }
0xac: {  	[dreg:$0x1] =	wrdreg $0xFFFFFFFF  }
0xad: {  	[dreg:$0x0] =	wrdreg $0x60  }
0xae: {  	[dreg:$0x2] =	wrdreg s24  }
0xaf: {  	[dreg:$0x3] =	wrdreg s2  }
0xb0: {  	[dreg:$0x4] =	wrdreg $0x48000  }
0xb1: {  	[dreg:$0x5] =	wrdreg $0x9  }
0xb2: {  	_ =	task.clear_ibuf [dreg:s7], $0x6FFFF;
	_ =	strace $0x90000049  }
0xb3: {  	s29 =	simm.s32 $0x9;
	_ =	strace $0x8000004B  }
0xb4: {  	_ =	swait.ge [sflag:s29], $0x1  }
0xb5: {  	[sflag:s29] =	ssyncadd.s32 $0xFFFFFFFF  }
0xb6: {  	_ =	strace $0x9000004B  }
0xb7: {  	_ =	sfence  }
0xb8: {  	s30 =	sld [smem:$0x0];
	_ =	sdelay $0x2  }
0xb9: {  	s31 =	sshll.u32 s1, $0xD;
	s1 =	sshrl.u32 s1, $0x2  }
0xba: {  	s3 =	sand.u32 $0x4000, s31;
	s1 =	sadd.s32 s1, s30  }
0xbb: {  	s0 =	sor.u32 s3, s0;
	s1 =	sshll.u32 s1, $0x11  }
0xbc: {  	s0 =	sor.u32 s1, s0  }
0xbd: {  	s0 =	sadd.s32 $0x8F2B, s0  }
0xbe: {  	[sflag:s0] =	ssyncadd.remote.s32 $0x1  }
0xbf: {  	_ =	sfence.sel $0xFFFF  }
0xc0: {  	[dreg:$0x0] =	wrdreg $0xFFFFFFFF;
	(pc) =	sbr.abs _section_cstart, $3  }
0xc1: {  	[dreg:$0x1] =	wrdreg $0xFFFFFFFF  }
0xc2: {  	_ =	task.clear_ibuf [dreg:s7], $0x2FFFF;
	_ =	strace $0x9FFFFFFF  }
0xc3: {  	(tm) =	ssettm $0x7FFFFFFF  }
tec
execute0_lowered:
.L_overlay_start_1:
0x0: {  	(tag) =	ssettag $0x1  }
0x1: {  	s0 =	srdreg.scid;
	s7 =	rddreg [dreg:$0x1]  }
0x2: {  	s12 =	stileid.u32;
	s31 =	rddreg [dreg:$0x2];
	s28 =	simm.s32 $0xE  }
0x3: {  	s29 =	simm.s32 $0x4;
	s30 =	simm.s32 $0x6;
	s6 =	sand.u32 $0x1, s0  }
0x4: {  	s0 =	rddreg [dreg:$0x0];
	s25 =	smul.u32 $0x2800, s12;
	p0 =	sne.s32 s12, $0xF  }
0x5: {  	s1 =	sshll.u32 s6, $0x4;
	s5 =	ssub.s32 $0x2, s6;
	s21 =	smul.u32 $0x9C400, s6  }
0x6: {  	s4 =	sadd.s32 $0x1200, s0;
	s6 =	smul.u32 $0x28000, s6;
	s2 =	sor.u32 s12, s1  }
0x7: {  	s1 =	simm.s32 $0x0;
	s8 =	sshrl.u32 s5, $0x1;
	s3 =	smul.u32 $0x2800, s2  }
0x8: {  	[smem:$0x7FF] =	sst s1;
	s2 =	sadd.s32 $0xB200, s0;
	s6 =	sadd.s32 s25, s6  }
0x9: {  	s9 =	sshrl.u32 s3, $0x3;
	s3 =	ssub.s32 s5, s8;
	s5 =	smul.u32 $0x9C00, s12  }
0xa: {  	s15 =	sadd.s32 s2, s9;
	s16 =	sadd.s32 s4, s9;
	s17 =	sor.u32 $0x10, s9  }
0xb: {  	s10 =	sor.u32 $0x20, s9;
	s20 =	sor.u32 $0x30, s9;
	[dreg:$0x4] =	wrdreg s15  }
0xc: {  	s23 =	sor.u32 $0x40, s9;
	[dreg:$0x5] =	wrdreg s16;
	s11 =	sadd.s32 s2, s17  }
0xd: {  	s9 =	sor.u32 $0x50, s9;
	s8 =	sadd.s32 s4, s17;
	[dreg:$0x6] =	wrdreg s11  }
0xe: {  	s18 =	sadd.s32 s2, s10;
	s19 =	sadd.s32 s4, s10;
	[dreg:$0x7] =	wrdreg s8  }
0xf: {  	s22 =	sadd.s32 s2, s20;
	s24 =	sadd.s32 s2, s23;
	[dreg:$0x8] =	wrdreg s18  }
0x10: {  	s26 =	sadd.s32 s5, s21;
	s13 =	sadd.s32 s2, s9;
	[dreg:$0x9] =	wrdreg s19  }
0x11: {  	s15 =	sor.u32 $0x680, s6;
	s16 =	sshrl.u32 s21, $0x4;
	[dreg:$0xa] =	wrdreg s22  }
0x12: {  	s17 =	sor.u32 $0x600, s6;
	s21 =	sor.u32 $0x580, s6;
	[dreg:$0xc] =	wrdreg s24  }
0x13: {  	s8 =	sadd.s32 s4, s20;
	s11 =	sadd.s32 s4, s23;
	[dreg:$0xe] =	wrdreg s13  }
0x14: {  	s13 =	sadd.s32 s4, s9;
	s19 =	sshrl.u32 s17, $0x3;
	[dreg:$0xb] =	wrdreg s8  }
0x15: {  	s22 =	sor.u32 $0x500, s6;
	s24 =	sor.u32 $0x480, s6;
	[dreg:$0xd] =	wrdreg s11  }
0x16: {  	s17 =	smul.u32 $0x13800, s12;
	s11 =	sshrl.u32 s26, $0x4;
	[dreg:$0xf] =	wrdreg s13  }
0x17: {  	s8 =	sshrl.u32 s15, $0x3;
	s20 =	sadd.s32 s19, s4;
	s9 =	sadd.s32 s19, s2  }
0x18: {  	s25 =	sshrl.u32 s24, $0x3;
	s14 =	sadd.s32 s7, s11;
	[dreg:$0x13] =	wrdreg s20  }
0x19: {  	s7 =	sadd.s32 s7, s16;
	s18 =	sadd.s32 s8, s4;
	[dreg:$0x14] =	wrdreg s9  }
0x1a: {  	s8 =	sadd.s32 s8, s2;
	s9 =	sshrl.u32 s22, $0x3;
	[dreg:$0x10] =	wrdreg s14  }
0x1b: {  	s10 =	sadd.s32 s25, s4;
	s11 =	sor.u32 $0x400, s6;
	[dreg:$0x11] =	wrdreg s18  }
0x1c: {  	s19 =	sshrl.u32 s17, $0x2;
	[dreg:$0x12] =	wrdreg s8;
	s8 =	sshrl.u32 s21, $0x3  }
0x1d: {  	s26 =	sadd.s32 s9, s4;
	s9 =	sadd.s32 s9, s2;
	[dreg:$0x19] =	wrdreg s10  }
0x1e: {  	s13 =	sshrl.u32 s11, $0x3;
	s14 =	sor.u32 $0x380, s6;
	s6 =	sor.u32 $0x300, s6  }
0x1f: {  	s18 =	sshrl.u32 s5, $0x1;
	s20 =	sadd.s32 s19, s31;
	s24 =	sadd.s32 $0x9C00, s7  }
0x20: {  	s11 =	simm.s32 $0x800;
	s7 =	simm.s32 $0x600;
	[dreg:$0x17] =	wrdreg s26  }
0x21: {  	s5 =	simm.s32 $0x1800;
	s23 =	sadd.s32 s8, s4;
	[dreg:$0x18] =	wrdreg s9  }
0x22: {  	s19 =	simm.s32 $0xC;
	s8 =	sadd.s32 s8, s2;
	[dreg:$0x15] =	wrdreg s23  }
0x23: {  	s15 =	sadd.s32 s13, s4;
	s16 =	sshrl.u32 s14, $0x3;
	[dreg:$0x16] =	wrdreg s8  }
0x24: {  	s6 =	sshrl.u32 s6, $0x3;
	s8 =	sadd.s32 s25, s2;
	[dreg:$0x1b] =	wrdreg s15  }
0x25: {  	s17 =	sadd.s32 s18, s31;
	s9 =	sadd.s32 s16, s4;
	[dreg:$0x1a] =	wrdreg s8  }
0x26: {  	s21 =	sadd.s32 $0x1000, s20;
	s4 =	sadd.s32 s6, s4;
	[dreg:$0x1d] =	wrdreg s9  }
0x27: {  	s22 =	sadd.s32 $0x2000, s20;
	s8 =	sadd.s32 s13, s2;
	[dreg:$0x1f] =	wrdreg s4  }
0x28: {  	s26 =	sadd.s32 $0x4E000, s31;
	[dreg:$0x1c] =	wrdreg s8;
	s8 =	sadd.s32 s16, s2  }
0x29: {  	s14 =	simm.s32 $0x80;
	s2 =	sadd.s32 s6, s2;
	[dreg:$0x1e] =	wrdreg s8  }
0x2a: {  	s18 =	simm.s32 $0x580;
	s23 =	sadd.s32 $0x3000, s20;
	[smem:$0x7F5] =	sst s2  }
0x2b: {  	s25 =	smax.u32 s3, $0x1;
	_ =	strace $0x8000004A;
	[smem:$0x7F6] =	sst s21  }
0x2c: {  	s15 =	simm.s32 $0x1;
	s9 =	simm.s32 $0x280;
	[smem:$0x7F7] =	sst s22  }
0x2d: {  	s2 =	sadd.s32 $0x15200, s0;
	s0 =	sadd.s32 $0x4000, s20;
	[smem:$0x7F8] =	sst s23  }
0x2e: {  	s4 =	simm.s32 $0x0;
	s6 =	simm.s32 $0xB;
	[smem:$0x7F9] =	sst s0  }
.Ltmp0:
0x2f: {  	s16 =	simm.s32 $0x1800;
	[smem:$0x7FA] =	sst s24;
	(pc) =	sbr.rel .LBB2_1-.Ltmp0, $4  }
0x30: {  	s20 =	simm.s32 $0x2;
	s8 =	simm.s32 $0x10;
	[smem:$0x7FB] =	sst s25  }
0x31: {  	[smem:$0x7FC] =	sst s26;
	s22 =	simm.s32 $0x2800;
	s23 =	simm.s32 $0x780  }
0x32: {  	s24 =	simm.s32 $0xD;
	s25 =	simm.s32 $0x3;
	s26 =	simm.s32 $0x5  }
0x33: {  	v0 =	vimm.bf16 $0.0e+00;
	s0 =	simm.s32 $0xF;
	[smem:$0x7FD] =	sst s17;
	s21 =	simm.s32 $0x2800  }
.LBB2_6:
0x34: {  	_ =	swait.ge [sflag:s25], $0x1000  }
0x35: {  	[sflag:s25] =	ssyncset.done $0x0  }
0x36: {  	[sflag:s25] =	ssyncadd.s32 $0xFFFFF000  }
0x37: {  	[spmem:s31] =	stream.indirect.scatter.add.bf16 [tilespmem:s22], [sflag:$0x7], $0x20, s9, s14, $0xb8;
	[tilespmem:$0x9640] =	vst v63  }
0x38: {  	_ =	swait.ge [sflag:s26], $0x1000  }
0x39: {  	[sflag:s26] =	ssyncset.done $0x0  }
0x3a: {  	[sflag:s26] =	ssyncadd.s32 $0xFFFFF000  }
0x3b: {  	_ =	swait.ge [sflag:s29], $0x1000  }
0x3c: {  	[sflag:s29] =	ssyncset.done $0x0  }
0x3d: {  	[sflag:s29] =	ssyncadd.s32 $0xFFFFF000  }
0x3e: {  	[spmem:s31] =	stream.indirect.scatter.add.bf16 [tilespmem:s11], [sflag:$0x8], $0x20, s4, s14, $0xb8;
	[tilespmem:$0x9640] =	vst v63  }
0x3f: {  	_ =	swait.ge [sflag:s30], $0x1000  }
0x40: {  	[sflag:s30] =	ssyncset.done $0x0  }
0x41: {  	s3 =	simm.s32 $0x7;
	[sflag:s30] =	ssyncadd.s32 $0xFFFFF000  }
0x42: {  	_ =	swait.ge [sflag:s3], $0x1000  }
0x43: {  	[sflag:s3] =	ssyncset.done $0x0  }
0x44: {  	s11 =	simm.s32 $0x8;
	[sflag:s3] =	ssyncadd.s32 $0xFFFFF000  }
0x45: {  	_ =	swait.ge [sflag:s11], $0x1000  }
0x46: {  	[sflag:s11] =	ssyncset.done $0x0  }
0x47: {  	[sflag:s11] =	ssyncadd.s32 $0xFFFFF000  }
0x48: {  	[bflag:$0x0] =	sbarrier.arrive $0xFFFF  }
0x49: {  	s17 =	sld [smem:$0x7FD]  }
0x4a: {  	s12 =	stileid.u32  }
0x4b: {  	s13 =	simm.s32 $0x11;
	s3 =	sshll.u32 s12, $0x6  }
0x4c: {  	s3 =	sor.u32 $0x1C11, s3;
	s12 =	rddreg [dreg:$0x10];
	s10 =	sshrl.u32 s17, $0x3  }
0x4d: {  	[hbm:s12], [sflag:s3] =	dma.local [spmem:s10], $0x9C0  }
0x4e: {  	_ =	swait.ge [sflag:s13], $0x9C0  }
0x4f: {  	s10 =	sld [smem:$0x7FC]  }
0x50: {  	s12 =	sld [smem:$0x7FA]  }
0x51: {  	[sflag:s13] =	ssyncset.done $0x0  }
0x52: {  	[sflag:s13] =	ssyncadd.s32 $0xFFFFF640;
	s10 =	sshrl.u32 @!p0 s10, $0x3  }
0x53: {  	[hbm:s12], [sflag:s3] =	dma.local @!p0 [spmem:s10], $0x40  }
0x54: {  	s3 =	simm.s32 @!p0 $0x11  }
0x55: {  	_ =	swait.ge @!p0 [sflag:s3], $0x40  }
0x56: {  	s18 =	sld [smem:$0x7F4]  }
0x57: {  	s23 =	sld [smem:$0x7FB];
	_ =	sdelay $0x1  }
0x58: {  	s4 =	sadd.s32 $0x1, s18  }
0x59: {  	p1 =	sne.s32 s4, s23  }
.Ltmp1:
0x5a: {  	_ = 	snop;
	(pc) =	sbr.rel @!p1 .LBB2_7-.Ltmp1, $4  }
0x5b: {  	_ = 	snop  }
0x5c: {  	s7 =	simm.s32 $0x600;
	s5 =	simm.s32 $0x1800  }
0x5d: {  	s9 =	simm.s32 $0x280;
	s11 =	simm.s32 $0x800;
	[sflag:s3] =	ssyncset.done @!p0 $0x0  }
0x5e: {  	[sflag:s3] =	ssyncadd.s32 @!p0 $0xFFFFFFC0;
	s18 =	simm.s32 $0x580;
	s23 =	simm.s32 $0x780  }
.LBB2_1:
0x5f: {  	[smem:$0x7F4] =	sst s4;
	s3 =	simm.s32 $0x80;
	s10 =	simm.s32 $0x0  }
.LBB2_2:
0x60: {  	p1 =	sne.s32 s3, $0x3F80;
	[tilespmem:s10+$0x800] =	vst v0;
	s12 =	smov.u32 s3;
	s3 =	sadd.s32 $0x80, s3  }
.Ltmp2:
0x61: {  	[tilespmem:s10+$0x810] =	vst v0;
	(pc) =	sbr.rel @p1 .LBB2_2-.Ltmp2, $2  }
0x62: {  	_ =	sdelay $0x2  }
0x63: {  	s10 =	sshra.s32 s12, $0x2  }
0x64: {  	[tilespmem:s10+$0x800] =	vst v0  }
0x65: {  	[tilespmem:s10+$0x810] =	vst v0  }
0x66: {  	[spmem:s17] =	stream.linear.scatter [tilespmem:s11], [sflag:$0x11], $0x1000, $0x38;
	[tilespmem:$0x9640] =	vst v63  }
0x67: {  	s17 =	simm.s32 $0x11  }
0x68: {  	_ =	swait.ge [sflag:s17], $0x1000  }
0x69: {  	s3 =	sld [smem:$0x7F6]  }
0x6a: {  	[sflag:s17] =	ssyncset.done $0x0  }
0x6b: {  	[sflag:s17] =	ssyncadd.s32 $0xFFFFF000  }
0x6c: {  	[spmem:s3] =	stream.linear.scatter [tilespmem:s11], [sflag:$0x11], $0x1000, $0x38;
	[tilespmem:$0x9640] =	vst v63  }
0x6d: {  	_ =	swait.ge [sflag:s17], $0x1000  }
0x6e: {  	s4 =	sld [smem:$0x7F7]  }
0x6f: {  	[sflag:s17] =	ssyncset.done $0x0  }
0x70: {  	[sflag:s17] =	ssyncadd.s32 $0xFFFFF000  }
0x71: {  	[spmem:s4] =	stream.linear.scatter [tilespmem:s11], [sflag:$0x11], $0x1000, $0x38;
	[tilespmem:$0x9640] =	vst v63  }
0x72: {  	_ =	swait.ge [sflag:s17], $0x1000  }
0x73: {  	s12 =	sld [smem:$0x7F8]  }
0x74: {  	[sflag:s17] =	ssyncset.done $0x0  }
0x75: {  	[sflag:s17] =	ssyncadd.s32 $0xFFFFF000  }
0x76: {  	[spmem:s12] =	stream.linear.scatter [tilespmem:s11], [sflag:$0x11], $0x1000, $0x38;
	[tilespmem:$0x9640] =	vst v63  }
0x77: {  	_ =	swait.ge [sflag:s17], $0x1000  }
0x78: {  	s13 =	sld [smem:$0x7F9]  }
0x79: {  	[sflag:s17] =	ssyncset.done $0x0  }
0x7a: {  	[sflag:s17] =	ssyncadd.s32 $0xFFFFF000  }
0x7b: {  	[spmem:s13] =	stream.linear.scatter [tilespmem:s11], [sflag:$0x11], $0xE00, $0x38;
	[tilespmem:$0x9640] =	vst v63  }
0x7c: {  	_ =	swait.ge [sflag:s17], $0xE00  }
0x7d: {  	s10 =	sld [smem:$0x7FC]  }
0x7e: {  	[sflag:s17] =	ssyncset.done $0x0  }
0x7f: {  	s3 =	simm.s32 @!p0 $0x800;
	[sflag:s17] =	ssyncadd.s32 $0xFFFFF200  }
0x80: {  	[spmem:s10] =	stream.linear.scatter @!p0 [tilespmem:s3], [sflag:$0x11], $0x200, $0x38;
	[tilespmem:$0x9640] =	vst v63  }
0x81: {  	s3 =	simm.s32 @!p0 $0x11  }
0x82: {  	_ =	swait.ge @!p0 [sflag:s3], $0x200  }
0x83: {  	[sflag:s3] =	ssyncset.done @!p0 $0x0  }
0x84: {  	[sflag:s3] =	ssyncadd.s32 @!p0 $0xFFFFFE00  }
0x85: {  	[bflag:$0x0] =	sbarrier.arrive $0xFFFF  }
0x86: {  	s3 =	simm.s32 $0x0;
	s17 =	rddreg [dreg:$0x4]  }
0x87: {  	[tilespmem:s3], [sflag:$0x9] =	stream.linear.gather [hbm4b:s17+s3], $0x80, $0x38;
	[tilespmem:$0x9640] =	vst v63  }
0x88: {  	s12 =	simm.s32 $0x400;
	s4 =	rddreg [dreg:$0x5]  }
0x89: {  	[tilespmem:s12], [sflag:$0x9] =	stream.linear.gather [hbm4b:s4+s3], $0x80, $0x38;
	[tilespmem:$0x9640] =	vst v63  }
0x8a: {  	s13 =	rddreg [dreg:$0x6]  }
0x8b: {  	[tilespmem:s14], [sflag:$0xA] =	stream.linear.gather [hbm4b:s13+s3], $0x80, $0x38;
	[tilespmem:$0x9640] =	vst v63  }
0x8c: {  	s17 =	rddreg [dreg:$0x7];
	s4 =	simm.s32 $0x480  }
0x8d: {  	[tilespmem:s4], [sflag:$0xA] =	stream.linear.gather [hbm4b:s17+s3], $0x80, $0x38;
	[tilespmem:$0x9640] =	vst v63  }
0x8e: {  	s12 =	rddreg [dreg:$0x8];
	s13 =	simm.s32 $0x100  }
0x8f: {  	[tilespmem:s13], [sflag:$0xB] =	stream.linear.gather [hbm4b:s12+s3], $0x80, $0x38;
	[tilespmem:$0x9640] =	vst v63  }
0x90: {  	s17 =	rddreg [dreg:$0x9];
	s4 =	simm.s32 $0x500  }
0x91: {  	[tilespmem:s4], [sflag:$0xB] =	stream.linear.gather [hbm4b:s17+s3], $0x80, $0x38;
	[tilespmem:$0x9640] =	vst v63  }
0x92: {  	s13 =	rddreg [dreg:$0xa];
	s12 =	simm.s32 $0x180  }
0x93: {  	[tilespmem:s12], [sflag:$0xC] =	stream.linear.gather [hbm4b:s13+s3], $0x80, $0x38;
	[tilespmem:$0x9640] =	vst v63  }
0x94: {  	s17 =	rddreg [dreg:$0xb]  }
0x95: {  	[tilespmem:s18], [sflag:$0xC] =	stream.linear.gather [hbm4b:s17+s3], $0x80, $0x38;
	[tilespmem:$0x9640] =	vst v63  }
0x96: {  	s18 =	rddreg [dreg:$0xc];
	s17 =	simm.s32 $0x200  }
0x97: {  	[tilespmem:s17], [sflag:$0xD] =	stream.linear.gather [hbm4b:s18+s3], $0x80, $0x38;
	[tilespmem:$0x9640] =	vst v63  }
0x98: {  	s4 =	rddreg [dreg:$0xd]  }
0x99: {  	[tilespmem:s7], [sflag:$0xD] =	stream.linear.gather [hbm4b:s4+s3], $0x80, $0x38;
	[tilespmem:$0x9640] =	vst v63  }
0x9a: {  	s7 =	rddreg [dreg:$0xe]  }
0x9b: {  	[tilespmem:s9], [sflag:$0xE] =	stream.linear.gather [hbm4b:s7+s3], $0x80, $0x38;
	[tilespmem:$0x9640] =	vst v63  }
0x9c: {  	s13 =	rddreg [dreg:$0xf];
	s18 =	simm.s32 $0x9;
	s7 =	simm.s32 $0x680  }
0x9d: {  	[tilespmem:s7], [sflag:$0xE] =	stream.linear.gather [hbm4b:s13+s3], $0x80, $0x38;
	[tilespmem:$0x9640] =	vst v63  }
0x9e: {  	_ =	swait.ge [sflag:s18], $0x80  }
0x9f: {  	[sflag:s18] =	ssyncset.done $0x0  }
0xa0: {  	[sflag:s18] =	ssyncadd.s32 $0xFFFFFF80  }
0xa1: {  	_ =	swait.ge [sflag:s18], $0x80  }
0xa2: {  	[sflag:s18] =	ssyncset.done $0x0  }
0xa3: {  	s4 =	simm.s32 $0xA;
	[sflag:s18] =	ssyncadd.s32 $0xFFFFFF80  }
0xa4: {  	_ =	swait.ge [sflag:s4], $0x80  }
0xa5: {  	[sflag:s4] =	ssyncset.done $0x0  }
0xa6: {  	[sflag:s4] =	ssyncadd.s32 $0xFFFFFF80  }
0xa7: {  	_ =	swait.ge [sflag:s4], $0x80  }
0xa8: {  	[sflag:s4] =	ssyncset.done $0x0  }
0xa9: {  	[sflag:s4] =	ssyncadd.s32 $0xFFFFFF80  }
0xaa: {  	[tilespmem:s11], [sflag:$0x1] =	stream.indirect.gather [hbm4b:s2+s14], $0x20, s3, s14, $0xb8;
	[tilespmem:$0x9640] =	vst v63  }
0xab: {  	s9 =	simm.s32 $0x700;
	s13 =	simm.s32 $0x3800  }
0xac: {  	[tilespmem:s5], [sflag:$0x2] =	stream.indirect.gather [hbm4b:s2+s14], $0x20, s14, s14, $0xb8;
	[tilespmem:$0x9640] =	vst v63  }
.LBB2_4:
0xad: {  	_ =	swait.ge [sflag:s6], $0x80  }
0xae: {  	[sflag:s6] =	ssyncset.done $0x0  }
0xaf: {  	[sflag:s6] =	ssyncadd.s32 $0xFFFFFF80  }
0xb0: {  	_ =	swait.ge [sflag:s6], $0x80  }
0xb1: {  	[sflag:s6] =	ssyncset.done $0x0  }
0xb2: {  	[sflag:s6] =	ssyncadd.s32 $0xFFFFFF80  }
0xb3: {  	_ =	swait.ge [sflag:s15], $0x1000  }
0xb4: {  	[sflag:s15] =	ssyncset.done $0x0  }
0xb5: {  	s10 =	simm.s32 $0x400;
	p1 =	seq.s32 s3, $0x0;
	[sflag:s15] =	ssyncadd.s32 $0xFFFFF000  }
0xb6: {  	[spmem:s31] =	stream.indirect.scatter.add.bf16 [tilespmem:s11], [sflag:$0x5], $0x20, s10, s14, $0xb8;
	[tilespmem:$0x9640] =	vst v63  }
0xb7: {  	s10 =	simm.s32 @!p1 $0x7  }
0xb8: {  	_ =	swait.ge @!p1 [sflag:s10], $0x1000  }
0xb9: {  	[sflag:s10] =	ssyncset.done @!p1 $0x0;
	s11 =	sld [smem:$0x7F5]  }
0xba: {  	s4 =	simm.s32 $0x100;
	[sflag:s10] =	ssyncadd.s32 @!p1 $0xFFFFF000  }
0xbb: {  	[tilespmem:s22], [sflag:$0x3] =	stream.indirect.gather [hbm4b:s2+s14], $0x20, s4, s14, $0xb8;
	[tilespmem:$0x9640] =	vst v63  }
0xbc: {  	s18 =	rddreg [dreg:$0x1f];
	s22 =	simm.s32 $0x300;
	s10 =	sadd.s32 s3, s11  }
0xbd: {  	[tilespmem:s22], [sflag:$0xF] =	stream.linear.gather [hbm4b:s10+s1], $0x80, $0x38;
	[tilespmem:$0x9640] =	vst v63  }
0xbe: {  	s10 =	sadd.s32 s3, s18  }
0xbf: {  	[tilespmem:s9], [sflag:$0xF] =	stream.linear.gather [hbm4b:s10+s1], $0x80, $0x38;
	[tilespmem:$0x9640] =	vst v63  }
0xc0: {  	_ =	swait.ge [sflag:s19], $0x80  }
0xc1: {  	[sflag:s19] =	ssyncset.done $0x0  }
0xc2: {  	[sflag:s19] =	ssyncadd.s32 $0xFFFFFF80  }
0xc3: {  	_ =	swait.ge [sflag:s19], $0x80  }
0xc4: {  	[sflag:s19] =	ssyncset.done $0x0  }
0xc5: {  	[sflag:s19] =	ssyncadd.s32 $0xFFFFFF80  }
0xc6: {  	_ =	swait.ge [sflag:s20], $0x1000  }
0xc7: {  	[sflag:s20] =	ssyncset.done $0x0  }
0xc8: {  	s4 =	simm.s32 $0x480;
	s10 =	simm.s32 @!p1 $0x8;
	[sflag:s20] =	ssyncadd.s32 $0xFFFFF000  }
0xc9: {  	[spmem:s31] =	stream.indirect.scatter.add.bf16 [tilespmem:s5], [sflag:$0x6], $0x20, s4, s14, $0xb8;
	[tilespmem:$0x9640] =	vst v63  }
0xca: {  	_ =	swait.ge @!p1 [sflag:s10], $0x1000  }
0xcb: {  	[sflag:s10] =	ssyncset.done @!p1 $0x0  }
0xcc: {  	s5 =	rddreg [dreg:$0x1e];
	[sflag:s10] =	ssyncadd.s32 @!p1 $0xFFFFF000  }
0xcd: {  	[tilespmem:s13], [sflag:$0x4] =	stream.indirect.gather [hbm4b:s2+s14], $0x20, s12, s14, $0xb8;
	[tilespmem:$0x9640] =	vst v63  }
0xce: {  	s11 =	simm.s32 $0x380;
	s9 =	rddreg [dreg:$0x1d];
	s10 =	sadd.s32 s3, s5  }
0xcf: {  	[tilespmem:s11], [sflag:$0x10] =	stream.linear.gather [hbm4b:s10+s1], $0x80, $0x38;
	[tilespmem:$0x9640] =	vst v63  }
0xd0: {  	s10 =	sadd.s32 s3, s9  }
0xd1: {  	[tilespmem:s23], [sflag:$0x10] =	stream.linear.gather [hbm4b:s10+s1], $0x80, $0x38;
	[tilespmem:$0x9640] =	vst v63  }
0xd2: {  	_ =	swait.ge [sflag:s24], $0x80  }
0xd3: {  	[sflag:s24] =	ssyncset.done $0x0  }
0xd4: {  	[sflag:s24] =	ssyncadd.s32 $0xFFFFFF80  }
0xd5: {  	_ =	swait.ge [sflag:s24], $0x80  }
0xd6: {  	[sflag:s24] =	ssyncset.done $0x0  }
0xd7: {  	[sflag:s24] =	ssyncadd.s32 $0xFFFFFF80  }
0xd8: {  	_ =	swait.ge [sflag:s25], $0x1000  }
0xd9: {  	[sflag:s25] =	ssyncset.done $0x0  }
0xda: {  	s12 =	simm.s32 $0x500;
	[sflag:s25] =	ssyncadd.s32 $0xFFFFF000  }
0xdb: {  	[spmem:s31] =	stream.indirect.scatter.add.bf16 [tilespmem:s21], [sflag:$0x7], $0x20, s12, s14, $0xb8;
	[tilespmem:$0x9640] =	vst v63  }
0xdc: {  	_ =	swait.ge [sflag:s26], $0x1000  }
0xdd: {  	s5 =	simm.s32 $0x800;
	[sflag:s26] =	ssyncset.done $0x0  }
0xde: {  	p1 =	seq.s32 s3, $0x480;
	s10 =	rddreg [dreg:$0x1c];
	[sflag:s26] =	ssyncadd.s32 $0xFFFFF000  }
0xdf: {  	[tilespmem:s5], [sflag:$0x1] =	stream.indirect.gather [hbm4b:s2+s14], $0x20, s17, s14, $0xb8;
	[tilespmem:$0x9640] =	vst v63  }
0xe0: {  	s12 =	simm.s32 @!p1 $0x0;
	s10 =	sadd.s32 @!p1 s3, s10  }
0xe1: {  	[tilespmem:s12], [sflag:$0x9] =	stream.linear.gather @!p1 [hbm4b:s10+s12], $0x80, $0x38;
	[tilespmem:$0x9640] =	vst v63  }
0xe2: {  	s10 =	rddreg [dreg:$0x1b]  }
0xe3: {  	s17 =	simm.s32 @!p1 $0x400;
	s10 =	sadd.s32 @!p1 s3, s10  }
0xe4: {  	[tilespmem:s17], [sflag:$0x9] =	stream.linear.gather @!p1 [hbm4b:s10+s12], $0x80, $0x38;
	[tilespmem:$0x9640] =	vst v63  }
0xe5: {  	_ =	swait.ge [sflag:s28], $0x80  }
0xe6: {  	[sflag:s28] =	ssyncset.done $0x0  }
0xe7: {  	[sflag:s28] =	ssyncadd.s32 $0xFFFFFF80  }
0xe8: {  	_ =	swait.ge [sflag:s28], $0x80  }
0xe9: {  	[sflag:s28] =	ssyncset.done $0x0  }
0xea: {  	[sflag:s28] =	ssyncadd.s32 $0xFFFFFF80  }
0xeb: {  	_ =	swait.ge [sflag:s29], $0x1000  }
0xec: {  	[sflag:s29] =	ssyncset.done $0x0  }
0xed: {  	s17 =	simm.s32 $0x580;
	[sflag:s29] =	ssyncadd.s32 $0xFFFFF000  }
0xee: {  	[spmem:s31] =	stream.indirect.scatter.add.bf16 [tilespmem:s13], [sflag:$0x8], $0x20, s17, s14, $0xb8;
	[tilespmem:$0x9640] =	vst v63  }
0xef: {  	_ =	swait.ge [sflag:s30], $0x1000  }
0xf0: {  	[sflag:s30] =	ssyncset.done $0x0  }
0xf1: {  	s17 =	simm.s32 $0x280;
	s10 =	rddreg [dreg:$0x1a];
	[sflag:s30] =	ssyncadd.s32 $0xFFFFF000  }
0xf2: {  	[tilespmem:s16], [sflag:$0x2] =	stream.indirect.gather [hbm4b:s2+s14], $0x20, s17, s14, $0xb8;
	[tilespmem:$0x9640] =	vst v63  }
0xf3: {  	s10 =	sadd.s32 @!p1 s3, s10;
	s17 =	simm.s32 @!p1 $0x80  }
0xf4: {  	[tilespmem:s17], [sflag:$0xA] =	stream.linear.gather @!p1 [hbm4b:s10+s12], $0x80, $0x38;
	[tilespmem:$0x9640] =	vst v63  }
0xf5: {  	s10 =	rddreg [dreg:$0x19]  }
0xf6: {  	s17 =	simm.s32 @!p1 $0x480;
	s10 =	sadd.s32 @!p1 s3, s10  }
0xf7: {  	[tilespmem:s17], [sflag:$0xA] =	stream.linear.gather @!p1 [hbm4b:s10+s12], $0x80, $0x38;
	[tilespmem:$0x9640] =	vst v63  }
0xf8: {  	_ =	swait.ge [sflag:s0], $0x80  }
0xf9: {  	[sflag:s0] =	ssyncset.done $0x0  }
0xfa: {  	[sflag:s0] =	ssyncadd.s32 $0xFFFFFF80  }
0xfb: {  	_ =	swait.ge [sflag:s0], $0x80  }
0xfc: {  	[sflag:s0] =	ssyncset.done $0x0  }
0xfd: {  	[sflag:s0] =	ssyncadd.s32 $0xFFFFFF80  }
0xfe: {  	_ =	swait.ge [sflag:s15], $0x1000  }
0xff: {  	[sflag:s15] =	ssyncset.done $0x0  }
0x100: {  	s17 =	simm.s32 $0x600;
	[sflag:s15] =	ssyncadd.s32 $0xFFFFF000  }
0x101: {  	[spmem:s31] =	stream.indirect.scatter.add.bf16 [tilespmem:s5], [sflag:$0x5], $0x20, s17, s14, $0xb8;
	[tilespmem:$0x9640] =	vst v63  }
0x102: {  	s17 =	simm.s32 $0x7  }
0x103: {  	_ =	swait.ge [sflag:s17], $0x1000  }
0x104: {  	[sflag:s17] =	ssyncset.done $0x0  }
0x105: {  	s10 =	rddreg [dreg:$0x18];
	[sflag:s17] =	ssyncadd.s32 $0xFFFFF000  }
0x106: {  	[tilespmem:s21], [sflag:$0x3] =	stream.indirect.gather [hbm4b:s2+s14], $0x20, s22, s14, $0xb8;
	[tilespmem:$0x9640] =	vst v63  }
0x107: {  	s10 =	sadd.s32 @!p1 s3, s10;
	s17 =	simm.s32 @!p1 $0x100  }
0x108: {  	[tilespmem:s17], [sflag:$0xB] =	stream.linear.gather @!p1 [hbm4b:s10+s12], $0x80, $0x38;
	[tilespmem:$0x9640] =	vst v63  }
0x109: {  	s10 =	rddreg [dreg:$0x17]  }
0x10a: {  	s17 =	simm.s32 @!p1 $0x500;
	s10 =	sadd.s32 @!p1 s3, s10  }
0x10b: {  	[tilespmem:s17], [sflag:$0xB] =	stream.linear.gather @!p1 [hbm4b:s10+s12], $0x80, $0x38;
	[tilespmem:$0x9640] =	vst v63  }
0x10c: {  	_ =	swait.ge [sflag:s8], $0x80  }
0x10d: {  	[sflag:s8] =	ssyncset.done $0x0  }
0x10e: {  	[sflag:s8] =	ssyncadd.s32 $0xFFFFFF80  }
0x10f: {  	_ =	swait.ge [sflag:s8], $0x80  }
0x110: {  	[sflag:s8] =	ssyncset.done $0x0  }
0x111: {  	[sflag:s8] =	ssyncadd.s32 $0xFFFFFF80  }
0x112: {  	_ =	swait.ge [sflag:s20], $0x1000  }
0x113: {  	[sflag:s20] =	ssyncset.done $0x0  }
0x114: {  	s17 =	simm.s32 $0x8;
	[sflag:s20] =	ssyncadd.s32 $0xFFFFF000  }
0x115: {  	[spmem:s31] =	stream.indirect.scatter.add.bf16 [tilespmem:s16], [sflag:$0x6], $0x20, s7, s14, $0xb8;
	[tilespmem:$0x9640] =	vst v63  }
.Ltmp3:
0x116: {  	_ =	swait.ge [sflag:s17], $0x1000;
	(pc) =	sbr.rel @p1 .LBB2_6-.Ltmp3, $4  }
0x117: {  	s18 =	simm.s32 $0x180;
	s4 =	simm.s32 $0x780;
	[sflag:s17] =	ssyncset.done $0x0  }
0x118: {  	s9 =	simm.s32 $0x700;
	s23 =	simm.s32 $0x200;
	[sflag:s17] =	ssyncadd.s32 $0xFFFFF000  }
0x119: {  	[tilespmem:s13], [sflag:$0x4] =	stream.indirect.gather [hbm4b:s2+s14], $0x20, s11, s14, $0xb8;
	[tilespmem:$0x9640] =	vst v63  }
0x11a: {  	s22 =	simm.s32 $0x2800;
	s7 =	simm.s32 $0x680;
	s11 =	simm.s32 $0x3800  }
0x11b: {  	s10 =	rddreg [dreg:$0x16]  }
0x11c: {  	s17 =	rddreg [dreg:$0x15];
	s10 =	sadd.s32 s3, s10  }
0x11d: {  	[tilespmem:s18], [sflag:$0xC] =	stream.linear.gather [hbm4b:s10+s1], $0x80, $0x38;
	[tilespmem:$0x9640] =	vst v63  }
0x11e: {  	s12 =	simm.s32 $0x580;
	s10 =	sadd.s32 s3, s17;
	s18 =	simm.s32 $0x9  }
0x11f: {  	[tilespmem:s12], [sflag:$0xC] =	stream.linear.gather [hbm4b:s10+s1], $0x80, $0x38;
	[tilespmem:$0x9640] =	vst v63  }
0x120: {  	_ =	swait.ge [sflag:s18], $0x80  }
0x121: {  	[sflag:s18] =	ssyncset.done $0x0  }
0x122: {  	[sflag:s18] =	ssyncadd.s32 $0xFFFFFF80  }
0x123: {  	_ =	swait.ge [sflag:s18], $0x80  }
0x124: {  	[sflag:s18] =	ssyncset.done $0x0  }
0x125: {  	[sflag:s18] =	ssyncadd.s32 $0xFFFFFF80  }
0x126: {  	_ =	swait.ge [sflag:s25], $0x1000  }
0x127: {  	[sflag:s25] =	ssyncset.done $0x0  }
0x128: {  	[sflag:s25] =	ssyncadd.s32 $0xFFFFF000  }
0x129: {  	[spmem:s31] =	stream.indirect.scatter.add.bf16 [tilespmem:s22], [sflag:$0x7], $0x20, s9, s14, $0xb8;
	[tilespmem:$0x9640] =	vst v63  }
0x12a: {  	_ =	swait.ge [sflag:s26], $0x1000  }
0x12b: {  	[sflag:s26] =	ssyncset.done $0x0  }
0x12c: {  	[sflag:s26] =	ssyncadd.s32 $0xFFFFF000  }
0x12d: {  	[tilespmem:s5], [sflag:$0x1] =	stream.indirect.gather [hbm4b:s2+s14], $0x20, s1, s14, $0xb8;
	[tilespmem:$0x9640] =	vst v63  }
0x12e: {  	s5 =	rddreg [dreg:$0x14]  }
0x12f: {  	s9 =	rddreg [dreg:$0x13];
	s10 =	sadd.s32 s3, s5  }
0x130: {  	[tilespmem:s23], [sflag:$0xD] =	stream.linear.gather [hbm4b:s10+s1], $0x80, $0x38;
	[tilespmem:$0x9640] =	vst v63  }
0x131: {  	s13 =	simm.s32 $0xA;
	s12 =	simm.s32 $0x600;
	s10 =	sadd.s32 s3, s9  }
0x132: {  	[tilespmem:s12], [sflag:$0xD] =	stream.linear.gather [hbm4b:s10+s1], $0x80, $0x38;
	[tilespmem:$0x9640] =	vst v63  }
0x133: {  	_ =	swait.ge [sflag:s13], $0x80  }
0x134: {  	[sflag:s13] =	ssyncset.done $0x0  }
0x135: {  	[sflag:s13] =	ssyncadd.s32 $0xFFFFFF80  }
0x136: {  	_ =	swait.ge [sflag:s13], $0x80  }
0x137: {  	[sflag:s13] =	ssyncset.done $0x0  }
0x138: {  	[sflag:s13] =	ssyncadd.s32 $0xFFFFFF80  }
0x139: {  	_ =	swait.ge [sflag:s29], $0x1000  }
0x13a: {  	[sflag:s29] =	ssyncset.done $0x0  }
0x13b: {  	[sflag:s29] =	ssyncadd.s32 $0xFFFFF000  }
0x13c: {  	[spmem:s31] =	stream.indirect.scatter.add.bf16 [tilespmem:s11], [sflag:$0x8], $0x20, s4, s14, $0xb8;
	[tilespmem:$0x9640] =	vst v63  }
0x13d: {  	s18 =	simm.s32 $0x280;
	s5 =	simm.s32 $0x1800;
	_ =	swait.ge [sflag:s30], $0x1000  }
0x13e: {  	s9 =	simm.s32 $0x700;
	s12 =	simm.s32 $0x180;
	[sflag:s30] =	ssyncset.done $0x0  }
0x13f: {  	s13 =	simm.s32 $0x3800;
	s17 =	rddreg [dreg:$0x12];
	[sflag:s30] =	ssyncadd.s32 $0xFFFFF000  }
0x140: {  	[tilespmem:s16], [sflag:$0x2] =	stream.indirect.gather [hbm4b:s2+s14], $0x20, s14, s14, $0xb8;
	[tilespmem:$0x9640] =	vst v63  }
.Ltmp4:
0x141: {  	s23 =	rddreg [dreg:$0x11];
	s10 =	sadd.s32 s3, s17;
	(pc) =	sbr.rel .LBB2_4-.Ltmp4, $4  }
0x142: {  	[tilespmem:s18], [sflag:$0xE] =	stream.linear.gather [hbm4b:s10+s1], $0x80, $0x38;
	[tilespmem:$0x9640] =	vst v63  }
0x143: {  	s11 =	simm.s32 $0x800;
	s17 =	simm.s32 $0x200;
	s10 =	sadd.s32 s3, s23  }
0x144: {  	[tilespmem:s7], [sflag:$0xE] =	stream.linear.gather [hbm4b:s10+s1], $0x80, $0x38;
	[tilespmem:$0x9640] =	vst v63  }
0x145: {  	s3 =	sadd.s32 $0x80, s3;
	s23 =	simm.s32 $0x780;
	s7 =	simm.s32 $0x680  }
.LBB2_7:
0x146: {  	_ =	sfence.sel $0x180000  }
0x147: {  	[bflag:$0x0] =	sbarrier.arrive $0xFFFF  }
0x148: {  	_ =	strace $0x9000004A  }
0x149: {  	s0 =	stileid.u32;
	[bflag:$0x2] =	sbarrier.arrive $0xFFFF  }
0x14a: {  	p0 =	sne.s32 s0, $0x0;
	s0 =	rddreg [dreg:$0x3]  }
0x14b: {  	s0 =	sadd.s32 @!p0 $0x100000, s0  }
0x14c: {  	[sflag:s0] =	ssyncadd.tile.s32 @!p0 $0x1;
	_ =	shalt  }
.Lfunc_end2:
_tile_overlayer_lowered:
.L_overlay_start_2:
0x14d: {  	(tag) =	ssettag $0x2  }
0x14e: {  	s0 =	rddreg [dreg:$0x0];
	s2 =	stileid.u32  }
0x14f: {  	s1 =	rddreg [dreg:$0x1];
	p0 =	sne.s32 s2, $0x0  }
0x150: {  	s3 =	rddreg [dreg:$0x2];
	[bflag:$0x3] =	sbarrier.arrive $0xFFFF;
	s2 =	simm.s32 @!p0 $0x1C11  }
0x151: {  	[timem:s3], [sflag:s2] =	dma.local @!p0 [hbm:s0], s1  }
0x152: {  	s0 =	simm.s32 @!p0 $0x11  }
0x153: {  	_ =	swait.ge @!p0 [sflag:s0], s1  }
0x154: {  	s1 =	ssub.s32 @!p0 $0x0, s1;
	[sflag:s0] =	ssyncset.done @!p0 $0x0  }
0x155: {  	[sflag:s0] =	ssyncadd.s32 @!p0 s1  }
0x156: {  	[bflag:$0x3] =	sbarrier.arrive $0xFFFF  }
0x157: {  	_ =	shalt  }

</sc_bundles>
